<compile_context>
chip_gen: v7x
topology: tpu7x:2x2x1
jax: 0.10.2.dev20260603
libtpu: 0.0.44.dev20260713+nightly
codegen_flags: <defaults>
</compile_context>

<pallas_src>
import functools

import jax
import jax.numpy as jnp
from jax import lax
from jax.experimental import pallas as pl
from jax.experimental.pallas import tpu as pltpu
from jax.experimental.pallas import tpu_sc as plsc

_V = 100000
_D = 64
_B = 16384

_INFO = plsc.get_sparse_core_info()
_NC = _INFO.num_cores
_NS = _INFO.num_subcores
_NW = _NC * _NS
_DPW = _D // _NW
_CB = 2048
_NCH = _B // _CB
_NBUF = 4
_UNROLL = 8

_mesh = plsc.VectorSubcoreMesh(core_axis_name="c", subcore_axis_name="s")


@functools.partial(
    pl.kernel,
    mesh=_mesh,
    out_type=jax.ShapeDtypeStruct((_D, _B), jnp.float32),
    scratch_types=[
        pltpu.VMEM((_B,), jnp.int32),
        pltpu.VMEM((_V,), jnp.float32),
        pltpu.VMEM((_NBUF, _CB), jnp.float32),
        pltpu.SemaphoreType.DMA,
        pltpu.SemaphoreType.DMA,
    ],
    compiler_params=pltpu.CompilerParams(needs_layout_passes=False),
)
def _gather_t_kernel(idx_hbm, tab_hbm, out_hbm, idx_v, row_v, ob_v, sem, rsem):
    wid = lax.axis_index("s") * _NC + lax.axis_index("c")
    row_dma = pltpu.async_copy(tab_hbm.at[wid * _DPW], row_v, rsem)
    pltpu.sync_copy(idx_hbm, idx_v)
    row_dma.wait()
    pending = [None] * _NBUF
    for t in range(_DPW):
        d = wid * _DPW + t
        if t > 0:
            with jax.named_scope(f"rowload{t}"):
                pltpu.sync_copy(tab_hbm.at[d], row_v)
        for c in range(_NCH):
            buf = c % _NBUF
            if pending[buf] is not None:
                pending[buf].wait()

            with jax.named_scope(f"gather{t}_{c}"):

                @plsc.parallel_loop(0, _CB, step=16, unroll=_UNROLL)
                def _(off, c=c, buf=buf):
                    iv = idx_v[pl.ds(c * _CB + off, 16)]
                    ob_v[buf, pl.ds(off, 16)] = plsc.load_gather(row_v, [iv])
            pending[buf] = pltpu.async_copy(
                ob_v.at[buf], out_hbm.at[d, pl.ds(c * _CB, _CB)], sem
            )
    for p in pending:
        if p is not None:
            p.wait()


def kernel(actions, embedding_weight):
    if actions.ndim == 0:
        actions = actions[None]
    idx = actions.astype(jnp.int32)
    out_t = _gather_t_kernel(idx, embedding_weight.T)
    tokens = out_t.T[:, None, :]
    padding_mask = jnp.zeros((_B, 1), dtype=jnp.bool_)
    return tokens, padding_mask

# --- scband reference (transcript-rebuilt; emitter-appended) ---
"""Pipeline reference for scband-discrete-action-encoder-55070070669593 (READ-ONLY COPY).

The authoritative reference and input builder live on the scoring server;
editing this copy changes nothing except your own understanding.
"""

import jax, jax.numpy as jnp
import numpy as np

NUM_ACTIONS = 100000
HIDDEN_DIM = 64
BATCH = 16384

def setup_inputs(seed: int = 0) -> dict:
    key = jax.random.key(seed)
    k_idx, k_emb = jax.random.split(key)
    actions = jax.random.randint(k_idx, (BATCH,), 0, NUM_ACTIONS, dtype=jnp.int64 if jax.config.jax_enable_x64 else jnp.int32)
    embedding_weight = jax.random.normal(k_emb, (NUM_ACTIONS, HIDDEN_DIM), dtype=jnp.float32) * 0.02
    return {"actions": actions, "embedding_weight": embedding_weight}

def reference(actions, embedding_weight):
    # actions: int[B]; embedding_weight: float32[num_actions, hidden_dim]
    if actions.ndim == 0:
        actions = actions[None]
    actions = actions.astype(jnp.int32)
    # embedding lookup -> [B, hidden_dim], then unsqueeze(1) -> [B, 1, hidden_dim]
    tokens = jnp.take(embedding_weight, actions, axis=0)[:, None, :]
    padding_mask = jnp.zeros(tokens.shape[:2], dtype=jnp.bool_)
    return tokens, padding_mask

if __name__ == "__main__":
    import jax
    _d = setup_inputs()
    print(jax.jit(kernel)(*tuple(_d.values())))

</pallas_src>

<mosaic_0001>
#map = affine_map<(d0, d1) -> (0)>
#map1 = affine_map<(d0, d1) -> (0, 0)>
module attributes {stable_mosaic.version = 14 : i64} {
  func.func @_gather_t_kernel(%arg0: i32, %arg1: i32, %arg2: memref<16384xi32, #tpu.memory_space<hbm>>, %arg3: memref<64x100000xf32, #tpu.memory_space<hbm>>, %arg4: memref<64x16384xf32, #tpu.memory_space<hbm>>, %arg5: memref<16384xi32, #tpu.memory_space<vmem>>, %arg6: memref<100000xf32, #tpu.memory_space<vmem>>, %arg7: memref<4x2048xf32, #tpu.memory_space<vmem>>, %arg8: memref<!tpu.dma_semaphore, #tpu.memory_space<semaphore_mem>>, %arg9: memref<!tpu.dma_semaphore, #tpu.memory_space<semaphore_mem>>) attributes {dimension_semantics = [#tpu.dimension_semantics<core_parallel>, #tpu.dimension_semantics<subcore_parallel>], iteration_bounds = array<i64: 2, 16>, scalar_prefetch = 0 : i64, scratch_operands = 5 : i64, tpu.core_type = #tpu.core_type<sc_vector_subcore>, window_params = [{transform_indices = #map}, {transform_indices = #map1}, {transform_indices = #map1}]} {
    %mul3A = arith.constant 2 : i32
    %mul3A_0 = arith.muli %arg1, %mul3A : i32
    %add3A = arith.addi %mul3A_0, %arg0 : i32
    %mul3A_1 = arith.constant 2 : i32
    %mul3A_2 = arith.muli %add3A, %mul3A_1 : i32
    %dma_start3A = arith.constant 0 : i32
    %dma_start3A_3 = tpu.memref_slice %arg3[%mul3A_2, %dma_start3A] : memref<64x100000xf32, #tpu.memory_space<hbm>> -> memref<1x100000xf32, #tpu.memory_space<hbm>>
    %dma_start3A_4 = tpu.memref_squeeze %dma_start3A_3 : memref<1x100000xf32, #tpu.memory_space<hbm>> -> memref<100000xf32, #tpu.memory_space<hbm>>
    %dma_start3A_5 = arith.constant 0 : i32
    %dma_start3A_6 = tpu.memref_slice %arg3[%mul3A_2, %dma_start3A_5] : memref<64x100000xf32, #tpu.memory_space<hbm>> -> memref<1x100000xf32, #tpu.memory_space<hbm>>
    %dma_start3A_7 = tpu.memref_squeeze %dma_start3A_6 : memref<1x100000xf32, #tpu.memory_space<hbm>> -> memref<100000xf32, #tpu.memory_space<hbm>>
    tpu.enqueue_dma source(%dma_start3A_7 : memref<100000xf32, #tpu.memory_space<hbm>>) target(%arg6 : memref<100000xf32, #tpu.memory_space<vmem>>) target_semaphore(%arg9 : memref<!tpu.dma_semaphore, #tpu.memory_space<semaphore_mem>>)
    "tpu.region"() ({
      %run_scoped3A = tpu.sem_alloc : memref<!tpu.dma_semaphore, #tpu.memory_space<semaphore_mem>>
      tpu.enqueue_dma source(%arg2 : memref<16384xi32, #tpu.memory_space<hbm>>) target(%arg5 : memref<16384xi32, #tpu.memory_space<vmem>>) target_semaphore(%run_scoped3A : memref<!tpu.dma_semaphore, #tpu.memory_space<semaphore_mem>>)
      tpu.wait_dma2 semaphore(%run_scoped3A : memref<!tpu.dma_semaphore, #tpu.memory_space<semaphore_mem>>) src(%arg2 : memref<16384xi32, #tpu.memory_space<hbm>>) dst(%arg5 : memref<16384xi32, #tpu.memory_space<vmem>>)
      tpu.yield
    }) : () -> ()
    %dma_wait3A = arith.constant 0 : i32
    %dma_wait3A_8 = tpu.memref_slice %arg3[%mul3A_2, %dma_wait3A] : memref<64x100000xf32, #tpu.memory_space<hbm>> -> memref<1x100000xf32, #tpu.memory_space<hbm>>
    %dma_wait3A_9 = tpu.memref_squeeze %dma_wait3A_8 : memref<1x100000xf32, #tpu.memory_space<hbm>> -> memref<100000xf32, #tpu.memory_space<hbm>>
    %dma_wait3A_10 = arith.constant 0 : i32
    %dma_wait3A_11 = tpu.memref_slice %arg3[%mul3A_2, %dma_wait3A_10] : memref<64x100000xf32, #tpu.memory_space<hbm>> -> memref<1x100000xf32, #tpu.memory_space<hbm>>
    %dma_wait3A_12 = tpu.memref_squeeze %dma_wait3A_11 : memref<1x100000xf32, #tpu.memory_space<hbm>> -> memref<100000xf32, #tpu.memory_space<hbm>>
    tpu.wait_dma2 semaphore(%arg9 : memref<!tpu.dma_semaphore, #tpu.memory_space<semaphore_mem>>) src(%dma_wait3A_12 : memref<100000xf32, #tpu.memory_space<hbm>>) dst(%arg6 : memref<100000xf32, #tpu.memory_space<vmem>>)
    %mul3A_13 = arith.constant 2 : i32
    %mul3A_14 = arith.muli %add3A, %mul3A_13 : i32
    %add3A_15 = arith.constant 0 : i32
    %add3A_16 = arith.addi %mul3A_14, %add3A_15 : i32
    %parallel_loop3A = arith.constant 0 : i32
    %parallel_loop3A_17 = arith.constant 2048 : i32
    %parallel_loop3A_18 = arith.constant 16 : i32
    "tpu.trace_start"() <{level = 10 : i32, message = "gather0_0"}> : () -> ()
    scf.for %parallel_loop3A_484 = %parallel_loop3A to %parallel_loop3A_17 step %parallel_loop3A_18  : i32 {
      %parallel_loop3A_485 = arith.constant 0 : i32
      %parallel_loop3A_486 = arith.addi %parallel_loop3A_485, %parallel_loop3A_484 : i32
      %parallel_loop3A_487 = arith.index_cast %parallel_loop3A_486 : i32 to index
      %parallel_loop3A_488 = tpu.vector_load %arg5[%parallel_loop3A_487] {strides = array<i32>} : memref<16384xi32, #tpu.memory_space<vmem>>, vector<16xi32>,
      %parallel_loop3A_489 = tpu.vector_load_idx %arg6[%parallel_loop3A_488] : memref<100000xf32, #tpu.memory_space<vmem>>[vector<16xi32>], vector<16xf32>,
      %parallel_loop3A_490 = arith.constant 0 : i32
      %parallel_loop3A_491 = arith.index_cast %parallel_loop3A_490 : i32 to index
      %parallel_loop3A_492 = arith.index_cast %parallel_loop3A_484 : i32 to index
      %parallel_loop3A_493 = tpu.vector_load %arg7[%parallel_loop3A_491, %parallel_loop3A_492] {strides = array<i32>} : memref<4x2048xf32, #tpu.memory_space<vmem>>, vector<16xf32>,
      tpu.vector_store %arg7[%parallel_loop3A_491, %parallel_loop3A_492], %parallel_loop3A_489 {strides = array<i32>} : memref<4x2048xf32, #tpu.memory_space<vmem>>, vector<16xf32>,
    } {sc.loop_unroll_factor = 8 : i64, sc.parallel_access}
    %dma_start3A_19 = arith.constant 0 : i32
    "tpu.trace_stop"() : () -> ()
    %dma_start3A_20 = arith.constant 0 : i32
    %dma_start3A_21 = tpu.memref_slice %arg7[%dma_start3A_19, %dma_start3A_20] : memref<4x2048xf32, #tpu.memory_space<vmem>> -> memref<1x2048xf32, #tpu.memory_space<vmem>>
    %dma_start3A_22 = tpu.memref_squeeze %dma_start3A_21 : memref<1x2048xf32, #tpu.memory_space<vmem>> -> memref<2048xf32, #tpu.memory_space<vmem>>
    %dma_start3A_23 = arith.constant 0 : i32
    %dma_start3A_24 = tpu.memref_slice %arg4[%add3A_16, %dma_start3A_23] : memref<64x16384xf32, #tpu.memory_space<hbm>> -> memref<1x2048xf32, #tpu.memory_space<hbm>>
    %dma_start3A_25 = tpu.memref_squeeze %dma_start3A_24 : memref<1x2048xf32, #tpu.memory_space<hbm>> -> memref<2048xf32, #tpu.memory_space<hbm>>
    %dma_start3A_26 = arith.constant 0 : i32
    %dma_start3A_27 = tpu.memref_slice %arg4[%add3A_16, %dma_start3A_26] : memref<64x16384xf32, #tpu.memory_space<hbm>> -> memref<1x2048xf32, #tpu.memory_space<hbm>>
    %dma_start3A_28 = tpu.memref_squeeze %dma_start3A_27 : memref<1x2048xf32, #tpu.memory_space<hbm>> -> memref<2048xf32, #tpu.memory_space<hbm>>
    %dma_start3A_29 = arith.constant 0 : i32
    %dma_start3A_30 = tpu.memref_slice %arg7[%dma_start3A_19, %dma_start3A_29] : memref<4x2048xf32, #tpu.memory_space<vmem>> -> memref<1x2048xf32, #tpu.memory_space<vmem>>
    %dma_start3A_31 = tpu.memref_squeeze %dma_start3A_30 : memref<1x2048xf32, #tpu.memory_space<vmem>> -> memref<2048xf32, #tpu.memory_space<vmem>>
    tpu.enqueue_dma source(%dma_start3A_31 : memref<2048xf32, #tpu.memory_space<vmem>>) target(%dma_start3A_28 : memref<2048xf32, #tpu.memory_space<hbm>>) target_semaphore(%arg8 : memref<!tpu.dma_semaphore, #tpu.memory_space<semaphore_mem>>)
    %parallel_loop3A_32 = arith.constant 0 : i32
    %parallel_loop3A_33 = arith.constant 2048 : i32
    %parallel_loop3A_34 = arith.constant 16 : i32
    "tpu.trace_start"() <{level = 10 : i32, message = "gather0_1"}> : () -> ()
    scf.for %parallel_loop3A_484 = %parallel_loop3A_32 to %parallel_loop3A_33 step %parallel_loop3A_34  : i32 {
      %parallel_loop3A_485 = arith.constant 2048 : i32
      %parallel_loop3A_486 = arith.addi %parallel_loop3A_485, %parallel_loop3A_484 : i32
      %parallel_loop3A_487 = arith.index_cast %parallel_loop3A_486 : i32 to index
      %parallel_loop3A_488 = tpu.vector_load %arg5[%parallel_loop3A_487] {strides = array<i32>} : memref<16384xi32, #tpu.memory_space<vmem>>, vector<16xi32>,
      %parallel_loop3A_489 = tpu.vector_load_idx %arg6[%parallel_loop3A_488] : memref<100000xf32, #tpu.memory_space<vmem>>[vector<16xi32>], vector<16xf32>,
      %parallel_loop3A_490 = arith.constant 1 : i32
      %parallel_loop3A_491 = arith.index_cast %parallel_loop3A_490 : i32 to index
      %parallel_loop3A_492 = arith.index_cast %parallel_loop3A_484 : i32 to index
      %parallel_loop3A_493 = tpu.vector_load %arg7[%parallel_loop3A_491, %parallel_loop3A_492] {strides = array<i32>} : memref<4x2048xf32, #tpu.memory_space<vmem>>, vector<16xf32>,
      tpu.vector_store %arg7[%parallel_loop3A_491, %parallel_loop3A_492], %parallel_loop3A_489 {strides = array<i32>} : memref<4x2048xf32, #tpu.memory_space<vmem>>, vector<16xf32>,
    } {sc.loop_unroll_factor = 8 : i64, sc.parallel_access}
    %dma_start3A_35 = arith.constant 1 : i32
    "tpu.trace_stop"() : () -> ()
    %dma_start3A_36 = arith.constant 0 : i32
    %dma_start3A_37 = tpu.memref_slice %arg7[%dma_start3A_35, %dma_start3A_36] : memref<4x2048xf32, #tpu.memory_space<vmem>> -> memref<1x2048xf32, #tpu.memory_space<vmem>>
    %dma_start3A_38 = tpu.memref_squeeze %dma_start3A_37 : memref<1x2048xf32, #tpu.memory_space<vmem>> -> memref<2048xf32, #tpu.memory_space<vmem>>
    %dma_start3A_39 = arith.constant 2048 : i32
    %dma_start3A_40 = tpu.memref_slice %arg4[%add3A_16, %dma_start3A_39] : memref<64x16384xf32, #tpu.memory_space<hbm>> -> memref<1x2048xf32, #tpu.memory_space<hbm>>
    %dma_start3A_41 = tpu.memref_squeeze %dma_start3A_40 : memref<1x2048xf32, #tpu.memory_space<hbm>> -> memref<2048xf32, #tpu.memory_space<hbm>>
    %dma_start3A_42 = arith.constant 2048 : i32
    %dma_start3A_43 = tpu.memref_slice %arg4[%add3A_16, %dma_start3A_42] : memref<64x16384xf32, #tpu.memory_space<hbm>> -> memref<1x2048xf32, #tpu.memory_space<hbm>>
    %dma_start3A_44 = tpu.memref_squeeze %dma_start3A_43 : memref<1x2048xf32, #tpu.memory_space<hbm>> -> memref<2048xf32, #tpu.memory_space<hbm>>
    %dma_start3A_45 = arith.constant 0 : i32
    %dma_start3A_46 = tpu.memref_slice %arg7[%dma_start3A_35, %dma_start3A_45] : memref<4x2048xf32, #tpu.memory_space<vmem>> -> memref<1x2048xf32, #tpu.memory_space<vmem>>
    %dma_start3A_47 = tpu.memref_squeeze %dma_start3A_46 : memref<1x2048xf32, #tpu.memory_space<vmem>> -> memref<2048xf32, #tpu.memory_space<vmem>>
    tpu.enqueue_dma source(%dma_start3A_47 : memref<2048xf32, #tpu.memory_space<vmem>>) target(%dma_start3A_44 : memref<2048xf32, #tpu.memory_space<hbm>>) target_semaphore(%arg8 : memref<!tpu.dma_semaphore, #tpu.memory_space<semaphore_mem>>)
    %parallel_loop3A_48 = arith.constant 0 : i32
    %parallel_loop3A_49 = arith.constant 2048 : i32
    %parallel_loop3A_50 = arith.constant 16 : i32
    "tpu.trace_start"() <{level = 10 : i32, message = "gather0_2"}> : () -> ()
    scf.for %parallel_loop3A_484 = %parallel_loop3A_48 to %parallel_loop3A_49 step %parallel_loop3A_50  : i32 {
      %parallel_loop3A_485 = arith.constant 4096 : i32
      %parallel_loop3A_486 = arith.addi %parallel_loop3A_485, %parallel_loop3A_484 : i32
      %parallel_loop3A_487 = arith.index_cast %parallel_loop3A_486 : i32 to index
      %parallel_loop3A_488 = tpu.vector_load %arg5[%parallel_loop3A_487] {strides = array<i32>} : memref<16384xi32, #tpu.memory_space<vmem>>, vector<16xi32>,
      %parallel_loop3A_489 = tpu.vector_load_idx %arg6[%parallel_loop3A_488] : memref<100000xf32, #tpu.memory_space<vmem>>[vector<16xi32>], vector<16xf32>,
      %parallel_loop3A_490 = arith.constant 2 : i32
      %parallel_loop3A_491 = arith.index_cast %parallel_loop3A_490 : i32 to index
      %parallel_loop3A_492 = arith.index_cast %parallel_loop3A_484 : i32 to index
      %parallel_loop3A_493 = tpu.vector_load %arg7[%parallel_loop3A_491, %parallel_loop3A_492] {strides = array<i32>} : memref<4x2048xf32, #tpu.memory_space<vmem>>, vector<16xf32>,
      tpu.vector_store %arg7[%parallel_loop3A_491, %parallel_loop3A_492], %parallel_loop3A_489 {strides = array<i32>} : memref<4x2048xf32, #tpu.memory_space<vmem>>, vector<16xf32>,
    } {sc.loop_unroll_factor = 8 : i64, sc.parallel_access}
    %dma_start3A_51 = arith.constant 2 : i32
    "tpu.trace_stop"() : () -> ()
    %dma_start3A_52 = arith.constant 0 : i32
    %dma_start3A_53 = tpu.memref_slice %arg7[%dma_start3A_51, %dma_start3A_52] : memref<4x2048xf32, #tpu.memory_space<vmem>> -> memref<1x2048xf32, #tpu.memory_space<vmem>>
    %dma_start3A_54 = tpu.memref_squeeze %dma_start3A_53 : memref<1x2048xf32, #tpu.memory_space<vmem>> -> memref<2048xf32, #tpu.memory_space<vmem>>
    %dma_start3A_55 = arith.constant 4096 : i32
    %dma_start3A_56 = tpu.memref_slice %arg4[%add3A_16, %dma_start3A_55] : memref<64x16384xf32, #tpu.memory_space<hbm>> -> memref<1x2048xf32, #tpu.memory_space<hbm>>
    %dma_start3A_57 = tpu.memref_squeeze %dma_start3A_56 : memref<1x2048xf32, #tpu.memory_space<hbm>> -> memref<2048xf32, #tpu.memory_space<hbm>>
    %dma_start3A_58 = arith.constant 4096 : i32
    %dma_start3A_59 = tpu.memref_slice %arg4[%add3A_16, %dma_start3A_58] : memref<64x16384xf32, #tpu.memory_space<hbm>> -> memref<1x2048xf32, #tpu.memory_space<hbm>>
    %dma_start3A_60 = tpu.memref_squeeze %dma_start3A_59 : memref<1x2048xf32, #tpu.memory_space<hbm>> -> memref<2048xf32, #tpu.memory_space<hbm>>
    %dma_start3A_61 = arith.constant 0 : i32
    %dma_start3A_62 = tpu.memref_slice %arg7[%dma_start3A_51, %dma_start3A_61] : memref<4x2048xf32, #tpu.memory_space<vmem>> -> memref<1x2048xf32, #tpu.memory_space<vmem>>
    %dma_start3A_63 = tpu.memref_squeeze %dma_start3A_62 : memref<1x2048xf32, #tpu.memory_space<vmem>> -> memref<2048xf32, #tpu.memory_space<vmem>>
    tpu.enqueue_dma source(%dma_start3A_63 : memref<2048xf32, #tpu.memory_space<vmem>>) target(%dma_start3A_60 : memref<2048xf32, #tpu.memory_space<hbm>>) target_semaphore(%arg8 : memref<!tpu.dma_semaphore, #tpu.memory_space<semaphore_mem>>)
    %parallel_loop3A_64 = arith.constant 0 : i32
    %parallel_loop3A_65 = arith.constant 2048 : i32
    %parallel_loop3A_66 = arith.constant 16 : i32
    "tpu.trace_start"() <{level = 10 : i32, message = "gather0_3"}> : () -> ()
    scf.for %parallel_loop3A_484 = %parallel_loop3A_64 to %parallel_loop3A_65 step %parallel_loop3A_66  : i32 {
      %parallel_loop3A_485 = arith.constant 6144 : i32
      %parallel_loop3A_486 = arith.addi %parallel_loop3A_485, %parallel_loop3A_484 : i32
      %parallel_loop3A_487 = arith.index_cast %parallel_loop3A_486 : i32 to index
      %parallel_loop3A_488 = tpu.vector_load %arg5[%parallel_loop3A_487] {strides = array<i32>} : memref<16384xi32, #tpu.memory_space<vmem>>, vector<16xi32>,
      %parallel_loop3A_489 = tpu.vector_load_idx %arg6[%parallel_loop3A_488] : memref<100000xf32, #tpu.memory_space<vmem>>[vector<16xi32>], vector<16xf32>,
      %parallel_loop3A_490 = arith.constant 3 : i32
      %parallel_loop3A_491 = arith.index_cast %parallel_loop3A_490 : i32 to index
      %parallel_loop3A_492 = arith.index_cast %parallel_loop3A_484 : i32 to index
      %parallel_loop3A_493 = tpu.vector_load %arg7[%parallel_loop3A_491, %parallel_loop3A_492] {strides = array<i32>} : memref<4x2048xf32, #tpu.memory_space<vmem>>, vector<16xf32>,
      tpu.vector_store %arg7[%parallel_loop3A_491, %parallel_loop3A_492], %parallel_loop3A_489 {strides = array<i32>} : memref<4x2048xf32, #tpu.memory_space<vmem>>, vector<16xf32>,
    } {sc.loop_unroll_factor = 8 : i64, sc.parallel_access}
    %dma_start3A_67 = arith.constant 3 : i32
    "tpu.trace_stop"() : () -> ()
    %dma_start3A_68 = arith.constant 0 : i32
    %dma_start3A_69 = tpu.memref_slice %arg7[%dma_start3A_67, %dma_start3A_68] : memref<4x2048xf32, #tpu.memory_space<vmem>> -> memref<1x2048xf32, #tpu.memory_space<vmem>>
    %dma_start3A_70 = tpu.memref_squeeze %dma_start3A_69 : memref<1x2048xf32, #tpu.memory_space<vmem>> -> memref<2048xf32, #tpu.memory_space<vmem>>
    %dma_start3A_71 = arith.constant 6144 : i32
    %dma_start3A_72 = tpu.memref_slice %arg4[%add3A_16, %dma_start3A_71] : memref<64x16384xf32, #tpu.memory_space<hbm>> -> memref<1x2048xf32, #tpu.memory_space<hbm>>
    %dma_start3A_73 = tpu.memref_squeeze %dma_start3A_72 : memref<1x2048xf32, #tpu.memory_space<hbm>> -> memref<2048xf32, #tpu.memory_space<hbm>>
    %dma_start3A_74 = arith.constant 6144 : i32
    %dma_start3A_75 = tpu.memref_slice %arg4[%add3A_16, %dma_start3A_74] : memref<64x16384xf32, #tpu.memory_space<hbm>> -> memref<1x2048xf32, #tpu.memory_space<hbm>>
    %dma_start3A_76 = tpu.memref_squeeze %dma_start3A_75 : memref<1x2048xf32, #tpu.memory_space<hbm>> -> memref<2048xf32, #tpu.memory_space<hbm>>
    %dma_start3A_77 = arith.constant 0 : i32
    %dma_start3A_78 = tpu.memref_slice %arg7[%dma_start3A_67, %dma_start3A_77] : memref<4x2048xf32, #tpu.memory_space<vmem>> -> memref<1x2048xf32, #tpu.memory_space<vmem>>
    %dma_start3A_79 = tpu.memref_squeeze %dma_start3A_78 : memref<1x2048xf32, #tpu.memory_space<vmem>> -> memref<2048xf32, #tpu.memory_space<vmem>>
    tpu.enqueue_dma source(%dma_start3A_79 : memref<2048xf32, #tpu.memory_space<vmem>>) target(%dma_start3A_76 : memref<2048xf32, #tpu.memory_space<hbm>>) target_semaphore(%arg8 : memref<!tpu.dma_semaphore, #tpu.memory_space<semaphore_mem>>)
    %dma_wait3A_80 = arith.constant 0 : i32
    %dma_wait3A_81 = arith.constant 0 : i32
    %dma_wait3A_82 = tpu.memref_slice %arg7[%dma_wait3A_80, %dma_wait3A_81] : memref<4x2048xf32, #tpu.memory_space<vmem>> -> memref<1x2048xf32, #tpu.memory_space<vmem>>
    %dma_wait3A_83 = tpu.memref_squeeze %dma_wait3A_82 : memref<1x2048xf32, #tpu.memory_space<vmem>> -> memref<2048xf32, #tpu.memory_space<vmem>>
    %dma_wait3A_84 = arith.constant 0 : i32
    %dma_wait3A_85 = tpu.memref_slice %arg4[%add3A_16, %dma_wait3A_84] : memref<64x16384xf32, #tpu.memory_space<hbm>> -> memref<1x2048xf32, #tpu.memory_space<hbm>>
    %dma_wait3A_86 = tpu.memref_squeeze %dma_wait3A_85 : memref<1x2048xf32, #tpu.memory_space<hbm>> -> memref<2048xf32, #tpu.memory_space<hbm>>
    %dma_wait3A_87 = arith.constant 0 : i32
    %dma_wait3A_88 = tpu.memref_slice %arg4[%add3A_16, %dma_wait3A_87] : memref<64x16384xf32, #tpu.memory_space<hbm>> -> memref<1x2048xf32, #tpu.memory_space<hbm>>
    %dma_wait3A_89 = tpu.memref_squeeze %dma_wait3A_88 : memref<1x2048xf32, #tpu.memory_space<hbm>> -> memref<2048xf32, #tpu.memory_space<hbm>>
    %dma_wait3A_90 = arith.constant 0 : i32
    %dma_wait3A_91 = tpu.memref_slice %arg7[%dma_wait3A_80, %dma_wait3A_90] : memref<4x2048xf32, #tpu.memory_space<vmem>> -> memref<1x2048xf32, #tpu.memory_space<vmem>>
    %dma_wait3A_92 = tpu.memref_squeeze %dma_wait3A_91 : memref<1x2048xf32, #tpu.memory_space<vmem>> -> memref<2048xf32, #tpu.memory_space<vmem>>
    tpu.wait_dma2 semaphore(%arg8 : memref<!tpu.dma_semaphore, #tpu.memory_space<semaphore_mem>>) src(%dma_wait3A_92 : memref<2048xf32, #tpu.memory_space<vmem>>) dst(%dma_wait3A_89 : memref<2048xf32, #tpu.memory_space<hbm>>)
    %parallel_loop3A_93 = arith.constant 0 : i32
    %parallel_loop3A_94 = arith.constant 2048 : i32
    %parallel_loop3A_95 = arith.constant 16 : i32
    "tpu.trace_start"() <{level = 10 : i32, message = "gather0_4"}> : () -> ()
    scf.for %parallel_loop3A_484 = %parallel_loop3A_93 to %parallel_loop3A_94 step %parallel_loop3A_95  : i32 {
      %parallel_loop3A_485 = arith.constant 8192 : i32
      %parallel_loop3A_486 = arith.addi %parallel_loop3A_485, %parallel_loop3A_484 : i32
      %parallel_loop3A_487 = arith.index_cast %parallel_loop3A_486 : i32 to index
      %parallel_loop3A_488 = tpu.vector_load %arg5[%parallel_loop3A_487] {strides = array<i32>} : memref<16384xi32, #tpu.memory_space<vmem>>, vector<16xi32>,
      %parallel_loop3A_489 = tpu.vector_load_idx %arg6[%parallel_loop3A_488] : memref<100000xf32, #tpu.memory_space<vmem>>[vector<16xi32>], vector<16xf32>,
      %parallel_loop3A_490 = arith.constant 0 : i32
      %parallel_loop3A_491 = arith.index_cast %parallel_loop3A_490 : i32 to index
      %parallel_loop3A_492 = arith.index_cast %parallel_loop3A_484 : i32 to index
      %parallel_loop3A_493 = tpu.vector_load %arg7[%parallel_loop3A_491, %parallel_loop3A_492] {strides = array<i32>} : memref<4x2048xf32, #tpu.memory_space<vmem>>, vector<16xf32>,
      tpu.vector_store %arg7[%parallel_loop3A_491, %parallel_loop3A_492], %parallel_loop3A_489 {strides = array<i32>} : memref<4x2048xf32, #tpu.memory_space<vmem>>, vector<16xf32>,
    } {sc.loop_unroll_factor = 8 : i64, sc.parallel_access}
    %dma_start3A_96 = arith.constant 0 : i32
    "tpu.trace_stop"() : () -> ()
    %dma_start3A_97 = arith.constant 0 : i32
    %dma_start3A_98 = tpu.memref_slice %arg7[%dma_start3A_96, %dma_start3A_97] : memref<4x2048xf32, #tpu.memory_space<vmem>> -> memref<1x2048xf32, #tpu.memory_space<vmem>>
    %dma_start3A_99 = tpu.memref_squeeze %dma_start3A_98 : memref<1x2048xf32, #tpu.memory_space<vmem>> -> memref<2048xf32, #tpu.memory_space<vmem>>
    %dma_start3A_100 = arith.constant 8192 : i32
    %dma_start3A_101 = tpu.memref_slice %arg4[%add3A_16, %dma_start3A_100] : memref<64x16384xf32, #tpu.memory_space<hbm>> -> memref<1x2048xf32, #tpu.memory_space<hbm>>
    %dma_start3A_102 = tpu.memref_squeeze %dma_start3A_101 : memref<1x2048xf32, #tpu.memory_space<hbm>> -> memref<2048xf32, #tpu.memory_space<hbm>>
    %dma_start3A_103 = arith.constant 8192 : i32
    %dma_start3A_104 = tpu.memref_slice %arg4[%add3A_16, %dma_start3A_103] : memref<64x16384xf32, #tpu.memory_space<hbm>> -> memref<1x2048xf32, #tpu.memory_space<hbm>>
    %dma_start3A_105 = tpu.memref_squeeze %dma_start3A_104 : memref<1x2048xf32, #tpu.memory_space<hbm>> -> memref<2048xf32, #tpu.memory_space<hbm>>
    %dma_start3A_106 = arith.constant 0 : i32
    %dma_start3A_107 = tpu.memref_slice %arg7[%dma_start3A_96, %dma_start3A_106] : memref<4x2048xf32, #tpu.memory_space<vmem>> -> memref<1x2048xf32, #tpu.memory_space<vmem>>
    %dma_start3A_108 = tpu.memref_squeeze %dma_start3A_107 : memref<1x2048xf32, #tpu.memory_space<vmem>> -> memref<2048xf32, #tpu.memory_space<vmem>>
    tpu.enqueue_dma source(%dma_start3A_108 : memref<2048xf32, #tpu.memory_space<vmem>>) target(%dma_start3A_105 : memref<2048xf32, #tpu.memory_space<hbm>>) target_semaphore(%arg8 : memref<!tpu.dma_semaphore, #tpu.memory_space<semaphore_mem>>)
    %dma_wait3A_109 = arith.constant 1 : i32
    %dma_wait3A_110 = arith.constant 0 : i32
    %dma_wait3A_111 = tpu.memref_slice %arg7[%dma_wait3A_109, %dma_wait3A_110] : memref<4x2048xf32, #tpu.memory_space<vmem>> -> memref<1x2048xf32, #tpu.memory_space<vmem>>
    %dma_wait3A_112 = tpu.memref_squeeze %dma_wait3A_111 : memref<1x2048xf32, #tpu.memory_space<vmem>> -> memref<2048xf32, #tpu.memory_space<vmem>>
    %dma_wait3A_113 = arith.constant 2048 : i32
    %dma_wait3A_114 = tpu.memref_slice %arg4[%add3A_16, %dma_wait3A_113] : memref<64x16384xf32, #tpu.memory_space<hbm>> -> memref<1x2048xf32, #tpu.memory_space<hbm>>
    %dma_wait3A_115 = tpu.memref_squeeze %dma_wait3A_114 : memref<1x2048xf32, #tpu.memory_space<hbm>> -> memref<2048xf32, #tpu.memory_space<hbm>>
    %dma_wait3A_116 = arith.constant 2048 : i32
    %dma_wait3A_117 = tpu.memref_slice %arg4[%add3A_16, %dma_wait3A_116] : memref<64x16384xf32, #tpu.memory_space<hbm>> -> memref<1x2048xf32, #tpu.memory_space<hbm>>
    %dma_wait3A_118 = tpu.memref_squeeze %dma_wait3A_117 : memref<1x2048xf32, #tpu.memory_space<hbm>> -> memref<2048xf32, #tpu.memory_space<hbm>>
    %dma_wait3A_119 = arith.constant 0 : i32
    %dma_wait3A_120 = tpu.memref_slice %arg7[%dma_wait3A_109, %dma_wait3A_119] : memref<4x2048xf32, #tpu.memory_space<vmem>> -> memref<1x2048xf32, #tpu.memory_space<vmem>>
    %dma_wait3A_121 = tpu.memref_squeeze %dma_wait3A_120 : memref<1x2048xf32, #tpu.memory_space<vmem>> -> memref<2048xf32, #tpu.memory_space<vmem>>
    tpu.wait_dma2 semaphore(%arg8 : memref<!tpu.dma_semaphore, #tpu.memory_space<semaphore_mem>>) src(%dma_wait3A_121 : memref<2048xf32, #tpu.memory_space<vmem>>) dst(%dma_wait3A_118 : memref<2048xf32, #tpu.memory_space<hbm>>)
    %parallel_loop3A_122 = arith.constant 0 : i32
    %parallel_loop3A_123 = arith.constant 2048 : i32
    %parallel_loop3A_124 = arith.constant 16 : i32
    "tpu.trace_start"() <{level = 10 : i32, message = "gather0_5"}> : () -> ()
    scf.for %parallel_loop3A_484 = %parallel_loop3A_122 to %parallel_loop3A_123 step %parallel_loop3A_124  : i32 {
      %parallel_loop3A_485 = arith.constant 10240 : i32
      %parallel_loop3A_486 = arith.addi %parallel_loop3A_485, %parallel_loop3A_484 : i32
      %parallel_loop3A_487 = arith.index_cast %parallel_loop3A_486 : i32 to index
      %parallel_loop3A_488 = tpu.vector_load %arg5[%parallel_loop3A_487] {strides = array<i32>} : memref<16384xi32, #tpu.memory_space<vmem>>, vector<16xi32>,
      %parallel_loop3A_489 = tpu.vector_load_idx %arg6[%parallel_loop3A_488] : memref<100000xf32, #tpu.memory_space<vmem>>[vector<16xi32>], vector<16xf32>,
      %parallel_loop3A_490 = arith.constant 1 : i32
      %parallel_loop3A_491 = arith.index_cast %parallel_loop3A_490 : i32 to index
      %parallel_loop3A_492 = arith.index_cast %parallel_loop3A_484 : i32 to index
      %parallel_loop3A_493 = tpu.vector_load %arg7[%parallel_loop3A_491, %parallel_loop3A_492] {strides = array<i32>} : memref<4x2048xf32, #tpu.memory_space<vmem>>, vector<16xf32>,
      tpu.vector_store %arg7[%parallel_loop3A_491, %parallel_loop3A_492], %parallel_loop3A_489 {strides = array<i32>} : memref<4x2048xf32, #tpu.memory_space<vmem>>, vector<16xf32>,
    } {sc.loop_unroll_factor = 8 : i64, sc.parallel_access}
    %dma_start3A_125 = arith.constant 1 : i32
    "tpu.trace_stop"() : () -> ()
    %dma_start3A_126 = arith.constant 0 : i32
    %dma_start3A_127 = tpu.memref_slice %arg7[%dma_start3A_125, %dma_start3A_126] : memref<4x2048xf32, #tpu.memory_space<vmem>> -> memref<1x2048xf32, #tpu.memory_space<vmem>>
    %dma_start3A_128 = tpu.memref_squeeze %dma_start3A_127 : memref<1x2048xf32, #tpu.memory_space<vmem>> -> memref<2048xf32, #tpu.memory_space<vmem>>
    %dma_start3A_129 = arith.constant 10240 : i32
    %dma_start3A_130 = tpu.memref_slice %arg4[%add3A_16, %dma_start3A_129] : memref<64x16384xf32, #tpu.memory_space<hbm>> -> memref<1x2048xf32, #tpu.memory_space<hbm>>
    %dma_start3A_131 = tpu.memref_squeeze %dma_start3A_130 : memref<1x2048xf32, #tpu.memory_space<hbm>> -> memref<2048xf32, #tpu.memory_space<hbm>>
    %dma_start3A_132 = arith.constant 10240 : i32
    %dma_start3A_133 = tpu.memref_slice %arg4[%add3A_16, %dma_start3A_132] : memref<64x16384xf32, #tpu.memory_space<hbm>> -> memref<1x2048xf32, #tpu.memory_space<hbm>>
    %dma_start3A_134 = tpu.memref_squeeze %dma_start3A_133 : memref<1x2048xf32, #tpu.memory_space<hbm>> -> memref<2048xf32, #tpu.memory_space<hbm>>
    %dma_start3A_135 = arith.constant 0 : i32
    %dma_start3A_136 = tpu.memref_slice %arg7[%dma_start3A_125, %dma_start3A_135] : memref<4x2048xf32, #tpu.memory_space<vmem>> -> memref<1x2048xf32, #tpu.memory_space<vmem>>
    %dma_start3A_137 = tpu.memref_squeeze %dma_start3A_136 : memref<1x2048xf32, #tpu.memory_space<vmem>> -> memref<2048xf32, #tpu.memory_space<vmem>>
    tpu.enqueue_dma source(%dma_start3A_137 : memref<2048xf32, #tpu.memory_space<vmem>>) target(%dma_start3A_134 : memref<2048xf32, #tpu.memory_space<hbm>>) target_semaphore(%arg8 : memref<!tpu.dma_semaphore, #tpu.memory_space<semaphore_mem>>)
    %dma_wait3A_138 = arith.constant 2 : i32
    %dma_wait3A_139 = arith.constant 0 : i32
    %dma_wait3A_140 = tpu.memref_slice %arg7[%dma_wait3A_138, %dma_wait3A_139] : memref<4x2048xf32, #tpu.memory_space<vmem>> -> memref<1x2048xf32, #tpu.memory_space<vmem>>
    %dma_wait3A_141 = tpu.memref_squeeze %dma_wait3A_140 : memref<1x2048xf32, #tpu.memory_space<vmem>> -> memref<2048xf32, #tpu.memory_space<vmem>>
    %dma_wait3A_142 = arith.constant 4096 : i32
    %dma_wait3A_143 = tpu.memref_slice %arg4[%add3A_16, %dma_wait3A_142] : memref<64x16384xf32, #tpu.memory_space<hbm>> -> memref<1x2048xf32, #tpu.memory_space<hbm>>
    %dma_wait3A_144 = tpu.memref_squeeze %dma_wait3A_143 : memref<1x2048xf32, #tpu.memory_space<hbm>> -> memref<2048xf32, #tpu.memory_space<hbm>>
    %dma_wait3A_145 = arith.constant 4096 : i32
    %dma_wait3A_146 = tpu.memref_slice %arg4[%add3A_16, %dma_wait3A_145] : memref<64x16384xf32, #tpu.memory_space<hbm>> -> memref<1x2048xf32, #tpu.memory_space<hbm>>
    %dma_wait3A_147 = tpu.memref_squeeze %dma_wait3A_146 : memref<1x2048xf32, #tpu.memory_space<hbm>> -> memref<2048xf32, #tpu.memory_space<hbm>>
    %dma_wait3A_148 = arith.constant 0 : i32
    %dma_wait3A_149 = tpu.memref_slice %arg7[%dma_wait3A_138, %dma_wait3A_148] : memref<4x2048xf32, #tpu.memory_space<vmem>> -> memref<1x2048xf32, #tpu.memory_space<vmem>>
    %dma_wait3A_150 = tpu.memref_squeeze %dma_wait3A_149 : memref<1x2048xf32, #tpu.memory_space<vmem>> -> memref<2048xf32, #tpu.memory_space<vmem>>
    tpu.wait_dma2 semaphore(%arg8 : memref<!tpu.dma_semaphore, #tpu.memory_space<semaphore_mem>>) src(%dma_wait3A_150 : memref<2048xf32, #tpu.memory_space<vmem>>) dst(%dma_wait3A_147 : memref<2048xf32, #tpu.memory_space<hbm>>)
    %parallel_loop3A_151 = arith.constant 0 : i32
    %parallel_loop3A_152 = arith.constant 2048 : i32
    %parallel_loop3A_153 = arith.constant 16 : i32
    "tpu.trace_start"() <{level = 10 : i32, message = "gather0_6"}> : () -> ()
    scf.for %parallel_loop3A_484 = %parallel_loop3A_151 to %parallel_loop3A_152 step %parallel_loop3A_153  : i32 {
      %parallel_loop3A_485 = arith.constant 12288 : i32
      %parallel_loop3A_486 = arith.addi %parallel_loop3A_485, %parallel_loop3A_484 : i32
      %parallel_loop3A_487 = arith.index_cast %parallel_loop3A_486 : i32 to index
      %parallel_loop3A_488 = tpu.vector_load %arg5[%parallel_loop3A_487] {strides = array<i32>} : memref<16384xi32, #tpu.memory_space<vmem>>, vector<16xi32>,
      %parallel_loop3A_489 = tpu.vector_load_idx %arg6[%parallel_loop3A_488] : memref<100000xf32, #tpu.memory_space<vmem>>[vector<16xi32>], vector<16xf32>,
      %parallel_loop3A_490 = arith.constant 2 : i32
      %parallel_loop3A_491 = arith.index_cast %parallel_loop3A_490 : i32 to index
      %parallel_loop3A_492 = arith.index_cast %parallel_loop3A_484 : i32 to index
      %parallel_loop3A_493 = tpu.vector_load %arg7[%parallel_loop3A_491, %parallel_loop3A_492] {strides = array<i32>} : memref<4x2048xf32, #tpu.memory_space<vmem>>, vector<16xf32>,
      tpu.vector_store %arg7[%parallel_loop3A_491, %parallel_loop3A_492], %parallel_loop3A_489 {strides = array<i32>} : memref<4x2048xf32, #tpu.memory_space<vmem>>, vector<16xf32>,
    } {sc.loop_unroll_factor = 8 : i64, sc.parallel_access}
    %dma_start3A_154 = arith.constant 2 : i32
    "tpu.trace_stop"() : () -> ()
    %dma_start3A_155 = arith.constant 0 : i32
    %dma_start3A_156 = tpu.memref_slice %arg7[%dma_start3A_154, %dma_start3A_155] : memref<4x2048xf32, #tpu.memory_space<vmem>> -> memref<1x2048xf32, #tpu.memory_space<vmem>>
    %dma_start3A_157 = tpu.memref_squeeze %dma_start3A_156 : memref<1x2048xf32, #tpu.memory_space<vmem>> -> memref<2048xf32, #tpu.memory_space<vmem>>
    %dma_start3A_158 = arith.constant 12288 : i32
    %dma_start3A_159 = tpu.memref_slice %arg4[%add3A_16, %dma_start3A_158] : memref<64x16384xf32, #tpu.memory_space<hbm>> -> memref<1x2048xf32, #tpu.memory_space<hbm>>
    %dma_start3A_160 = tpu.memref_squeeze %dma_start3A_159 : memref<1x2048xf32, #tpu.memory_space<hbm>> -> memref<2048xf32, #tpu.memory_space<hbm>>
    %dma_start3A_161 = arith.constant 12288 : i32
    %dma_start3A_162 = tpu.memref_slice %arg4[%add3A_16, %dma_start3A_161] : memref<64x16384xf32, #tpu.memory_space<hbm>> -> memref<1x2048xf32, #tpu.memory_space<hbm>>
    %dma_start3A_163 = tpu.memref_squeeze %dma_start3A_162 : memref<1x2048xf32, #tpu.memory_space<hbm>> -> memref<2048xf32, #tpu.memory_space<hbm>>
    %dma_start3A_164 = arith.constant 0 : i32
    %dma_start3A_165 = tpu.memref_slice %arg7[%dma_start3A_154, %dma_start3A_164] : memref<4x2048xf32, #tpu.memory_space<vmem>> -> memref<1x2048xf32, #tpu.memory_space<vmem>>
    %dma_start3A_166 = tpu.memref_squeeze %dma_start3A_165 : memref<1x2048xf32, #tpu.memory_space<vmem>> -> memref<2048xf32, #tpu.memory_space<vmem>>
    tpu.enqueue_dma source(%dma_start3A_166 : memref<2048xf32, #tpu.memory_space<vmem>>) target(%dma_start3A_163 : memref<2048xf32, #tpu.memory_space<hbm>>) target_semaphore(%arg8 : memref<!tpu.dma_semaphore, #tpu.memory_space<semaphore_mem>>)
    %dma_wait3A_167 = arith.constant 3 : i32
    %dma_wait3A_168 = arith.constant 0 : i32
    %dma_wait3A_169 = tpu.memref_slice %arg7[%dma_wait3A_167, %dma_wait3A_168] : memref<4x2048xf32, #tpu.memory_space<vmem>> -> memref<1x2048xf32, #tpu.memory_space<vmem>>
    %dma_wait3A_170 = tpu.memref_squeeze %dma_wait3A_169 : memref<1x2048xf32, #tpu.memory_space<vmem>> -> memref<2048xf32, #tpu.memory_space<vmem>>
    %dma_wait3A_171 = arith.constant 6144 : i32
    %dma_wait3A_172 = tpu.memref_slice %arg4[%add3A_16, %dma_wait3A_171] : memref<64x16384xf32, #tpu.memory_space<hbm>> -> memref<1x2048xf32, #tpu.memory_space<hbm>>
    %dma_wait3A_173 = tpu.memref_squeeze %dma_wait3A_172 : memref<1x2048xf32, #tpu.memory_space<hbm>> -> memref<2048xf32, #tpu.memory_space<hbm>>
    %dma_wait3A_174 = arith.constant 6144 : i32
    %dma_wait3A_175 = tpu.memref_slice %arg4[%add3A_16, %dma_wait3A_174] : memref<64x16384xf32, #tpu.memory_space<hbm>> -> memref<1x2048xf32, #tpu.memory_space<hbm>>
    %dma_wait3A_176 = tpu.memref_squeeze %dma_wait3A_175 : memref<1x2048xf32, #tpu.memory_space<hbm>> -> memref<2048xf32, #tpu.memory_space<hbm>>
    %dma_wait3A_177 = arith.constant 0 : i32
    %dma_wait3A_178 = tpu.memref_slice %arg7[%dma_wait3A_167, %dma_wait3A_177] : memref<4x2048xf32, #tpu.memory_space<vmem>> -> memref<1x2048xf32, #tpu.memory_space<vmem>>
    %dma_wait3A_179 = tpu.memref_squeeze %dma_wait3A_178 : memref<1x2048xf32, #tpu.memory_space<vmem>> -> memref<2048xf32, #tpu.memory_space<vmem>>
    tpu.wait_dma2 semaphore(%arg8 : memref<!tpu.dma_semaphore, #tpu.memory_space<semaphore_mem>>) src(%dma_wait3A_179 : memref<2048xf32, #tpu.memory_space<vmem>>) dst(%dma_wait3A_176 : memref<2048xf32, #tpu.memory_space<hbm>>)
    %parallel_loop3A_180 = arith.constant 0 : i32
    %parallel_loop3A_181 = arith.constant 2048 : i32
    %parallel_loop3A_182 = arith.constant 16 : i32
    "tpu.trace_start"() <{level = 10 : i32, message = "gather0_7"}> : () -> ()
    scf.for %parallel_loop3A_484 = %parallel_loop3A_180 to %parallel_loop3A_181 step %parallel_loop3A_182  : i32 {
      %parallel_loop3A_485 = arith.constant 14336 : i32
      %parallel_loop3A_486 = arith.addi %parallel_loop3A_485, %parallel_loop3A_484 : i32
      %parallel_loop3A_487 = arith.index_cast %parallel_loop3A_486 : i32 to index
      %parallel_loop3A_488 = tpu.vector_load %arg5[%parallel_loop3A_487] {strides = array<i32>} : memref<16384xi32, #tpu.memory_space<vmem>>, vector<16xi32>,
      %parallel_loop3A_489 = tpu.vector_load_idx %arg6[%parallel_loop3A_488] : memref<100000xf32, #tpu.memory_space<vmem>>[vector<16xi32>], vector<16xf32>,
      %parallel_loop3A_490 = arith.constant 3 : i32
      %parallel_loop3A_491 = arith.index_cast %parallel_loop3A_490 : i32 to index
      %parallel_loop3A_492 = arith.index_cast %parallel_loop3A_484 : i32 to index
      %parallel_loop3A_493 = tpu.vector_load %arg7[%parallel_loop3A_491, %parallel_loop3A_492] {strides = array<i32>} : memref<4x2048xf32, #tpu.memory_space<vmem>>, vector<16xf32>,
      tpu.vector_store %arg7[%parallel_loop3A_491, %parallel_loop3A_492], %parallel_loop3A_489 {strides = array<i32>} : memref<4x2048xf32, #tpu.memory_space<vmem>>, vector<16xf32>,
    } {sc.loop_unroll_factor = 8 : i64, sc.parallel_access}
    %dma_start3A_183 = arith.constant 3 : i32
    "tpu.trace_stop"() : () -> ()
    %dma_start3A_184 = arith.constant 0 : i32
    %dma_start3A_185 = tpu.memref_slice %arg7[%dma_start3A_183, %dma_start3A_184] : memref<4x2048xf32, #tpu.memory_space<vmem>> -> memref<1x2048xf32, #tpu.memory_space<vmem>>
    %dma_start3A_186 = tpu.memref_squeeze %dma_start3A_185 : memref<1x2048xf32, #tpu.memory_space<vmem>> -> memref<2048xf32, #tpu.memory_space<vmem>>
    %dma_start3A_187 = arith.constant 14336 : i32
    %dma_start3A_188 = tpu.memref_slice %arg4[%add3A_16, %dma_start3A_187] : memref<64x16384xf32, #tpu.memory_space<hbm>> -> memref<1x2048xf32, #tpu.memory_space<hbm>>
    %dma_start3A_189 = tpu.memref_squeeze %dma_start3A_188 : memref<1x2048xf32, #tpu.memory_space<hbm>> -> memref<2048xf32, #tpu.memory_space<hbm>>
    %dma_start3A_190 = arith.constant 14336 : i32
    %dma_start3A_191 = tpu.memref_slice %arg4[%add3A_16, %dma_start3A_190] : memref<64x16384xf32, #tpu.memory_space<hbm>> -> memref<1x2048xf32, #tpu.memory_space<hbm>>
    %dma_start3A_192 = tpu.memref_squeeze %dma_start3A_191 : memref<1x2048xf32, #tpu.memory_space<hbm>> -> memref<2048xf32, #tpu.memory_space<hbm>>
    %dma_start3A_193 = arith.constant 0 : i32
    %dma_start3A_194 = tpu.memref_slice %arg7[%dma_start3A_183, %dma_start3A_193] : memref<4x2048xf32, #tpu.memory_space<vmem>> -> memref<1x2048xf32, #tpu.memory_space<vmem>>
    %dma_start3A_195 = tpu.memref_squeeze %dma_start3A_194 : memref<1x2048xf32, #tpu.memory_space<vmem>> -> memref<2048xf32, #tpu.memory_space<vmem>>
    tpu.enqueue_dma source(%dma_start3A_195 : memref<2048xf32, #tpu.memory_space<vmem>>) target(%dma_start3A_192 : memref<2048xf32, #tpu.memory_space<hbm>>) target_semaphore(%arg8 : memref<!tpu.dma_semaphore, #tpu.memory_space<semaphore_mem>>)
    %mul3A_196 = arith.constant 2 : i32
    %mul3A_197 = arith.muli %add3A, %mul3A_196 : i32
    %add3A_198 = arith.constant 1 : i32
    %add3A_199 = arith.addi %mul3A_197, %add3A_198 : i32
    "tpu.trace_start"() <{level = 10 : i32, message = "rowload1"}> : () -> ()
    "tpu.region"() ({
      %run_scoped3A = tpu.sem_alloc : memref<!tpu.dma_semaphore, #tpu.memory_space<semaphore_mem>>
      %dma_start3A_484 = arith.constant 0 : i32
      %dma_start3A_485 = tpu.memref_slice %arg3[%add3A_199, %dma_start3A_484] : memref<64x100000xf32, #tpu.memory_space<hbm>> -> memref<1x100000xf32, #tpu.memory_space<hbm>>
      %dma_start3A_486 = tpu.memref_squeeze %dma_start3A_485 : memref<1x100000xf32, #tpu.memory_space<hbm>> -> memref<100000xf32, #tpu.memory_space<hbm>>
      %dma_start3A_487 = arith.constant 0 : i32
      %dma_start3A_488 = tpu.memref_slice %arg3[%add3A_199, %dma_start3A_487] : memref<64x100000xf32, #tpu.memory_space<hbm>> -> memref<1x100000xf32, #tpu.memory_space<hbm>>
      %dma_start3A_489 = tpu.memref_squeeze %dma_start3A_488 : memref<1x100000xf32, #tpu.memory_space<hbm>> -> memref<100000xf32, #tpu.memory_space<hbm>>
      tpu.enqueue_dma source(%dma_start3A_489 : memref<100000xf32, #tpu.memory_space<hbm>>) target(%arg6 : memref<100000xf32, #tpu.memory_space<vmem>>) target_semaphore(%run_scoped3A : memref<!tpu.dma_semaphore, #tpu.memory_space<semaphore_mem>>)
      %dma_wait3A_490 = arith.constant 0 : i32
      %dma_wait3A_491 = tpu.memref_slice %arg3[%add3A_199, %dma_wait3A_490] : memref<64x100000xf32, #tpu.memory_space<hbm>> -> memref<1x100000xf32, #tpu.memory_space<hbm>>
      %dma_wait3A_492 = tpu.memref_squeeze %dma_wait3A_491 : memref<1x100000xf32, #tpu.memory_space<hbm>> -> memref<100000xf32, #tpu.memory_space<hbm>>
      %dma_wait3A_493 = arith.constant 0 : i32
      %dma_wait3A_494 = tpu.memref_slice %arg3[%add3A_199, %dma_wait3A_493] : memref<64x100000xf32, #tpu.memory_space<hbm>> -> memref<1x100000xf32, #tpu.memory_space<hbm>>
      %dma_wait3A_495 = tpu.memref_squeeze %dma_wait3A_494 : memref<1x100000xf32, #tpu.memory_space<hbm>> -> memref<100000xf32, #tpu.memory_space<hbm>>
      tpu.wait_dma2 semaphore(%run_scoped3A : memref<!tpu.dma_semaphore, #tpu.memory_space<semaphore_mem>>) src(%dma_wait3A_495 : memref<100000xf32, #tpu.memory_space<hbm>>) dst(%arg6 : memref<100000xf32, #tpu.memory_space<vmem>>)
      tpu.yield
    }) : () -> ()
    %dma_wait3A_200 = arith.constant 0 : i32
    "tpu.trace_stop"() : () -> ()
    %dma_wait3A_201 = arith.constant 0 : i32
    %dma_wait3A_202 = tpu.memref_slice %arg7[%dma_wait3A_200, %dma_wait3A_201] : memref<4x2048xf32, #tpu.memory_space<vmem>> -> memref<1x2048xf32, #tpu.memory_space<vmem>>
    %dma_wait3A_203 = tpu.memref_squeeze %dma_wait3A_202 : memref<1x2048xf32, #tpu.memory_space<vmem>> -> memref<2048xf32, #tpu.memory_space<vmem>>
    %dma_wait3A_204 = arith.constant 8192 : i32
    %dma_wait3A_205 = tpu.memref_slice %arg4[%add3A_16, %dma_wait3A_204] : memref<64x16384xf32, #tpu.memory_space<hbm>> -> memref<1x2048xf32, #tpu.memory_space<hbm>>
    %dma_wait3A_206 = tpu.memref_squeeze %dma_wait3A_205 : memref<1x2048xf32, #tpu.memory_space<hbm>> -> memref<2048xf32, #tpu.memory_space<hbm>>
    %dma_wait3A_207 = arith.constant 8192 : i32
    %dma_wait3A_208 = tpu.memref_slice %arg4[%add3A_16, %dma_wait3A_207] : memref<64x16384xf32, #tpu.memory_space<hbm>> -> memref<1x2048xf32, #tpu.memory_space<hbm>>
    %dma_wait3A_209 = tpu.memref_squeeze %dma_wait3A_208 : memref<1x2048xf32, #tpu.memory_space<hbm>> -> memref<2048xf32, #tpu.memory_space<hbm>>
    %dma_wait3A_210 = arith.constant 0 : i32
    %dma_wait3A_211 = tpu.memref_slice %arg7[%dma_wait3A_200, %dma_wait3A_210] : memref<4x2048xf32, #tpu.memory_space<vmem>> -> memref<1x2048xf32, #tpu.memory_space<vmem>>
    %dma_wait3A_212 = tpu.memref_squeeze %dma_wait3A_211 : memref<1x2048xf32, #tpu.memory_space<vmem>> -> memref<2048xf32, #tpu.memory_space<vmem>>
    tpu.wait_dma2 semaphore(%arg8 : memref<!tpu.dma_semaphore, #tpu.memory_space<semaphore_mem>>) src(%dma_wait3A_212 : memref<2048xf32, #tpu.memory_space<vmem>>) dst(%dma_wait3A_209 : memref<2048xf32, #tpu.memory_space<hbm>>)
    %parallel_loop3A_213 = arith.constant 0 : i32
    %parallel_loop3A_214 = arith.constant 2048 : i32
    %parallel_loop3A_215 = arith.constant 16 : i32
    "tpu.trace_start"() <{level = 10 : i32, message = "gather1_0"}> : () -> ()
    scf.for %parallel_loop3A_484 = %parallel_loop3A_213 to %parallel_loop3A_214 step %parallel_loop3A_215  : i32 {
      %parallel_loop3A_485 = arith.constant 0 : i32
      %parallel_loop3A_486 = arith.addi %parallel_loop3A_485, %parallel_loop3A_484 : i32
      %parallel_loop3A_487 = arith.index_cast %parallel_loop3A_486 : i32 to index
      %parallel_loop3A_488 = tpu.vector_load %arg5[%parallel_loop3A_487] {strides = array<i32>} : memref<16384xi32, #tpu.memory_space<vmem>>, vector<16xi32>,
      %parallel_loop3A_489 = tpu.vector_load_idx %arg6[%parallel_loop3A_488] : memref<100000xf32, #tpu.memory_space<vmem>>[vector<16xi32>], vector<16xf32>,
      %parallel_loop3A_490 = arith.constant 0 : i32
      %parallel_loop3A_491 = arith.index_cast %parallel_loop3A_490 : i32 to index
      %parallel_loop3A_492 = arith.index_cast %parallel_loop3A_484 : i32 to index
      %parallel_loop3A_493 = tpu.vector_load %arg7[%parallel_loop3A_491, %parallel_loop3A_492] {strides = array<i32>} : memref<4x2048xf32, #tpu.memory_space<vmem>>, vector<16xf32>,
      tpu.vector_store %arg7[%parallel_loop3A_491, %parallel_loop3A_492], %parallel_loop3A_489 {strides = array<i32>} : memref<4x2048xf32, #tpu.memory_space<vmem>>, vector<16xf32>,
    } {sc.loop_unroll_factor = 8 : i64, sc.parallel_access}
    %dma_start3A_216 = arith.constant 0 : i32
    "tpu.trace_stop"() : () -> ()
    %dma_start3A_217 = arith.constant 0 : i32
    %dma_start3A_218 = tpu.memref_slice %arg7[%dma_start3A_216, %dma_start3A_217] : memref<4x2048xf32, #tpu.memory_space<vmem>> -> memref<1x2048xf32, #tpu.memory_space<vmem>>
    %dma_start3A_219 = tpu.memref_squeeze %dma_start3A_218 : memref<1x2048xf32, #tpu.memory_space<vmem>> -> memref<2048xf32, #tpu.memory_space<vmem>>
    %dma_start3A_220 = arith.constant 0 : i32
    %dma_start3A_221 = tpu.memref_slice %arg4[%add3A_199, %dma_start3A_220] : memref<64x16384xf32, #tpu.memory_space<hbm>> -> memref<1x2048xf32, #tpu.memory_space<hbm>>
    %dma_start3A_222 = tpu.memref_squeeze %dma_start3A_221 : memref<1x2048xf32, #tpu.memory_space<hbm>> -> memref<2048xf32, #tpu.memory_space<hbm>>
    %dma_start3A_223 = arith.constant 0 : i32
    %dma_start3A_224 = tpu.memref_slice %arg4[%add3A_199, %dma_start3A_223] : memref<64x16384xf32, #tpu.memory_space<hbm>> -> memref<1x2048xf32, #tpu.memory_space<hbm>>
    %dma_start3A_225 = tpu.memref_squeeze %dma_start3A_224 : memref<1x2048xf32, #tpu.memory_space<hbm>> -> memref<2048xf32, #tpu.memory_space<hbm>>
    %dma_start3A_226 = arith.constant 0 : i32
    %dma_start3A_227 = tpu.memref_slice %arg7[%dma_start3A_216, %dma_start3A_226] : memref<4x2048xf32, #tpu.memory_space<vmem>> -> memref<1x2048xf32, #tpu.memory_space<vmem>>
    %dma_start3A_228 = tpu.memref_squeeze %dma_start3A_227 : memref<1x2048xf32, #tpu.memory_space<vmem>> -> memref<2048xf32, #tpu.memory_space<vmem>>
    tpu.enqueue_dma source(%dma_start3A_228 : memref<2048xf32, #tpu.memory_space<vmem>>) target(%dma_start3A_225 : memref<2048xf32, #tpu.memory_space<hbm>>) target_semaphore(%arg8 : memref<!tpu.dma_semaphore, #tpu.memory_space<semaphore_mem>>)
    %dma_wait3A_229 = arith.constant 1 : i32
    %dma_wait3A_230 = arith.constant 0 : i32
    %dma_wait3A_231 = tpu.memref_slice %arg7[%dma_wait3A_229, %dma_wait3A_230] : memref<4x2048xf32, #tpu.memory_space<vmem>> -> memref<1x2048xf32, #tpu.memory_space<vmem>>
    %dma_wait3A_232 = tpu.memref_squeeze %dma_wait3A_231 : memref<1x2048xf32, #tpu.memory_space<vmem>> -> memref<2048xf32, #tpu.memory_space<vmem>>
    %dma_wait3A_233 = arith.constant 10240 : i32
    %dma_wait3A_234 = tpu.memref_slice %arg4[%add3A_16, %dma_wait3A_233] : memref<64x16384xf32, #tpu.memory_space<hbm>> -> memref<1x2048xf32, #tpu.memory_space<hbm>>
    %dma_wait3A_235 = tpu.memref_squeeze %dma_wait3A_234 : memref<1x2048xf32, #tpu.memory_space<hbm>> -> memref<2048xf32, #tpu.memory_space<hbm>>
    %dma_wait3A_236 = arith.constant 10240 : i32
    %dma_wait3A_237 = tpu.memref_slice %arg4[%add3A_16, %dma_wait3A_236] : memref<64x16384xf32, #tpu.memory_space<hbm>> -> memref<1x2048xf32, #tpu.memory_space<hbm>>
    %dma_wait3A_238 = tpu.memref_squeeze %dma_wait3A_237 : memref<1x2048xf32, #tpu.memory_space<hbm>> -> memref<2048xf32, #tpu.memory_space<hbm>>
    %dma_wait3A_239 = arith.constant 0 : i32
    %dma_wait3A_240 = tpu.memref_slice %arg7[%dma_wait3A_229, %dma_wait3A_239] : memref<4x2048xf32, #tpu.memory_space<vmem>> -> memref<1x2048xf32, #tpu.memory_space<vmem>>
    %dma_wait3A_241 = tpu.memref_squeeze %dma_wait3A_240 : memref<1x2048xf32, #tpu.memory_space<vmem>> -> memref<2048xf32, #tpu.memory_space<vmem>>
    tpu.wait_dma2 semaphore(%arg8 : memref<!tpu.dma_semaphore, #tpu.memory_space<semaphore_mem>>) src(%dma_wait3A_241 : memref<2048xf32, #tpu.memory_space<vmem>>) dst(%dma_wait3A_238 : memref<2048xf32, #tpu.memory_space<hbm>>)
    %parallel_loop3A_242 = arith.constant 0 : i32
    %parallel_loop3A_243 = arith.constant 2048 : i32
    %parallel_loop3A_244 = arith.constant 16 : i32
    "tpu.trace_start"() <{level = 10 : i32, message = "gather1_1"}> : () -> ()
    scf.for %parallel_loop3A_484 = %parallel_loop3A_242 to %parallel_loop3A_243 step %parallel_loop3A_244  : i32 {
      %parallel_loop3A_485 = arith.constant 2048 : i32
      %parallel_loop3A_486 = arith.addi %parallel_loop3A_485, %parallel_loop3A_484 : i32
      %parallel_loop3A_487 = arith.index_cast %parallel_loop3A_486 : i32 to index
      %parallel_loop3A_488 = tpu.vector_load %arg5[%parallel_loop3A_487] {strides = array<i32>} : memref<16384xi32, #tpu.memory_space<vmem>>, vector<16xi32>,
      %parallel_loop3A_489 = tpu.vector_load_idx %arg6[%parallel_loop3A_488] : memref<100000xf32, #tpu.memory_space<vmem>>[vector<16xi32>], vector<16xf32>,
      %parallel_loop3A_490 = arith.constant 1 : i32
      %parallel_loop3A_491 = arith.index_cast %parallel_loop3A_490 : i32 to index
      %parallel_loop3A_492 = arith.index_cast %parallel_loop3A_484 : i32 to index
      %parallel_loop3A_493 = tpu.vector_load %arg7[%parallel_loop3A_491, %parallel_loop3A_492] {strides = array<i32>} : memref<4x2048xf32, #tpu.memory_space<vmem>>, vector<16xf32>,
      tpu.vector_store %arg7[%parallel_loop3A_491, %parallel_loop3A_492], %parallel_loop3A_489 {strides = array<i32>} : memref<4x2048xf32, #tpu.memory_space<vmem>>, vector<16xf32>,
    } {sc.loop_unroll_factor = 8 : i64, sc.parallel_access}
    %dma_start3A_245 = arith.constant 1 : i32
    "tpu.trace_stop"() : () -> ()
    %dma_start3A_246 = arith.constant 0 : i32
    %dma_start3A_247 = tpu.memref_slice %arg7[%dma_start3A_245, %dma_start3A_246] : memref<4x2048xf32, #tpu.memory_space<vmem>> -> memref<1x2048xf32, #tpu.memory_space<vmem>>
    %dma_start3A_248 = tpu.memref_squeeze %dma_start3A_247 : memref<1x2048xf32, #tpu.memory_space<vmem>> -> memref<2048xf32, #tpu.memory_space<vmem>>
    %dma_start3A_249 = arith.constant 2048 : i32
    %dma_start3A_250 = tpu.memref_slice %arg4[%add3A_199, %dma_start3A_249] : memref<64x16384xf32, #tpu.memory_space<hbm>> -> memref<1x2048xf32, #tpu.memory_space<hbm>>
    %dma_start3A_251 = tpu.memref_squeeze %dma_start3A_250 : memref<1x2048xf32, #tpu.memory_space<hbm>> -> memref<2048xf32, #tpu.memory_space<hbm>>
    %dma_start3A_252 = arith.constant 2048 : i32
    %dma_start3A_253 = tpu.memref_slice %arg4[%add3A_199, %dma_start3A_252] : memref<64x16384xf32, #tpu.memory_space<hbm>> -> memref<1x2048xf32, #tpu.memory_space<hbm>>
    %dma_start3A_254 = tpu.memref_squeeze %dma_start3A_253 : memref<1x2048xf32, #tpu.memory_space<hbm>> -> memref<2048xf32, #tpu.memory_space<hbm>>
    %dma_start3A_255 = arith.constant 0 : i32
    %dma_start3A_256 = tpu.memref_slice %arg7[%dma_start3A_245, %dma_start3A_255] : memref<4x2048xf32, #tpu.memory_space<vmem>> -> memref<1x2048xf32, #tpu.memory_space<vmem>>
    %dma_start3A_257 = tpu.memref_squeeze %dma_start3A_256 : memref<1x2048xf32, #tpu.memory_space<vmem>> -> memref<2048xf32, #tpu.memory_space<vmem>>
    tpu.enqueue_dma source(%dma_start3A_257 : memref<2048xf32, #tpu.memory_space<vmem>>) target(%dma_start3A_254 : memref<2048xf32, #tpu.memory_space<hbm>>) target_semaphore(%arg8 : memref<!tpu.dma_semaphore, #tpu.memory_space<semaphore_mem>>)
    %dma_wait3A_258 = arith.constant 2 : i32
    %dma_wait3A_259 = arith.constant 0 : i32
    %dma_wait3A_260 = tpu.memref_slice %arg7[%dma_wait3A_258, %dma_wait3A_259] : memref<4x2048xf32, #tpu.memory_space<vmem>> -> memref<1x2048xf32, #tpu.memory_space<vmem>>
    %dma_wait3A_261 = tpu.memref_squeeze %dma_wait3A_260 : memref<1x2048xf32, #tpu.memory_space<vmem>> -> memref<2048xf32, #tpu.memory_space<vmem>>
    %dma_wait3A_262 = arith.constant 12288 : i32
    %dma_wait3A_263 = tpu.memref_slice %arg4[%add3A_16, %dma_wait3A_262] : memref<64x16384xf32, #tpu.memory_space<hbm>> -> memref<1x2048xf32, #tpu.memory_space<hbm>>
    %dma_wait3A_264 = tpu.memref_squeeze %dma_wait3A_263 : memref<1x2048xf32, #tpu.memory_space<hbm>> -> memref<2048xf32, #tpu.memory_space<hbm>>
    %dma_wait3A_265 = arith.constant 12288 : i32
    %dma_wait3A_266 = tpu.memref_slice %arg4[%add3A_16, %dma_wait3A_265] : memref<64x16384xf32, #tpu.memory_space<hbm>> -> memref<1x2048xf32, #tpu.memory_space<hbm>>
    %dma_wait3A_267 = tpu.memref_squeeze %dma_wait3A_266 : memref<1x2048xf32, #tpu.memory_space<hbm>> -> memref<2048xf32, #tpu.memory_space<hbm>>
    %dma_wait3A_268 = arith.constant 0 : i32
    %dma_wait3A_269 = tpu.memref_slice %arg7[%dma_wait3A_258, %dma_wait3A_268] : memref<4x2048xf32, #tpu.memory_space<vmem>> -> memref<1x2048xf32, #tpu.memory_space<vmem>>
    %dma_wait3A_270 = tpu.memref_squeeze %dma_wait3A_269 : memref<1x2048xf32, #tpu.memory_space<vmem>> -> memref<2048xf32, #tpu.memory_space<vmem>>
    tpu.wait_dma2 semaphore(%arg8 : memref<!tpu.dma_semaphore, #tpu.memory_space<semaphore_mem>>) src(%dma_wait3A_270 : memref<2048xf32, #tpu.memory_space<vmem>>) dst(%dma_wait3A_267 : memref<2048xf32, #tpu.memory_space<hbm>>)
    %parallel_loop3A_271 = arith.constant 0 : i32
    %parallel_loop3A_272 = arith.constant 2048 : i32
    %parallel_loop3A_273 = arith.constant 16 : i32
    "tpu.trace_start"() <{level = 10 : i32, message = "gather1_2"}> : () -> ()
    scf.for %parallel_loop3A_484 = %parallel_loop3A_271 to %parallel_loop3A_272 step %parallel_loop3A_273  : i32 {
      %parallel_loop3A_485 = arith.constant 4096 : i32
      %parallel_loop3A_486 = arith.addi %parallel_loop3A_485, %parallel_loop3A_484 : i32
      %parallel_loop3A_487 = arith.index_cast %parallel_loop3A_486 : i32 to index
      %parallel_loop3A_488 = tpu.vector_load %arg5[%parallel_loop3A_487] {strides = array<i32>} : memref<16384xi32, #tpu.memory_space<vmem>>, vector<16xi32>,
      %parallel_loop3A_489 = tpu.vector_load_idx %arg6[%parallel_loop3A_488] : memref<100000xf32, #tpu.memory_space<vmem>>[vector<16xi32>], vector<16xf32>,
      %parallel_loop3A_490 = arith.constant 2 : i32
      %parallel_loop3A_491 = arith.index_cast %parallel_loop3A_490 : i32 to index
      %parallel_loop3A_492 = arith.index_cast %parallel_loop3A_484 : i32 to index
      %parallel_loop3A_493 = tpu.vector_load %arg7[%parallel_loop3A_491, %parallel_loop3A_492] {strides = array<i32>} : memref<4x2048xf32, #tpu.memory_space<vmem>>, vector<16xf32>,
      tpu.vector_store %arg7[%parallel_loop3A_491, %parallel_loop3A_492], %parallel_loop3A_489 {strides = array<i32>} : memref<4x2048xf32, #tpu.memory_space<vmem>>, vector<16xf32>,
    } {sc.loop_unroll_factor = 8 : i64, sc.parallel_access}
    %dma_start3A_274 = arith.constant 2 : i32
    "tpu.trace_stop"() : () -> ()
    %dma_start3A_275 = arith.constant 0 : i32
    %dma_start3A_276 = tpu.memref_slice %arg7[%dma_start3A_274, %dma_start3A_275] : memref<4x2048xf32, #tpu.memory_space<vmem>> -> memref<1x2048xf32, #tpu.memory_space<vmem>>
    %dma_start3A_277 = tpu.memref_squeeze %dma_start3A_276 : memref<1x2048xf32, #tpu.memory_space<vmem>> -> memref<2048xf32, #tpu.memory_space<vmem>>
    %dma_start3A_278 = arith.constant 4096 : i32
    %dma_start3A_279 = tpu.memref_slice %arg4[%add3A_199, %dma_start3A_278] : memref<64x16384xf32, #tpu.memory_space<hbm>> -> memref<1x2048xf32, #tpu.memory_space<hbm>>
    %dma_start3A_280 = tpu.memref_squeeze %dma_start3A_279 : memref<1x2048xf32, #tpu.memory_space<hbm>> -> memref<2048xf32, #tpu.memory_space<hbm>>
    %dma_start3A_281 = arith.constant 4096 : i32
    %dma_start3A_282 = tpu.memref_slice %arg4[%add3A_199, %dma_start3A_281] : memref<64x16384xf32, #tpu.memory_space<hbm>> -> memref<1x2048xf32, #tpu.memory_space<hbm>>
    %dma_start3A_283 = tpu.memref_squeeze %dma_start3A_282 : memref<1x2048xf32, #tpu.memory_space<hbm>> -> memref<2048xf32, #tpu.memory_space<hbm>>
    %dma_start3A_284 = arith.constant 0 : i32
    %dma_start3A_285 = tpu.memref_slice %arg7[%dma_start3A_274, %dma_start3A_284] : memref<4x2048xf32, #tpu.memory_space<vmem>> -> memref<1x2048xf32, #tpu.memory_space<vmem>>
    %dma_start3A_286 = tpu.memref_squeeze %dma_start3A_285 : memref<1x2048xf32, #tpu.memory_space<vmem>> -> memref<2048xf32, #tpu.memory_space<vmem>>
    tpu.enqueue_dma source(%dma_start3A_286 : memref<2048xf32, #tpu.memory_space<vmem>>) target(%dma_start3A_283 : memref<2048xf32, #tpu.memory_space<hbm>>) target_semaphore(%arg8 : memref<!tpu.dma_semaphore, #tpu.memory_space<semaphore_mem>>)
    %dma_wait3A_287 = arith.constant 3 : i32
    %dma_wait3A_288 = arith.constant 0 : i32
    %dma_wait3A_289 = tpu.memref_slice %arg7[%dma_wait3A_287, %dma_wait3A_288] : memref<4x2048xf32, #tpu.memory_space<vmem>> -> memref<1x2048xf32, #tpu.memory_space<vmem>>
    %dma_wait3A_290 = tpu.memref_squeeze %dma_wait3A_289 : memref<1x2048xf32, #tpu.memory_space<vmem>> -> memref<2048xf32, #tpu.memory_space<vmem>>
    %dma_wait3A_291 = arith.constant 14336 : i32
    %dma_wait3A_292 = tpu.memref_slice %arg4[%add3A_16, %dma_wait3A_291] : memref<64x16384xf32, #tpu.memory_space<hbm>> -> memref<1x2048xf32, #tpu.memory_space<hbm>>
    %dma_wait3A_293 = tpu.memref_squeeze %dma_wait3A_292 : memref<1x2048xf32, #tpu.memory_space<hbm>> -> memref<2048xf32, #tpu.memory_space<hbm>>
    %dma_wait3A_294 = arith.constant 14336 : i32
    %dma_wait3A_295 = tpu.memref_slice %arg4[%add3A_16, %dma_wait3A_294] : memref<64x16384xf32, #tpu.memory_space<hbm>> -> memref<1x2048xf32, #tpu.memory_space<hbm>>
    %dma_wait3A_296 = tpu.memref_squeeze %dma_wait3A_295 : memref<1x2048xf32, #tpu.memory_space<hbm>> -> memref<2048xf32, #tpu.memory_space<hbm>>
    %dma_wait3A_297 = arith.constant 0 : i32
    %dma_wait3A_298 = tpu.memref_slice %arg7[%dma_wait3A_287, %dma_wait3A_297] : memref<4x2048xf32, #tpu.memory_space<vmem>> -> memref<1x2048xf32, #tpu.memory_space<vmem>>
    %dma_wait3A_299 = tpu.memref_squeeze %dma_wait3A_298 : memref<1x2048xf32, #tpu.memory_space<vmem>> -> memref<2048xf32, #tpu.memory_space<vmem>>
    tpu.wait_dma2 semaphore(%arg8 : memref<!tpu.dma_semaphore, #tpu.memory_space<semaphore_mem>>) src(%dma_wait3A_299 : memref<2048xf32, #tpu.memory_space<vmem>>) dst(%dma_wait3A_296 : memref<2048xf32, #tpu.memory_space<hbm>>)
    %parallel_loop3A_300 = arith.constant 0 : i32
    %parallel_loop3A_301 = arith.constant 2048 : i32
    %parallel_loop3A_302 = arith.constant 16 : i32
    "tpu.trace_start"() <{level = 10 : i32, message = "gather1_3"}> : () -> ()
    scf.for %parallel_loop3A_484 = %parallel_loop3A_300 to %parallel_loop3A_301 step %parallel_loop3A_302  : i32 {
      %parallel_loop3A_485 = arith.constant 6144 : i32
      %parallel_loop3A_486 = arith.addi %parallel_loop3A_485, %parallel_loop3A_484 : i32
      %parallel_loop3A_487 = arith.index_cast %parallel_loop3A_486 : i32 to index
      %parallel_loop3A_488 = tpu.vector_load %arg5[%parallel_loop3A_487] {strides = array<i32>} : memref<16384xi32, #tpu.memory_space<vmem>>, vector<16xi32>,
      %parallel_loop3A_489 = tpu.vector_load_idx %arg6[%parallel_loop3A_488] : memref<100000xf32, #tpu.memory_space<vmem>>[vector<16xi32>], vector<16xf32>,
      %parallel_loop3A_490 = arith.constant 3 : i32
      %parallel_loop3A_491 = arith.index_cast %parallel_loop3A_490 : i32 to index
      %parallel_loop3A_492 = arith.index_cast %parallel_loop3A_484 : i32 to index
      %parallel_loop3A_493 = tpu.vector_load %arg7[%parallel_loop3A_491, %parallel_loop3A_492] {strides = array<i32>} : memref<4x2048xf32, #tpu.memory_space<vmem>>, vector<16xf32>,
      tpu.vector_store %arg7[%parallel_loop3A_491, %parallel_loop3A_492], %parallel_loop3A_489 {strides = array<i32>} : memref<4x2048xf32, #tpu.memory_space<vmem>>, vector<16xf32>,
    } {sc.loop_unroll_factor = 8 : i64, sc.parallel_access}
    %dma_start3A_303 = arith.constant 3 : i32
    "tpu.trace_stop"() : () -> ()
    %dma_start3A_304 = arith.constant 0 : i32
    %dma_start3A_305 = tpu.memref_slice %arg7[%dma_start3A_303, %dma_start3A_304] : memref<4x2048xf32, #tpu.memory_space<vmem>> -> memref<1x2048xf32, #tpu.memory_space<vmem>>
    %dma_start3A_306 = tpu.memref_squeeze %dma_start3A_305 : memref<1x2048xf32, #tpu.memory_space<vmem>> -> memref<2048xf32, #tpu.memory_space<vmem>>
    %dma_start3A_307 = arith.constant 6144 : i32
    %dma_start3A_308 = tpu.memref_slice %arg4[%add3A_199, %dma_start3A_307] : memref<64x16384xf32, #tpu.memory_space<hbm>> -> memref<1x2048xf32, #tpu.memory_space<hbm>>
    %dma_start3A_309 = tpu.memref_squeeze %dma_start3A_308 : memref<1x2048xf32, #tpu.memory_space<hbm>> -> memref<2048xf32, #tpu.memory_space<hbm>>
    %dma_start3A_310 = arith.constant 6144 : i32
    %dma_start3A_311 = tpu.memref_slice %arg4[%add3A_199, %dma_start3A_310] : memref<64x16384xf32, #tpu.memory_space<hbm>> -> memref<1x2048xf32, #tpu.memory_space<hbm>>
    %dma_start3A_312 = tpu.memref_squeeze %dma_start3A_311 : memref<1x2048xf32, #tpu.memory_space<hbm>> -> memref<2048xf32, #tpu.memory_space<hbm>>
    %dma_start3A_313 = arith.constant 0 : i32
    %dma_start3A_314 = tpu.memref_slice %arg7[%dma_start3A_303, %dma_start3A_313] : memref<4x2048xf32, #tpu.memory_space<vmem>> -> memref<1x2048xf32, #tpu.memory_space<vmem>>
    %dma_start3A_315 = tpu.memref_squeeze %dma_start3A_314 : memref<1x2048xf32, #tpu.memory_space<vmem>> -> memref<2048xf32, #tpu.memory_space<vmem>>
    tpu.enqueue_dma source(%dma_start3A_315 : memref<2048xf32, #tpu.memory_space<vmem>>) target(%dma_start3A_312 : memref<2048xf32, #tpu.memory_space<hbm>>) target_semaphore(%arg8 : memref<!tpu.dma_semaphore, #tpu.memory_space<semaphore_mem>>)
    %dma_wait3A_316 = arith.constant 0 : i32
    %dma_wait3A_317 = arith.constant 0 : i32
    %dma_wait3A_318 = tpu.memref_slice %arg7[%dma_wait3A_316, %dma_wait3A_317] : memref<4x2048xf32, #tpu.memory_space<vmem>> -> memref<1x2048xf32, #tpu.memory_space<vmem>>
    %dma_wait3A_319 = tpu.memref_squeeze %dma_wait3A_318 : memref<1x2048xf32, #tpu.memory_space<vmem>> -> memref<2048xf32, #tpu.memory_space<vmem>>
    %dma_wait3A_320 = arith.constant 0 : i32
    %dma_wait3A_321 = tpu.memref_slice %arg4[%add3A_199, %dma_wait3A_320] : memref<64x16384xf32, #tpu.memory_space<hbm>> -> memref<1x2048xf32, #tpu.memory_space<hbm>>
    %dma_wait3A_322 = tpu.memref_squeeze %dma_wait3A_321 : memref<1x2048xf32, #tpu.memory_space<hbm>> -> memref<2048xf32, #tpu.memory_space<hbm>>
    %dma_wait3A_323 = arith.constant 0 : i32
    %dma_wait3A_324 = tpu.memref_slice %arg4[%add3A_199, %dma_wait3A_323] : memref<64x16384xf32, #tpu.memory_space<hbm>> -> memref<1x2048xf32, #tpu.memory_space<hbm>>
    %dma_wait3A_325 = tpu.memref_squeeze %dma_wait3A_324 : memref<1x2048xf32, #tpu.memory_space<hbm>> -> memref<2048xf32, #tpu.memory_space<hbm>>
    %dma_wait3A_326 = arith.constant 0 : i32
    %dma_wait3A_327 = tpu.memref_slice %arg7[%dma_wait3A_316, %dma_wait3A_326] : memref<4x2048xf32, #tpu.memory_space<vmem>> -> memref<1x2048xf32, #tpu.memory_space<vmem>>
    %dma_wait3A_328 = tpu.memref_squeeze %dma_wait3A_327 : memref<1x2048xf32, #tpu.memory_space<vmem>> -> memref<2048xf32, #tpu.memory_space<vmem>>
    tpu.wait_dma2 semaphore(%arg8 : memref<!tpu.dma_semaphore, #tpu.memory_space<semaphore_mem>>) src(%dma_wait3A_328 : memref<2048xf32, #tpu.memory_space<vmem>>) dst(%dma_wait3A_325 : memref<2048xf32, #tpu.memory_space<hbm>>)
    %parallel_loop3A_329 = arith.constant 0 : i32
    %parallel_loop3A_330 = arith.constant 2048 : i32
    %parallel_loop3A_331 = arith.constant 16 : i32
    "tpu.trace_start"() <{level = 10 : i32, message = "gather1_4"}> : () -> ()
    scf.for %parallel_loop3A_484 = %parallel_loop3A_329 to %parallel_loop3A_330 step %parallel_loop3A_331  : i32 {
      %parallel_loop3A_485 = arith.constant 8192 : i32
      %parallel_loop3A_486 = arith.addi %parallel_loop3A_485, %parallel_loop3A_484 : i32
      %parallel_loop3A_487 = arith.index_cast %parallel_loop3A_486 : i32 to index
      %parallel_loop3A_488 = tpu.vector_load %arg5[%parallel_loop3A_487] {strides = array<i32>} : memref<16384xi32, #tpu.memory_space<vmem>>, vector<16xi32>,
      %parallel_loop3A_489 = tpu.vector_load_idx %arg6[%parallel_loop3A_488] : memref<100000xf32, #tpu.memory_space<vmem>>[vector<16xi32>], vector<16xf32>,
      %parallel_loop3A_490 = arith.constant 0 : i32
      %parallel_loop3A_491 = arith.index_cast %parallel_loop3A_490 : i32 to index
      %parallel_loop3A_492 = arith.index_cast %parallel_loop3A_484 : i32 to index
      %parallel_loop3A_493 = tpu.vector_load %arg7[%parallel_loop3A_491, %parallel_loop3A_492] {strides = array<i32>} : memref<4x2048xf32, #tpu.memory_space<vmem>>, vector<16xf32>,
      tpu.vector_store %arg7[%parallel_loop3A_491, %parallel_loop3A_492], %parallel_loop3A_489 {strides = array<i32>} : memref<4x2048xf32, #tpu.memory_space<vmem>>, vector<16xf32>,
    } {sc.loop_unroll_factor = 8 : i64, sc.parallel_access}
    %dma_start3A_332 = arith.constant 0 : i32
    "tpu.trace_stop"() : () -> ()
    %dma_start3A_333 = arith.constant 0 : i32
    %dma_start3A_334 = tpu.memref_slice %arg7[%dma_start3A_332, %dma_start3A_333] : memref<4x2048xf32, #tpu.memory_space<vmem>> -> memref<1x2048xf32, #tpu.memory_space<vmem>>
    %dma_start3A_335 = tpu.memref_squeeze %dma_start3A_334 : memref<1x2048xf32, #tpu.memory_space<vmem>> -> memref<2048xf32, #tpu.memory_space<vmem>>
    %dma_start3A_336 = arith.constant 8192 : i32
    %dma_start3A_337 = tpu.memref_slice %arg4[%add3A_199, %dma_start3A_336] : memref<64x16384xf32, #tpu.memory_space<hbm>> -> memref<1x2048xf32, #tpu.memory_space<hbm>>
    %dma_start3A_338 = tpu.memref_squeeze %dma_start3A_337 : memref<1x2048xf32, #tpu.memory_space<hbm>> -> memref<2048xf32, #tpu.memory_space<hbm>>
    %dma_start3A_339 = arith.constant 8192 : i32
    %dma_start3A_340 = tpu.memref_slice %arg4[%add3A_199, %dma_start3A_339] : memref<64x16384xf32, #tpu.memory_space<hbm>> -> memref<1x2048xf32, #tpu.memory_space<hbm>>
    %dma_start3A_341 = tpu.memref_squeeze %dma_start3A_340 : memref<1x2048xf32, #tpu.memory_space<hbm>> -> memref<2048xf32, #tpu.memory_space<hbm>>
    %dma_start3A_342 = arith.constant 0 : i32
    %dma_start3A_343 = tpu.memref_slice %arg7[%dma_start3A_332, %dma_start3A_342] : memref<4x2048xf32, #tpu.memory_space<vmem>> -> memref<1x2048xf32, #tpu.memory_space<vmem>>
    %dma_start3A_344 = tpu.memref_squeeze %dma_start3A_343 : memref<1x2048xf32, #tpu.memory_space<vmem>> -> memref<2048xf32, #tpu.memory_space<vmem>>
    tpu.enqueue_dma source(%dma_start3A_344 : memref<2048xf32, #tpu.memory_space<vmem>>) target(%dma_start3A_341 : memref<2048xf32, #tpu.memory_space<hbm>>) target_semaphore(%arg8 : memref<!tpu.dma_semaphore, #tpu.memory_space<semaphore_mem>>)
    %dma_wait3A_345 = arith.constant 1 : i32
    %dma_wait3A_346 = arith.constant 0 : i32
    %dma_wait3A_347 = tpu.memref_slice %arg7[%dma_wait3A_345, %dma_wait3A_346] : memref<4x2048xf32, #tpu.memory_space<vmem>> -> memref<1x2048xf32, #tpu.memory_space<vmem>>
    %dma_wait3A_348 = tpu.memref_squeeze %dma_wait3A_347 : memref<1x2048xf32, #tpu.memory_space<vmem>> -> memref<2048xf32, #tpu.memory_space<vmem>>
    %dma_wait3A_349 = arith.constant 2048 : i32
    %dma_wait3A_350 = tpu.memref_slice %arg4[%add3A_199, %dma_wait3A_349] : memref<64x16384xf32, #tpu.memory_space<hbm>> -> memref<1x2048xf32, #tpu.memory_space<hbm>>
    %dma_wait3A_351 = tpu.memref_squeeze %dma_wait3A_350 : memref<1x2048xf32, #tpu.memory_space<hbm>> -> memref<2048xf32, #tpu.memory_space<hbm>>
    %dma_wait3A_352 = arith.constant 2048 : i32
    %dma_wait3A_353 = tpu.memref_slice %arg4[%add3A_199, %dma_wait3A_352] : memref<64x16384xf32, #tpu.memory_space<hbm>> -> memref<1x2048xf32, #tpu.memory_space<hbm>>
    %dma_wait3A_354 = tpu.memref_squeeze %dma_wait3A_353 : memref<1x2048xf32, #tpu.memory_space<hbm>> -> memref<2048xf32, #tpu.memory_space<hbm>>
    %dma_wait3A_355 = arith.constant 0 : i32
    %dma_wait3A_356 = tpu.memref_slice %arg7[%dma_wait3A_345, %dma_wait3A_355] : memref<4x2048xf32, #tpu.memory_space<vmem>> -> memref<1x2048xf32, #tpu.memory_space<vmem>>
    %dma_wait3A_357 = tpu.memref_squeeze %dma_wait3A_356 : memref<1x2048xf32, #tpu.memory_space<vmem>> -> memref<2048xf32, #tpu.memory_space<vmem>>
    tpu.wait_dma2 semaphore(%arg8 : memref<!tpu.dma_semaphore, #tpu.memory_space<semaphore_mem>>) src(%dma_wait3A_357 : memref<2048xf32, #tpu.memory_space<vmem>>) dst(%dma_wait3A_354 : memref<2048xf32, #tpu.memory_space<hbm>>)
    %parallel_loop3A_358 = arith.constant 0 : i32
    %parallel_loop3A_359 = arith.constant 2048 : i32
    %parallel_loop3A_360 = arith.constant 16 : i32
    "tpu.trace_start"() <{level = 10 : i32, message = "gather1_5"}> : () -> ()
    scf.for %parallel_loop3A_484 = %parallel_loop3A_358 to %parallel_loop3A_359 step %parallel_loop3A_360  : i32 {
      %parallel_loop3A_485 = arith.constant 10240 : i32
      %parallel_loop3A_486 = arith.addi %parallel_loop3A_485, %parallel_loop3A_484 : i32
      %parallel_loop3A_487 = arith.index_cast %parallel_loop3A_486 : i32 to index
      %parallel_loop3A_488 = tpu.vector_load %arg5[%parallel_loop3A_487] {strides = array<i32>} : memref<16384xi32, #tpu.memory_space<vmem>>, vector<16xi32>,
      %parallel_loop3A_489 = tpu.vector_load_idx %arg6[%parallel_loop3A_488] : memref<100000xf32, #tpu.memory_space<vmem>>[vector<16xi32>], vector<16xf32>,
      %parallel_loop3A_490 = arith.constant 1 : i32
      %parallel_loop3A_491 = arith.index_cast %parallel_loop3A_490 : i32 to index
      %parallel_loop3A_492 = arith.index_cast %parallel_loop3A_484 : i32 to index
      %parallel_loop3A_493 = tpu.vector_load %arg7[%parallel_loop3A_491, %parallel_loop3A_492] {strides = array<i32>} : memref<4x2048xf32, #tpu.memory_space<vmem>>, vector<16xf32>,
      tpu.vector_store %arg7[%parallel_loop3A_491, %parallel_loop3A_492], %parallel_loop3A_489 {strides = array<i32>} : memref<4x2048xf32, #tpu.memory_space<vmem>>, vector<16xf32>,
    } {sc.loop_unroll_factor = 8 : i64, sc.parallel_access}
    %dma_start3A_361 = arith.constant 1 : i32
    "tpu.trace_stop"() : () -> ()
    %dma_start3A_362 = arith.constant 0 : i32
    %dma_start3A_363 = tpu.memref_slice %arg7[%dma_start3A_361, %dma_start3A_362] : memref<4x2048xf32, #tpu.memory_space<vmem>> -> memref<1x2048xf32, #tpu.memory_space<vmem>>
    %dma_start3A_364 = tpu.memref_squeeze %dma_start3A_363 : memref<1x2048xf32, #tpu.memory_space<vmem>> -> memref<2048xf32, #tpu.memory_space<vmem>>
    %dma_start3A_365 = arith.constant 10240 : i32
    %dma_start3A_366 = tpu.memref_slice %arg4[%add3A_199, %dma_start3A_365] : memref<64x16384xf32, #tpu.memory_space<hbm>> -> memref<1x2048xf32, #tpu.memory_space<hbm>>
    %dma_start3A_367 = tpu.memref_squeeze %dma_start3A_366 : memref<1x2048xf32, #tpu.memory_space<hbm>> -> memref<2048xf32, #tpu.memory_space<hbm>>
    %dma_start3A_368 = arith.constant 10240 : i32
    %dma_start3A_369 = tpu.memref_slice %arg4[%add3A_199, %dma_start3A_368] : memref<64x16384xf32, #tpu.memory_space<hbm>> -> memref<1x2048xf32, #tpu.memory_space<hbm>>
    %dma_start3A_370 = tpu.memref_squeeze %dma_start3A_369 : memref<1x2048xf32, #tpu.memory_space<hbm>> -> memref<2048xf32, #tpu.memory_space<hbm>>
    %dma_start3A_371 = arith.constant 0 : i32
    %dma_start3A_372 = tpu.memref_slice %arg7[%dma_start3A_361, %dma_start3A_371] : memref<4x2048xf32, #tpu.memory_space<vmem>> -> memref<1x2048xf32, #tpu.memory_space<vmem>>
    %dma_start3A_373 = tpu.memref_squeeze %dma_start3A_372 : memref<1x2048xf32, #tpu.memory_space<vmem>> -> memref<2048xf32, #tpu.memory_space<vmem>>
    tpu.enqueue_dma source(%dma_start3A_373 : memref<2048xf32, #tpu.memory_space<vmem>>) target(%dma_start3A_370 : memref<2048xf32, #tpu.memory_space<hbm>>) target_semaphore(%arg8 : memref<!tpu.dma_semaphore, #tpu.memory_space<semaphore_mem>>)
    %dma_wait3A_374 = arith.constant 2 : i32
    %dma_wait3A_375 = arith.constant 0 : i32
    %dma_wait3A_376 = tpu.memref_slice %arg7[%dma_wait3A_374, %dma_wait3A_375] : memref<4x2048xf32, #tpu.memory_space<vmem>> -> memref<1x2048xf32, #tpu.memory_space<vmem>>
    %dma_wait3A_377 = tpu.memref_squeeze %dma_wait3A_376 : memref<1x2048xf32, #tpu.memory_space<vmem>> -> memref<2048xf32, #tpu.memory_space<vmem>>
    %dma_wait3A_378 = arith.constant 4096 : i32
    %dma_wait3A_379 = tpu.memref_slice %arg4[%add3A_199, %dma_wait3A_378] : memref<64x16384xf32, #tpu.memory_space<hbm>> -> memref<1x2048xf32, #tpu.memory_space<hbm>>
    %dma_wait3A_380 = tpu.memref_squeeze %dma_wait3A_379 : memref<1x2048xf32, #tpu.memory_space<hbm>> -> memref<2048xf32, #tpu.memory_space<hbm>>
    %dma_wait3A_381 = arith.constant 4096 : i32
    %dma_wait3A_382 = tpu.memref_slice %arg4[%add3A_199, %dma_wait3A_381] : memref<64x16384xf32, #tpu.memory_space<hbm>> -> memref<1x2048xf32, #tpu.memory_space<hbm>>
    %dma_wait3A_383 = tpu.memref_squeeze %dma_wait3A_382 : memref<1x2048xf32, #tpu.memory_space<hbm>> -> memref<2048xf32, #tpu.memory_space<hbm>>
    %dma_wait3A_384 = arith.constant 0 : i32
    %dma_wait3A_385 = tpu.memref_slice %arg7[%dma_wait3A_374, %dma_wait3A_384] : memref<4x2048xf32, #tpu.memory_space<vmem>> -> memref<1x2048xf32, #tpu.memory_space<vmem>>
    %dma_wait3A_386 = tpu.memref_squeeze %dma_wait3A_385 : memref<1x2048xf32, #tpu.memory_space<vmem>> -> memref<2048xf32, #tpu.memory_space<vmem>>
    tpu.wait_dma2 semaphore(%arg8 : memref<!tpu.dma_semaphore, #tpu.memory_space<semaphore_mem>>) src(%dma_wait3A_386 : memref<2048xf32, #tpu.memory_space<vmem>>) dst(%dma_wait3A_383 : memref<2048xf32, #tpu.memory_space<hbm>>)
    %parallel_loop3A_387 = arith.constant 0 : i32
    %parallel_loop3A_388 = arith.constant 2048 : i32
    %parallel_loop3A_389 = arith.constant 16 : i32
    "tpu.trace_start"() <{level = 10 : i32, message = "gather1_6"}> : () -> ()
    scf.for %parallel_loop3A_484 = %parallel_loop3A_387 to %parallel_loop3A_388 step %parallel_loop3A_389  : i32 {
      %parallel_loop3A_485 = arith.constant 12288 : i32
      %parallel_loop3A_486 = arith.addi %parallel_loop3A_485, %parallel_loop3A_484 : i32
      %parallel_loop3A_487 = arith.index_cast %parallel_loop3A_486 : i32 to index
      %parallel_loop3A_488 = tpu.vector_load %arg5[%parallel_loop3A_487] {strides = array<i32>} : memref<16384xi32, #tpu.memory_space<vmem>>, vector<16xi32>,
      %parallel_loop3A_489 = tpu.vector_load_idx %arg6[%parallel_loop3A_488] : memref<100000xf32, #tpu.memory_space<vmem>>[vector<16xi32>], vector<16xf32>,
      %parallel_loop3A_490 = arith.constant 2 : i32
      %parallel_loop3A_491 = arith.index_cast %parallel_loop3A_490 : i32 to index
      %parallel_loop3A_492 = arith.index_cast %parallel_loop3A_484 : i32 to index
      %parallel_loop3A_493 = tpu.vector_load %arg7[%parallel_loop3A_491, %parallel_loop3A_492] {strides = array<i32>} : memref<4x2048xf32, #tpu.memory_space<vmem>>, vector<16xf32>,
      tpu.vector_store %arg7[%parallel_loop3A_491, %parallel_loop3A_492], %parallel_loop3A_489 {strides = array<i32>} : memref<4x2048xf32, #tpu.memory_space<vmem>>, vector<16xf32>,
    } {sc.loop_unroll_factor = 8 : i64, sc.parallel_access}
    %dma_start3A_390 = arith.constant 2 : i32
    "tpu.trace_stop"() : () -> ()
    %dma_start3A_391 = arith.constant 0 : i32
    %dma_start3A_392 = tpu.memref_slice %arg7[%dma_start3A_390, %dma_start3A_391] : memref<4x2048xf32, #tpu.memory_space<vmem>> -> memref<1x2048xf32, #tpu.memory_space<vmem>>
    %dma_start3A_393 = tpu.memref_squeeze %dma_start3A_392 : memref<1x2048xf32, #tpu.memory_space<vmem>> -> memref<2048xf32, #tpu.memory_space<vmem>>
    %dma_start3A_394 = arith.constant 12288 : i32
    %dma_start3A_395 = tpu.memref_slice %arg4[%add3A_199, %dma_start3A_394] : memref<64x16384xf32, #tpu.memory_space<hbm>> -> memref<1x2048xf32, #tpu.memory_space<hbm>>
    %dma_start3A_396 = tpu.memref_squeeze %dma_start3A_395 : memref<1x2048xf32, #tpu.memory_space<hbm>> -> memref<2048xf32, #tpu.memory_space<hbm>>
    %dma_start3A_397 = arith.constant 12288 : i32
    %dma_start3A_398 = tpu.memref_slice %arg4[%add3A_199, %dma_start3A_397] : memref<64x16384xf32, #tpu.memory_space<hbm>> -> memref<1x2048xf32, #tpu.memory_space<hbm>>
    %dma_start3A_399 = tpu.memref_squeeze %dma_start3A_398 : memref<1x2048xf32, #tpu.memory_space<hbm>> -> memref<2048xf32, #tpu.memory_space<hbm>>
    %dma_start3A_400 = arith.constant 0 : i32
    %dma_start3A_401 = tpu.memref_slice %arg7[%dma_start3A_390, %dma_start3A_400] : memref<4x2048xf32, #tpu.memory_space<vmem>> -> memref<1x2048xf32, #tpu.memory_space<vmem>>
    %dma_start3A_402 = tpu.memref_squeeze %dma_start3A_401 : memref<1x2048xf32, #tpu.memory_space<vmem>> -> memref<2048xf32, #tpu.memory_space<vmem>>
    tpu.enqueue_dma source(%dma_start3A_402 : memref<2048xf32, #tpu.memory_space<vmem>>) target(%dma_start3A_399 : memref<2048xf32, #tpu.memory_space<hbm>>) target_semaphore(%arg8 : memref<!tpu.dma_semaphore, #tpu.memory_space<semaphore_mem>>)
    %dma_wait3A_403 = arith.constant 3 : i32
    %dma_wait3A_404 = arith.constant 0 : i32
    %dma_wait3A_405 = tpu.memref_slice %arg7[%dma_wait3A_403, %dma_wait3A_404] : memref<4x2048xf32, #tpu.memory_space<vmem>> -> memref<1x2048xf32, #tpu.memory_space<vmem>>
    %dma_wait3A_406 = tpu.memref_squeeze %dma_wait3A_405 : memref<1x2048xf32, #tpu.memory_space<vmem>> -> memref<2048xf32, #tpu.memory_space<vmem>>
    %dma_wait3A_407 = arith.constant 6144 : i32
    %dma_wait3A_408 = tpu.memref_slice %arg4[%add3A_199, %dma_wait3A_407] : memref<64x16384xf32, #tpu.memory_space<hbm>> -> memref<1x2048xf32, #tpu.memory_space<hbm>>
    %dma_wait3A_409 = tpu.memref_squeeze %dma_wait3A_408 : memref<1x2048xf32, #tpu.memory_space<hbm>> -> memref<2048xf32, #tpu.memory_space<hbm>>
    %dma_wait3A_410 = arith.constant 6144 : i32
    %dma_wait3A_411 = tpu.memref_slice %arg4[%add3A_199, %dma_wait3A_410] : memref<64x16384xf32, #tpu.memory_space<hbm>> -> memref<1x2048xf32, #tpu.memory_space<hbm>>
    %dma_wait3A_412 = tpu.memref_squeeze %dma_wait3A_411 : memref<1x2048xf32, #tpu.memory_space<hbm>> -> memref<2048xf32, #tpu.memory_space<hbm>>
    %dma_wait3A_413 = arith.constant 0 : i32
    %dma_wait3A_414 = tpu.memref_slice %arg7[%dma_wait3A_403, %dma_wait3A_413] : memref<4x2048xf32, #tpu.memory_space<vmem>> -> memref<1x2048xf32, #tpu.memory_space<vmem>>
    %dma_wait3A_415 = tpu.memref_squeeze %dma_wait3A_414 : memref<1x2048xf32, #tpu.memory_space<vmem>> -> memref<2048xf32, #tpu.memory_space<vmem>>
    tpu.wait_dma2 semaphore(%arg8 : memref<!tpu.dma_semaphore, #tpu.memory_space<semaphore_mem>>) src(%dma_wait3A_415 : memref<2048xf32, #tpu.memory_space<vmem>>) dst(%dma_wait3A_412 : memref<2048xf32, #tpu.memory_space<hbm>>)
    %parallel_loop3A_416 = arith.constant 0 : i32
    %parallel_loop3A_417 = arith.constant 2048 : i32
    %parallel_loop3A_418 = arith.constant 16 : i32
    "tpu.trace_start"() <{level = 10 : i32, message = "gather1_7"}> : () -> ()
    scf.for %parallel_loop3A_484 = %parallel_loop3A_416 to %parallel_loop3A_417 step %parallel_loop3A_418  : i32 {
      %parallel_loop3A_485 = arith.constant 14336 : i32
      %parallel_loop3A_486 = arith.addi %parallel_loop3A_485, %parallel_loop3A_484 : i32
      %parallel_loop3A_487 = arith.index_cast %parallel_loop3A_486 : i32 to index
      %parallel_loop3A_488 = tpu.vector_load %arg5[%parallel_loop3A_487] {strides = array<i32>} : memref<16384xi32, #tpu.memory_space<vmem>>, vector<16xi32>,
      %parallel_loop3A_489 = tpu.vector_load_idx %arg6[%parallel_loop3A_488] : memref<100000xf32, #tpu.memory_space<vmem>>[vector<16xi32>], vector<16xf32>,
      %parallel_loop3A_490 = arith.constant 3 : i32
      %parallel_loop3A_491 = arith.index_cast %parallel_loop3A_490 : i32 to index
      %parallel_loop3A_492 = arith.index_cast %parallel_loop3A_484 : i32 to index
      %parallel_loop3A_493 = tpu.vector_load %arg7[%parallel_loop3A_491, %parallel_loop3A_492] {strides = array<i32>} : memref<4x2048xf32, #tpu.memory_space<vmem>>, vector<16xf32>,
      tpu.vector_store %arg7[%parallel_loop3A_491, %parallel_loop3A_492], %parallel_loop3A_489 {strides = array<i32>} : memref<4x2048xf32, #tpu.memory_space<vmem>>, vector<16xf32>,
    } {sc.loop_unroll_factor = 8 : i64, sc.parallel_access}
    %dma_start3A_419 = arith.constant 3 : i32
    "tpu.trace_stop"() : () -> ()
    %dma_start3A_420 = arith.constant 0 : i32
    %dma_start3A_421 = tpu.memref_slice %arg7[%dma_start3A_419, %dma_start3A_420] : memref<4x2048xf32, #tpu.memory_space<vmem>> -> memref<1x2048xf32, #tpu.memory_space<vmem>>
    %dma_start3A_422 = tpu.memref_squeeze %dma_start3A_421 : memref<1x2048xf32, #tpu.memory_space<vmem>> -> memref<2048xf32, #tpu.memory_space<vmem>>
    %dma_start3A_423 = arith.constant 14336 : i32
    %dma_start3A_424 = tpu.memref_slice %arg4[%add3A_199, %dma_start3A_423] : memref<64x16384xf32, #tpu.memory_space<hbm>> -> memref<1x2048xf32, #tpu.memory_space<hbm>>
    %dma_start3A_425 = tpu.memref_squeeze %dma_start3A_424 : memref<1x2048xf32, #tpu.memory_space<hbm>> -> memref<2048xf32, #tpu.memory_space<hbm>>
    %dma_start3A_426 = arith.constant 14336 : i32
    %dma_start3A_427 = tpu.memref_slice %arg4[%add3A_199, %dma_start3A_426] : memref<64x16384xf32, #tpu.memory_space<hbm>> -> memref<1x2048xf32, #tpu.memory_space<hbm>>
    %dma_start3A_428 = tpu.memref_squeeze %dma_start3A_427 : memref<1x2048xf32, #tpu.memory_space<hbm>> -> memref<2048xf32, #tpu.memory_space<hbm>>
    %dma_start3A_429 = arith.constant 0 : i32
    %dma_start3A_430 = tpu.memref_slice %arg7[%dma_start3A_419, %dma_start3A_429] : memref<4x2048xf32, #tpu.memory_space<vmem>> -> memref<1x2048xf32, #tpu.memory_space<vmem>>
    %dma_start3A_431 = tpu.memref_squeeze %dma_start3A_430 : memref<1x2048xf32, #tpu.memory_space<vmem>> -> memref<2048xf32, #tpu.memory_space<vmem>>
    tpu.enqueue_dma source(%dma_start3A_431 : memref<2048xf32, #tpu.memory_space<vmem>>) target(%dma_start3A_428 : memref<2048xf32, #tpu.memory_space<hbm>>) target_semaphore(%arg8 : memref<!tpu.dma_semaphore, #tpu.memory_space<semaphore_mem>>)
    %dma_wait3A_432 = arith.constant 0 : i32
    %dma_wait3A_433 = arith.constant 0 : i32
    %dma_wait3A_434 = tpu.memref_slice %arg7[%dma_wait3A_432, %dma_wait3A_433] : memref<4x2048xf32, #tpu.memory_space<vmem>> -> memref<1x2048xf32, #tpu.memory_space<vmem>>
    %dma_wait3A_435 = tpu.memref_squeeze %dma_wait3A_434 : memref<1x2048xf32, #tpu.memory_space<vmem>> -> memref<2048xf32, #tpu.memory_space<vmem>>
    %dma_wait3A_436 = arith.constant 8192 : i32
    %dma_wait3A_437 = tpu.memref_slice %arg4[%add3A_199, %dma_wait3A_436] : memref<64x16384xf32, #tpu.memory_space<hbm>> -> memref<1x2048xf32, #tpu.memory_space<hbm>>
    %dma_wait3A_438 = tpu.memref_squeeze %dma_wait3A_437 : memref<1x2048xf32, #tpu.memory_space<hbm>> -> memref<2048xf32, #tpu.memory_space<hbm>>
    %dma_wait3A_439 = arith.constant 8192 : i32
    %dma_wait3A_440 = tpu.memref_slice %arg4[%add3A_199, %dma_wait3A_439] : memref<64x16384xf32, #tpu.memory_space<hbm>> -> memref<1x2048xf32, #tpu.memory_space<hbm>>
    %dma_wait3A_441 = tpu.memref_squeeze %dma_wait3A_440 : memref<1x2048xf32, #tpu.memory_space<hbm>> -> memref<2048xf32, #tpu.memory_space<hbm>>
    %dma_wait3A_442 = arith.constant 0 : i32
    %dma_wait3A_443 = tpu.memref_slice %arg7[%dma_wait3A_432, %dma_wait3A_442] : memref<4x2048xf32, #tpu.memory_space<vmem>> -> memref<1x2048xf32, #tpu.memory_space<vmem>>
    %dma_wait3A_444 = tpu.memref_squeeze %dma_wait3A_443 : memref<1x2048xf32, #tpu.memory_space<vmem>> -> memref<2048xf32, #tpu.memory_space<vmem>>
    tpu.wait_dma2 semaphore(%arg8 : memref<!tpu.dma_semaphore, #tpu.memory_space<semaphore_mem>>) src(%dma_wait3A_444 : memref<2048xf32, #tpu.memory_space<vmem>>) dst(%dma_wait3A_441 : memref<2048xf32, #tpu.memory_space<hbm>>)
    %dma_wait3A_445 = arith.constant 1 : i32
    %dma_wait3A_446 = arith.constant 0 : i32
    %dma_wait3A_447 = tpu.memref_slice %arg7[%dma_wait3A_445, %dma_wait3A_446] : memref<4x2048xf32, #tpu.memory_space<vmem>> -> memref<1x2048xf32, #tpu.memory_space<vmem>>
    %dma_wait3A_448 = tpu.memref_squeeze %dma_wait3A_447 : memref<1x2048xf32, #tpu.memory_space<vmem>> -> memref<2048xf32, #tpu.memory_space<vmem>>
    %dma_wait3A_449 = arith.constant 10240 : i32
    %dma_wait3A_450 = tpu.memref_slice %arg4[%add3A_199, %dma_wait3A_449] : memref<64x16384xf32, #tpu.memory_space<hbm>> -> memref<1x2048xf32, #tpu.memory_space<hbm>>
    %dma_wait3A_451 = tpu.memref_squeeze %dma_wait3A_450 : memref<1x2048xf32, #tpu.memory_space<hbm>> -> memref<2048xf32, #tpu.memory_space<hbm>>
    %dma_wait3A_452 = arith.constant 10240 : i32
    %dma_wait3A_453 = tpu.memref_slice %arg4[%add3A_199, %dma_wait3A_452] : memref<64x16384xf32, #tpu.memory_space<hbm>> -> memref<1x2048xf32, #tpu.memory_space<hbm>>
    %dma_wait3A_454 = tpu.memref_squeeze %dma_wait3A_453 : memref<1x2048xf32, #tpu.memory_space<hbm>> -> memref<2048xf32, #tpu.memory_space<hbm>>
    %dma_wait3A_455 = arith.constant 0 : i32
    %dma_wait3A_456 = tpu.memref_slice %arg7[%dma_wait3A_445, %dma_wait3A_455] : memref<4x2048xf32, #tpu.memory_space<vmem>> -> memref<1x2048xf32, #tpu.memory_space<vmem>>
    %dma_wait3A_457 = tpu.memref_squeeze %dma_wait3A_456 : memref<1x2048xf32, #tpu.memory_space<vmem>> -> memref<2048xf32, #tpu.memory_space<vmem>>
    tpu.wait_dma2 semaphore(%arg8 : memref<!tpu.dma_semaphore, #tpu.memory_space<semaphore_mem>>) src(%dma_wait3A_457 : memref<2048xf32, #tpu.memory_space<vmem>>) dst(%dma_wait3A_454 : memref<2048xf32, #tpu.memory_space<hbm>>)
    %dma_wait3A_458 = arith.constant 2 : i32
    %dma_wait3A_459 = arith.constant 0 : i32
    %dma_wait3A_460 = tpu.memref_slice %arg7[%dma_wait3A_458, %dma_wait3A_459] : memref<4x2048xf32, #tpu.memory_space<vmem>> -> memref<1x2048xf32, #tpu.memory_space<vmem>>
    %dma_wait3A_461 = tpu.memref_squeeze %dma_wait3A_460 : memref<1x2048xf32, #tpu.memory_space<vmem>> -> memref<2048xf32, #tpu.memory_space<vmem>>
    %dma_wait3A_462 = arith.constant 12288 : i32
    %dma_wait3A_463 = tpu.memref_slice %arg4[%add3A_199, %dma_wait3A_462] : memref<64x16384xf32, #tpu.memory_space<hbm>> -> memref<1x2048xf32, #tpu.memory_space<hbm>>
    %dma_wait3A_464 = tpu.memref_squeeze %dma_wait3A_463 : memref<1x2048xf32, #tpu.memory_space<hbm>> -> memref<2048xf32, #tpu.memory_space<hbm>>
    %dma_wait3A_465 = arith.constant 12288 : i32
    %dma_wait3A_466 = tpu.memref_slice %arg4[%add3A_199, %dma_wait3A_465] : memref<64x16384xf32, #tpu.memory_space<hbm>> -> memref<1x2048xf32, #tpu.memory_space<hbm>>
    %dma_wait3A_467 = tpu.memref_squeeze %dma_wait3A_466 : memref<1x2048xf32, #tpu.memory_space<hbm>> -> memref<2048xf32, #tpu.memory_space<hbm>>
    %dma_wait3A_468 = arith.constant 0 : i32
    %dma_wait3A_469 = tpu.memref_slice %arg7[%dma_wait3A_458, %dma_wait3A_468] : memref<4x2048xf32, #tpu.memory_space<vmem>> -> memref<1x2048xf32, #tpu.memory_space<vmem>>
    %dma_wait3A_470 = tpu.memref_squeeze %dma_wait3A_469 : memref<1x2048xf32, #tpu.memory_space<vmem>> -> memref<2048xf32, #tpu.memory_space<vmem>>
    tpu.wait_dma2 semaphore(%arg8 : memref<!tpu.dma_semaphore, #tpu.memory_space<semaphore_mem>>) src(%dma_wait3A_470 : memref<2048xf32, #tpu.memory_space<vmem>>) dst(%dma_wait3A_467 : memref<2048xf32, #tpu.memory_space<hbm>>)
    %dma_wait3A_471 = arith.constant 3 : i32
    %dma_wait3A_472 = arith.constant 0 : i32
    %dma_wait3A_473 = tpu.memref_slice %arg7[%dma_wait3A_471, %dma_wait3A_472] : memref<4x2048xf32, #tpu.memory_space<vmem>> -> memref<1x2048xf32, #tpu.memory_space<vmem>>
    %dma_wait3A_474 = tpu.memref_squeeze %dma_wait3A_473 : memref<1x2048xf32, #tpu.memory_space<vmem>> -> memref<2048xf32, #tpu.memory_space<vmem>>
    %dma_wait3A_475 = arith.constant 14336 : i32
    %dma_wait3A_476 = tpu.memref_slice %arg4[%add3A_199, %dma_wait3A_475] : memref<64x16384xf32, #tpu.memory_space<hbm>> -> memref<1x2048xf32, #tpu.memory_space<hbm>>
    %dma_wait3A_477 = tpu.memref_squeeze %dma_wait3A_476 : memref<1x2048xf32, #tpu.memory_space<hbm>> -> memref<2048xf32, #tpu.memory_space<hbm>>
    %dma_wait3A_478 = arith.constant 14336 : i32
    %dma_wait3A_479 = tpu.memref_slice %arg4[%add3A_199, %dma_wait3A_478] : memref<64x16384xf32, #tpu.memory_space<hbm>> -> memref<1x2048xf32, #tpu.memory_space<hbm>>
    %dma_wait3A_480 = tpu.memref_squeeze %dma_wait3A_479 : memref<1x2048xf32, #tpu.memory_space<hbm>> -> memref<2048xf32, #tpu.memory_space<hbm>>
    %dma_wait3A_481 = arith.constant 0 : i32
    %dma_wait3A_482 = tpu.memref_slice %arg7[%dma_wait3A_471, %dma_wait3A_481] : memref<4x2048xf32, #tpu.memory_space<vmem>> -> memref<1x2048xf32, #tpu.memory_space<vmem>>
    %dma_wait3A_483 = tpu.memref_squeeze %dma_wait3A_482 : memref<1x2048xf32, #tpu.memory_space<vmem>> -> memref<2048xf32, #tpu.memory_space<vmem>>
    tpu.wait_dma2 semaphore(%arg8 : memref<!tpu.dma_semaphore, #tpu.memory_space<semaphore_mem>>) src(%dma_wait3A_483 : memref<2048xf32, #tpu.memory_space<vmem>>) dst(%dma_wait3A_480 : memref<2048xf32, #tpu.memory_space<hbm>>)
    return
  }
}

</mosaic_0001>

<sc_bundles>
// kernel: kernel.3.cloned.1.call-start
scs
__scs_entry_jumppad:
0x0: {  	(pc) =	sbr.rel $0x88, $3  }
0x1: {  	(tag) =	ssettag $0x0;
	lr =	simm.s32 $0x1  }
0x2: {  	[smem:$0x3F9F] =	sst lr;
	_ =	strace $0xD0000000  }
0x3: {  	_ = 	snop  }
0x4: {  	_ = 	snop  }
0x5: {  	_ = 	snop  }
0x6: {  	_ = 	snop  }
0x7: {  	_ = 	snop  }
__scs_overlays_trampoline_lowered:
0x8: {  	[smem:$0x3FAE] =	sst s0  }
0x9: {  	[smem:$0x3FAF] =	sst s1  }
0xa: {  	[smem:$0x3FB0] =	sst s2  }
0xb: {  	[smem:$0x3FB1] =	sst s3  }
0xc: {  	[smem:$0x3FB2] =	sst s4  }
0xd: {  	[smem:$0x3FB3] =	sst s5  }
0xe: {  	[smem:$0x3FB4] =	sst s6  }
0xf: {  	[smem:$0x3FB5] =	sst s7  }
0x10: {  	[smem:$0x3FB6] =	sst s8  }
0x11: {  	[smem:$0x3FB7] =	sst s9;
	s0 =	simm.s32 @!p0 $0x0  }
0x12: {  	s1 =	sld [smem:$0x3F9D];
	s0 =	simm.s32 @p0 $0x1  }
0x13: {  	[smem:$0x3FB8] =	sst s0;
	s0 =	simm.s32 @!p1 $0x0  }
0x14: {  	s2 =	sld [smem:$0x3F9C];
	s0 =	simm.s32 @p1 $0x1  }
0x15: {  	[smem:$0x3FB9] =	sst s0;
	s0 =	simm.s32 @!p2 $0x0  }
0x16: {  	s3 =	sld [smem:$0x3FDB];
	s0 =	simm.s32 @p2 $0x1  }
0x17: {  	s4 =	simm.s32 $0x1BF5;
	[smem:$0x3FBB] =	sst s0  }
0x18: {  	s0 =	sld [smem:$0x3F9E];
	_ =	swait.ge [sflag:s4], $0x0  }
0x19: {  	s7 =	sld [smem:$0x3F9F]  }
0x1a: {  	s8 =	sadd.s32 $0xFFFFE003, lr  }
0x1b: {  	s9 =	sadd.s32 $0xFFFFFEF7, lr;
	s5 =	simm.s32 $0xFFFFFFFF;
	p2 =	slt.u32 s8, $0xFFFFF086  }
0x1c: {  	p1 =	slt.u32 s9, $0xF7A;
	s5 =	simm.s32 @!p2 $0x0  }
0x1d: {  	s5 =	simm.s32 @p1 $0x1;
	p0 =	seq.s32 s7, s2  }
0x1e: {  	s7 =	smul.u32 @!p0 $0xF7A, s2;
	p2 =	seq.s32 @!p0 s5, $0x0  }
0x1f: {  	s9 =	smul.u32 $0xF7A, s1;
	s8 =	simm.s32 @!p0 $0x1BF5;
	p2 =	por !p2, p0  }
0x20: {  	[sflag:s8] =	ssyncset.s32 @!p0 $0xFFFFF086;
	s6 =	sadd.s32 @!p0 s3, s7;
	s7 =	simm.s32 @!p0 $0x108  }
0x21: {  	s3 =	sadd.s32 s3, s9;
	s6 =	sadd.s32 @!p0 $0x88, s6;
	s7 =	simm.s32 @p2 $0x1082  }
0x22: {  	[simem:s7], [sflag:s8] =	dma.local @!p0 [hbm:s6], $0xF7A  }
0x23: {  	s9 =	sor.u32 $0xD0000000, s2;
	s6 =	simm.s32 $0x108;
	_ =	swait.ge @!p0 [sflag:s8], $0x0  }
0x24: {  	s3 =	sadd.s32 $0x88, s3;
	s6 =	simm.s32 @!p1 $0x1082;
	[sflag:s4] =	ssyncset.s32 $0xFFFFF086  }
0x25: {  	[simem:s6], [sflag:s4] =	dma.local [hbm:s3], $0xF7A  }
0x26: {  	[smem:$0x3F9F] =	sst s1;
	(tag) =	ssettag s2;
	_ =	strace s9  }
0x27: {  	s1 =	sld [smem:$0x3FAF]  }
0x28: {  	s2 =	sld [smem:$0x3FB0]  }
0x29: {  	s4 =	sld [smem:$0x3FB2]  }
0x2a: {  	p0 =	seq.s32 s5, $0x0;
	s5 =	sld [smem:$0x3FB3]  }
0x2b: {  	s6 =	sld [smem:$0x3FB4]  }
0x2c: {  	s7 =	sld [smem:$0x3FB5]  }
0x2d: {  	s3 =	simm.s32 $0x108;
	s8 =	sld [smem:$0x3FB6]  }
0x2e: {  	s3 =	simm.s32 @!p0 $0x1082;
	s9 =	sld [smem:$0x3FB7]  }
0x2f: {  	lr =	sadd.s32 s0, s3;
	s0 =	sld [smem:$0x3FAE]  }
0x30: {  	s3 =	sld [smem:$0x3FB1]  }
0x31: {  	[smem:$0x3FBA] =	sst s10  }
0x32: {  	s10 =	sld [smem:$0x3FB8];
	_ =	sdelay $0x3  }
0x33: {  	p0 =	seq.s32 s10, $0x1;
	s10 =	sld [smem:$0x3FBA];
	_ =	sdelay $0x3  }
0x34: {  	[smem:$0x3FBA] =	sst s10  }
0x35: {  	s10 =	sld [smem:$0x3FB9];
	_ =	sdelay $0x3  }
0x36: {  	p1 =	seq.s32 s10, $0x1;
	s10 =	sld [smem:$0x3FBA];
	_ =	sdelay $0x3  }
0x37: {  	[smem:$0x3FBA] =	sst s10  }
0x38: {  	s10 =	sld [smem:$0x3FBB]  }
0x39: {  	_ = 	snop;
	(pc) =	sbr.ind lr, $3  }
0x3a: {  	_ = 	snop  }
0x3b: {  	_ = 	snop  }
0x3c: {  	p2 =	seq.s32 s10, $0x1;
	s10 =	sld [smem:$0x3FBA]  }
0x3d: {  	_ =	shalt  }
0x3e: {  	_ =	shalt  }
0x3f: {  	_ =	shalt  }
0x40: {  	_ =	shalt  }
0x41: {  	_ =	shalt  }
0x42: {  	_ =	shalt  }
0x43: {  	_ =	shalt  }
0x44: {  	_ =	shalt  }
0x45: {  	_ =	shalt  }
0x46: {  	_ =	shalt  }
0x47: {  	_ =	shalt  }
0x48: {  	_ =	shalt  }
0x49: {  	_ =	shalt  }
0x4a: {  	_ =	shalt  }
0x4b: {  	_ =	shalt  }
0x4c: {  	_ =	shalt  }
0x4d: {  	_ =	shalt  }
0x4e: {  	_ =	shalt  }
0x4f: {  	_ =	shalt  }
0x50: {  	_ =	shalt  }
0x51: {  	_ =	shalt  }
0x52: {  	_ =	shalt  }
0x53: {  	_ =	shalt  }
0x54: {  	_ =	shalt  }
0x55: {  	_ =	shalt  }
0x56: {  	_ =	shalt  }
0x57: {  	_ =	shalt  }
0x58: {  	_ =	shalt  }
0x59: {  	_ =	shalt  }
0x5a: {  	_ =	shalt  }
0x5b: {  	_ =	shalt  }
0x5c: {  	_ =	shalt  }
0x5d: {  	_ =	shalt  }
0x5e: {  	_ =	shalt  }
0x5f: {  	_ =	shalt  }
0x60: {  	_ =	shalt  }
0x61: {  	_ =	shalt  }
0x62: {  	_ =	shalt  }
0x63: {  	_ =	shalt  }
0x64: {  	_ =	shalt  }
0x65: {  	_ =	shalt  }
0x66: {  	_ =	shalt  }
0x67: {  	_ =	shalt  }
0x68: {  	_ =	shalt  }
0x69: {  	_ =	shalt  }
0x6a: {  	_ =	shalt  }
0x6b: {  	_ =	shalt  }
0x6c: {  	_ =	shalt  }
0x6d: {  	_ =	shalt  }
0x6e: {  	_ =	shalt  }
0x6f: {  	_ =	shalt  }
0x70: {  	_ =	shalt  }
0x71: {  	_ =	shalt  }
0x72: {  	_ =	shalt  }
0x73: {  	_ =	shalt  }
0x74: {  	_ =	shalt  }
0x75: {  	_ =	shalt  }
0x76: {  	_ =	shalt  }
0x77: {  	_ =	shalt  }
0x78: {  	_ =	shalt  }
0x79: {  	_ =	shalt  }
0x7a: {  	_ =	shalt  }
0x7b: {  	_ =	shalt  }
0x7c: {  	_ =	shalt  }
0x7d: {  	_ =	shalt  }
0x7e: {  	_ =	shalt  }
0x7f: {  	_ =	shalt  }
0x80: {  	_ =	shalt  }
0x81: {  	_ =	shalt  }
0x82: {  	_ =	shalt  }
0x83: {  	_ =	shalt  }
0x84: {  	_ =	shalt  }
0x85: {  	_ =	shalt  }
0x86: {  	_ =	shalt  }
0x87: {  	_ =	shalt  }
.Lfunc_end0:
.L_simem_size_0:
called_computation_lowered:
.L_overlay_start_0:
0x88: {  	s2 =	sld [smem:$0x3FD9]  }
0x89: {  	s3 =	sld [smem:$0x3FFE];
	_ =	sdelay $0x1  }
0x8a: {  	s1 =	srdreg.scid  }
0x8b: {  	s0 =	sand.u32 $0x1, s1  }
0x8c: {  	s15 =	sshll.u32 s0, $0xA;
	s2 =	sadd.s32 s3, s2  }
0x8d: {  	s2 =	sadd.s32 s2, s15  }
0x8e: {  	[smem:$0x3FC6] =	sst s2  }
0x8f: {  	_ = 	snop  }
0x90: {  	s2 =	sld [smem:$0x3FD0];
	_ =	sdelay $0x1  }
0x91: {  	s16 =	sld [smem:$0x3FC9]  }
0x92: {  	s5 =	simm.s32 $0xA;
	s6 =	simm.s32 $0x10;
	s4 =	sld [smem:$0x3FC8]  }
0x93: {  	[smem:s6], [sflag:s5] =	dma.local [hbm:s2], $0x1  }
0x94: {  	_ =	swait.eq [sflag:s5], $0x1  }
0x95: {  	[sflag:s5] =	ssyncset.done $0x0  }
0x96: {  	[sflag:s5] =	ssyncadd.s32 $0xFFFFFFFF  }
0x97: {  	s17 =	sld [smem:$0x10];
	(tm) =	ssettm $0x1  }
0x98: {  	s18 =	sld [smem:$0x3FFB];
	_ =	sdelay $0x3  }
0x99: {  	_ =	strace s18  }
0x9a: {  	s5 =	sld [smem:$0x3FFC];
	_ =	sdelay $0x3  }
0x9b: {  	_ =	strace s5  }
0x9c: {  	s5 =	sld [smem:$0x3FFD];
	_ =	sdelay $0x3  }
0x9d: {  	_ =	strace s5  }
0x9e: {  	_ =	strace $0x8FFFFFFF  }
0x9f: {  	s19 =	sld [smem:$0x3FDB];
	_ =	sdelay $0x1  }
0xa0: {  	s20 =	simm.s32 $_scs_section_size  }
0xa1: {  	s7 =	simm.s32 $_size__tile_overlayer_lowered;
	s8 =	simm.s32 $_tile_overlayer_lowered  }
0xa2: {  	s23 =	simm.s32 $0x1BFF;
	s22 =	sshll.u32 s8, $0x1;
	s5 =	sadd.s32 s20, s19  }
0xa3: {  	s9 =	simm.s32 $0x0;
	s21 =	sshll.u32 s7, $0x1;
	s7 =	sadd.s32 s22, s5  }
0xa4: {  	[timem:s9], [sflag:s23] =	dma.local [hbm:s7], s21  }
0xa5: {  	_ =	swait.ge [sflag:s23], s21  }
0xa6: {  	s6 =	ssub.s32 $0x0, s21;
	[sflag:s23] =	ssyncset.done $0x0  }
0xa7: {  	[sflag:s23] =	ssyncadd.s32 s6;
	_ =	sdelay $0x1  }
0xa8: {  	s24 =	simm.s32 $0x1B8B  }
0xa9: {  	_ =	swait.ge [sflag:s24], $0x1  }
0xaa: {  	[sflag:s24] =	ssyncset.done $0x0  }
0xab: {  	s25 =	simm.s32 $0x1B8E;
	[sflag:s24] =	ssyncadd.s32 $0xFFFFFFFF  }
0xac: {  	s26 =	simm.s32 $execute0_lowered;
	[smem:$0x3FD2] =	sst s25  }
0xad: {  	s6 =	sshll.u32 s26, $0x1;
	_ =	strace $0x80000046;
	[dreg:$0x1] =	wrdreg $0xFFFFFFFF  }
0xae: {  	s28 =	simm.s32 $_size_execute0_lowered;
	s5 =	sadd.s32 s5, s6;
	[dreg:$0x0] =	wrdreg $0x0  }
0xaf: {  	s6 =	sshll.u32 s28, $0x1;
	[dreg:$0x2] =	wrdreg s5  }
0xb0: {  	[dreg:$0x3] =	wrdreg s6  }
0xb1: {  	[dreg:$0x4] =	wrdreg $0xC0  }
0xb2: {  	_ =	task [dreg:s9], $0x5FFFF  }
0xb3: {  	[dreg:$0x1] =	wrdreg $0xFFFFFFFF  }
0xb4: {  	[dreg:$0x0] =	wrdreg $0x60  }
0xb5: {  	[dreg:$0x2] =	wrdreg s16  }
0xb6: {  	[dreg:$0x3] =	wrdreg s4  }
0xb7: {  	[dreg:$0x4] =	wrdreg s17  }
0xb8: {  	[dreg:$0x5] =	wrdreg $0x9  }
0xb9: {  	_ =	task.clear_ibuf [dreg:s9], $0x6FFFF;
	_ =	strace $0x90000046  }
0xba: {  	s29 =	simm.s32 $0x9;
	_ =	strace $0x80000059  }
0xbb: {  	_ =	swait.ge [sflag:s29], $0x1  }
0xbc: {  	[sflag:s29] =	ssyncadd.s32 $0xFFFFFFFF  }
0xbd: {  	_ =	strace $0x90000059  }
0xbe: {  	_ =	sfence  }
0xbf: {  	s30 =	sld [smem:$0x0];
	_ =	sdelay $0x2  }
0xc0: {  	s31 =	sshll.u32 s1, $0xD;
	s1 =	sshrl.u32 s1, $0x2  }
0xc1: {  	s3 =	sand.u32 $0x4000, s31;
	s1 =	sadd.s32 s1, s30  }
0xc2: {  	s0 =	sor.u32 s3, s0;
	s1 =	sshll.u32 s1, $0x11  }
0xc3: {  	s0 =	sor.u32 s1, s0  }
0xc4: {  	s0 =	sadd.s32 $0x8F2B, s0  }
0xc5: {  	[sflag:s0] =	ssyncadd.remote.s32 $0x1  }
0xc6: {  	_ =	sfence.sel $0xFFFF  }
0xc7: {  	[dreg:$0x0] =	wrdreg $0xFFFFFFFF;
	(pc) =	sbr.abs _section_cstart, $3  }
0xc8: {  	[dreg:$0x1] =	wrdreg $0xFFFFFFFF  }
0xc9: {  	_ =	task.clear_ibuf [dreg:s9], $0x2FFFF;
	_ =	strace $0x9FFFFFFF  }
0xca: {  	(tm) =	ssettm $0x7FFFFFFF  }
0xcb: {  	_ =	shalt  }
tec
execute0_lowered:
.L_overlay_start_1:
0x0: {  	(tag) =	ssettag $0x1  }
0x1: {  	s0 =	rddreg [dreg:$0x1]  }
0x2: {  	s1 =	rddreg [dreg:$0x2];
	s3 =	simm.s32 $0x0;
	s2 =	srdreg.scid  }
0x3: {  	s5 =	stileid.u32;
	s28 =	simm.s32 $0x1DE80;
	s29 =	simm.s32 $0x1E080  }
0x4: {  	s30 =	simm.s32 $0x1E280;
	s31 =	simm.s32 $0x1E480;
	[smem:$0x7FF] =	sst s3  }
0x5: {  	s2 =	sand.u32 $0x1, s2;
	s4 =	sshll.u32 s5, $0x9;
	s5 =	sshrl.u32 s5, $0x1  }
0x6: {  	s15 =	sadd.s32 $0x800, s1;
	s16 =	sadd.s32 $0x1000, s1;
	s17 =	sadd.s32 $0x1800, s1  }
0x7: {  	s18 =	sadd.s32 $0x2000, s1;
	s19 =	sadd.s32 $0x2800, s1;
	s20 =	sadd.s32 $0x3000, s1  }
0x8: {  	s21 =	sadd.s32 $0x3800, s1;
	_ =	strace $0x80000047;
	s6 =	sshll.u32 s2, $0x8  }
0x9: {  	s4 =	sand.u32 $0x200, s4;
	s12 =	smul.u32 $0xC3800, s5;
	s2 =	ssub.s32 $0x2, s2  }
0xa: {  	s13 =	sshll.u32 s5, $0x11;
	s4 =	sor.u32 s6, s4;
	s23 =	sshrl.u32 s2, $0x1  }
0xb: {  	s6 =	sor.u32 s12, s4;
	s7 =	sor.u32 s13, s4;
	s2 =	ssub.s32 s2, s23  }
0xc: {  	s4 =	sor.u32 $0x80, s4;
	s24 =	sshrl.u32 s6, $0x3;
	s14 =	sshrl.u32 s7, $0x3  }
0xd: {  	s22 =	sor.u32 s12, s4;
	s4 =	sor.u32 s13, s4;
	s26 =	smax.u32 s2, $0x1  }
0xe: {  	s13 =	simm.s32 $0x1DA80;
	s2 =	simm.s32 $0x1;
	s5 =	sadd.s32 s0, s24  }
0xf: {  	s6 =	sadd.s32 s14, s15;
	s7 =	sadd.s32 s14, s16;
	s8 =	sadd.s32 s14, s17  }
0x10: {  	s9 =	sadd.s32 s14, s18;
	s10 =	sadd.s32 s14, s19;
	s11 =	sadd.s32 s14, s20  }
0x11: {  	s12 =	sadd.s32 s14, s21;
	s25 =	sshrl.u32 s22, $0x3;
	s4 =	sshrl.u32 s4, $0x3  }
0x12: {  	[dreg:$0x6] =	wrdreg s26;
	s26 =	simm.s32 $0x3;
	s22 =	simm.s32 $0x1DC80  }
0x13: {  	[dreg:$0x4] =	wrdreg s5;
	s5 =	sadd.s32 s1, s14;
	s0 =	sadd.s32 s0, s25  }
0x14: {  	s14 =	sadd.s32 s1, s4;
	s15 =	sadd.s32 s4, s15;
	s16 =	sadd.s32 s4, s16  }
0x15: {  	s17 =	sadd.s32 s4, s17;
	s18 =	sadd.s32 s4, s18;
	s19 =	sadd.s32 s4, s19  }
0x16: {  	s20 =	sadd.s32 s4, s20;
	s21 =	sadd.s32 s4, s21;
	s25 =	simm.s32 $0x4000  }
0x17: {  	s1 =	simm.s32 $0x0;
	[dreg:$0x5] =	wrdreg s0;
	s0 =	simm.s32 $0x1E680  }
.LBB2_1:
0x18: {  	s4 =	rddreg [dreg:$0x4];
	s23 =	simm.s32 $0x80;
	s24 =	simm.s32 $0x400  }
0x19: {  	[tilespmem:s25], [sflag:$0x2] =	stream.strided.gather [hbm4b:s4+s23], $0x18700, s24, s23, $0x38;
	[tilespmem:$0x1E700] =	vst v63  }
0x1a: {  	s24 =	rddreg [dreg:$0x0]  }
0x1b: {  	[tilespmem:s3], [sflag:$0x3] =	stream.linear.gather [hbm4b:s24+s3], $0x4000, $0x38;
	[tilespmem:$0x1E700] =	vst v63  }
0x1c: {  	_ =	swait.ge [sflag:s26], $0x4000  }
0x1d: {  	[sflag:s26] =	ssyncset.done $0x0  }
0x1e: {  	s23 =	simm.s32 $0x2;
	[sflag:s26] =	ssyncadd.s32 $0xFFFFC000  }
0x1f: {  	_ =	swait.ge [sflag:s23], $0x18700  }
0x20: {  	[sflag:s23] =	ssyncset.done $0x0  }
0x21: {  	[sflag:s23] =	ssyncadd.s32 $0xFFFE7900  }
0x22: {  	s24 =	simm.s32 $0x40;
	_ =	strace $0x80000048  }
0x23: {  	v0 =	vld [tilespmem:s24+$0x30]  }
0x24: {  	v1 =	vld [tilespmem:s24+$0xFFFFFFD0]  }
0x25: {  	v2 =	vld [tilespmem:s24+$0xFFFFFFE0]  }
0x26: {  	v3 =	vld [tilespmem:s24+$0xFFFFFFF0]  }
0x27: {  	v4 =	vld [tilespmem:s24+$0x0]  }
0x28: {  	v6 =	vld [tilespmem:s24+$0x10]  }
0x29: {  	v7 =	vld [tilespmem:s24+$0x20]  }
0x2a: {  	v8 =	vld [tilespmem:s24+$0xFFFFFFC0]  }
0x2b: {  	v9 =	vld.idx.msk [tilespmem:v0+s25+$0x0], $0xffff  }
0x2c: {  	v10 =	vld.idx.msk [tilespmem:v1+s25+$0x0], $0xffff  }
0x2d: {  	v5 =	vld.idx.msk [tilespmem:v2+s25+$0x0], $0xffff  }
0x2e: {  	v3 =	vld.idx.msk [tilespmem:v3+s25+$0x0], $0xffff  }
0x2f: {  	v0 =	vld.idx.msk [tilespmem:v4+s25+$0x0], $0xffff  }
0x30: {  	s4 =	simm.s32 $0x1C740;
	v1 =	vld.idx.msk [tilespmem:v6+s25+$0x0], $0xffff  }
0x31: {  	v2 =	vld.idx.msk [tilespmem:v7+s25+$0x0], $0xffff;
	[tilespmem:s4+$0x30] =	vst v9  }
0x32: {  	s23 =	simm.s32 $0x0;
	s24 =	simm.s32 $0xC0;
	v4 =	vld.idx.msk [tilespmem:v8+s25+$0x0], $0xffff;
	[tilespmem:s4+$0xFFFFFFD0] =	vst v10  }
.LBB2_2:
0x33: {  	v6 =	vld [tilespmem:s24+$0x30];
	s23 =	sadd.s32 $0x80, s23;
	[tilespmem:s4+$0xFFFFFFE0] =	vst v5  }
0x34: {  	v5 =	vld [tilespmem:s24+$0xFFFFFFD0];
	p0 =	slt.u32 s23, $0x780;
	[tilespmem:s4+$0xFFFFFFF0] =	vst v3  }
0x35: {  	v3 =	vld [tilespmem:s24+$0xFFFFFFE0];
	[tilespmem:s4+$0x0] =	vst v0  }
0x36: {  	v0 =	vld [tilespmem:s24+$0xFFFFFFF0];
	[tilespmem:s4+$0x10] =	vst v1  }
0x37: {  	v1 =	vld [tilespmem:s24+$0x0];
	[tilespmem:s4+$0x20] =	vst v2  }
0x38: {  	v2 =	vld [tilespmem:s24+$0x10];
	[tilespmem:s4+$0xFFFFFFC0] =	vst v4  }
0x39: {  	v4 =	vld [tilespmem:s24+$0x20]  }
0x3a: {  	v7 =	vld [tilespmem:s24+$0xFFFFFFC0]  }
0x3b: {  	v6 =	vld.idx.msk [tilespmem:v6+s25+$0x0], $0xffff  }
0x3c: {  	v8 =	vld.idx.msk [tilespmem:v5+s25+$0x0], $0xffff  }
0x3d: {  	v5 =	vld.idx.msk [tilespmem:v3+s25+$0x0], $0xffff  }
.Ltmp0:
0x3e: {  	v3 =	vld.idx.msk [tilespmem:v0+s25+$0x0], $0xffff;
	(pc) =	sbr.rel @p0 .LBB2_2-.Ltmp0, $4  }
0x3f: {  	v0 =	vld.idx.msk [tilespmem:v1+s25+$0x0], $0xffff  }
0x40: {  	s4 =	sadd.s32 $0x200, s4;
	v1 =	vld.idx.msk [tilespmem:v2+s25+$0x0], $0xffff  }
0x41: {  	v2 =	vld.idx.msk [tilespmem:v4+s25+$0x0], $0xffff;
	[tilespmem:s4+$0x30] =	vst v6  }
0x42: {  	s24 =	sadd.s32 $0x80, s24;
	v4 =	vld.idx.msk [tilespmem:v7+s25+$0x0], $0xffff;
	[tilespmem:s4+$0xFFFFFFD0] =	vst v8  }
0x43: {  	[tilespmem:s4+$0xFFFFFFE0] =	vst v5  }
0x44: {  	[tilespmem:s4+$0xFFFFFFF0] =	vst v3  }
0x45: {  	[tilespmem:s4+$0x0] =	vst v0  }
0x46: {  	[tilespmem:s4+$0x10] =	vst v1  }
0x47: {  	[tilespmem:s4+$0x20] =	vst v2  }
0x48: {  	[tilespmem:s4+$0xFFFFFFC0] =	vst v4  }
0x49: {  	s23 =	simm.s32 $0x1C700;
	_ =	strace $0x90000048  }
0x4a: {  	[hbm4b:s5+s3] =	stream.linear.scatter [tilespmem:s23], [sflag:$0x1], $0x80, $0x38;
	[tilespmem:$0x1E700] =	vst v63  }
0x4b: {  	s24 =	sadd.s32 $0x80, s5;
	s23 =	simm.s32 $0x1C900  }
0x4c: {  	[hbm4b:s24+s3] =	stream.linear.scatter [tilespmem:s23], [sflag:$0x1], $0x80, $0x38;
	[tilespmem:$0x1E700] =	vst v63  }
0x4d: {  	s23 =	sadd.s32 $0x100, s5;
	s24 =	simm.s32 $0x1CB00  }
0x4e: {  	[hbm4b:s23+s3] =	stream.linear.scatter [tilespmem:s24], [sflag:$0x1], $0x80, $0x38;
	[tilespmem:$0x1E700] =	vst v63  }
0x4f: {  	s23 =	sadd.s32 $0x180, s5;
	s24 =	simm.s32 $0x1CD00  }
0x50: {  	[hbm4b:s23+s3] =	stream.linear.scatter [tilespmem:s24], [sflag:$0x1], $0x80, $0x38;
	[tilespmem:$0x1E700] =	vst v63  }
0x51: {  	s23 =	sadd.s32 $0x200, s5;
	s24 =	simm.s32 $0x1CF00  }
0x52: {  	[hbm4b:s23+s3] =	stream.linear.scatter [tilespmem:s24], [sflag:$0x1], $0x80, $0x38;
	[tilespmem:$0x1E700] =	vst v63  }
0x53: {  	s23 =	sadd.s32 $0x280, s5;
	s24 =	simm.s32 $0x1D100  }
0x54: {  	[hbm4b:s23+s3] =	stream.linear.scatter [tilespmem:s24], [sflag:$0x1], $0x80, $0x38;
	[tilespmem:$0x1E700] =	vst v63  }
0x55: {  	s23 =	sadd.s32 $0x300, s5;
	s24 =	simm.s32 $0x1D300  }
0x56: {  	[hbm4b:s23+s3] =	stream.linear.scatter [tilespmem:s24], [sflag:$0x1], $0x80, $0x38;
	[tilespmem:$0x1E700] =	vst v63  }
0x57: {  	s23 =	sadd.s32 $0x380, s5;
	s24 =	simm.s32 $0x1D500  }
0x58: {  	[hbm4b:s23+s3] =	stream.linear.scatter [tilespmem:s24], [sflag:$0x1], $0x80, $0x38;
	[tilespmem:$0x1E700] =	vst v63  }
0x59: {  	s23 =	sadd.s32 $0x400, s5;
	s24 =	simm.s32 $0x1D700  }
0x5a: {  	[hbm4b:s23+s3] =	stream.linear.scatter [tilespmem:s24], [sflag:$0x1], $0x80, $0x38;
	[tilespmem:$0x1E700] =	vst v63  }
0x5b: {  	s23 =	sadd.s32 $0x480, s5;
	s24 =	simm.s32 $0x1D900  }
0x5c: {  	[hbm4b:s23+s3] =	stream.linear.scatter [tilespmem:s24], [sflag:$0x1], $0x80, $0x38;
	[tilespmem:$0x1E700] =	vst v63  }
0x5d: {  	s23 =	sadd.s32 $0x500, s5;
	s24 =	simm.s32 $0x1DB00  }
0x5e: {  	[hbm4b:s23+s3] =	stream.linear.scatter [tilespmem:s24], [sflag:$0x1], $0x80, $0x38;
	[tilespmem:$0x1E700] =	vst v63  }
0x5f: {  	s23 =	sadd.s32 $0x580, s5;
	s24 =	simm.s32 $0x1DD00  }
0x60: {  	[hbm4b:s23+s3] =	stream.linear.scatter [tilespmem:s24], [sflag:$0x1], $0x80, $0x38;
	[tilespmem:$0x1E700] =	vst v63  }
0x61: {  	s23 =	sadd.s32 $0x600, s5;
	s24 =	simm.s32 $0x1DF00  }
0x62: {  	[hbm4b:s23+s3] =	stream.linear.scatter [tilespmem:s24], [sflag:$0x1], $0x80, $0x38;
	[tilespmem:$0x1E700] =	vst v63  }
0x63: {  	s23 =	sadd.s32 $0x680, s5;
	s24 =	simm.s32 $0x1E100  }
0x64: {  	[hbm4b:s23+s3] =	stream.linear.scatter [tilespmem:s24], [sflag:$0x1], $0x80, $0x38;
	[tilespmem:$0x1E700] =	vst v63  }
0x65: {  	s23 =	sadd.s32 $0x700, s5;
	s24 =	simm.s32 $0x1E300  }
0x66: {  	[hbm4b:s23+s3] =	stream.linear.scatter [tilespmem:s24], [sflag:$0x1], $0x80, $0x38;
	[tilespmem:$0x1E700] =	vst v63  }
0x67: {  	s23 =	sadd.s32 $0x780, s5;
	s24 =	simm.s32 $0x1E500  }
0x68: {  	[hbm4b:s23+s3] =	stream.linear.scatter [tilespmem:s24], [sflag:$0x1], $0x80, $0x38;
	[tilespmem:$0x1E700] =	vst v63  }
0x69: {  	s24 =	simm.s32 $0x870;
	_ =	strace $0x80000049  }
0x6a: {  	v0 =	vld [tilespmem:s24+$0x0]  }
0x6b: {  	v1 =	vld [tilespmem:s24+$0xFFFFFFA0]  }
0x6c: {  	v2 =	vld [tilespmem:s24+$0xFFFFFFB0]  }
0x6d: {  	v3 =	vld [tilespmem:s24+$0xFFFFFFC0]  }
0x6e: {  	v4 =	vld [tilespmem:s24+$0xFFFFFFD0]  }
0x6f: {  	v6 =	vld [tilespmem:s24+$0xFFFFFFE0]  }
0x70: {  	v7 =	vld [tilespmem:s24+$0xFFFFFFF0]  }
0x71: {  	v8 =	vld [tilespmem:s24+$0xFFFFFF90]  }
0x72: {  	v9 =	vld.idx.msk [tilespmem:v0+s25+$0x0], $0xffff  }
0x73: {  	v10 =	vld.idx.msk [tilespmem:v1+s25+$0x0], $0xffff  }
0x74: {  	v5 =	vld.idx.msk [tilespmem:v2+s25+$0x0], $0xffff  }
0x75: {  	v3 =	vld.idx.msk [tilespmem:v3+s25+$0x0], $0xffff  }
0x76: {  	v0 =	vld.idx.msk [tilespmem:v4+s25+$0x0], $0xffff  }
0x77: {  	s4 =	simm.s32 $0x1C7F0;
	v1 =	vld.idx.msk [tilespmem:v6+s25+$0x0], $0xffff  }
0x78: {  	v2 =	vld.idx.msk [tilespmem:v7+s25+$0x0], $0xffff;
	[tilespmem:s4+$0x0] =	vst v9  }
0x79: {  	s23 =	simm.s32 $0x0;
	s24 =	simm.s32 $0x8F0;
	v4 =	vld.idx.msk [tilespmem:v8+s25+$0x0], $0xffff;
	[tilespmem:s4+$0xFFFFFFA0] =	vst v10  }
.LBB2_4:
0x7a: {  	v6 =	vld [tilespmem:s24+$0x0];
	s23 =	sadd.s32 $0x80, s23;
	[tilespmem:s4+$0xFFFFFFB0] =	vst v5  }
0x7b: {  	v5 =	vld [tilespmem:s24+$0xFFFFFFA0];
	p0 =	slt.u32 s23, $0x780;
	[tilespmem:s4+$0xFFFFFFC0] =	vst v3  }
0x7c: {  	v3 =	vld [tilespmem:s24+$0xFFFFFFB0];
	[tilespmem:s4+$0xFFFFFFD0] =	vst v0  }
0x7d: {  	v0 =	vld [tilespmem:s24+$0xFFFFFFC0];
	[tilespmem:s4+$0xFFFFFFE0] =	vst v1  }
0x7e: {  	v1 =	vld [tilespmem:s24+$0xFFFFFFD0];
	[tilespmem:s4+$0xFFFFFFF0] =	vst v2  }
0x7f: {  	v2 =	vld [tilespmem:s24+$0xFFFFFFE0];
	[tilespmem:s4+$0xFFFFFF90] =	vst v4  }
0x80: {  	v4 =	vld [tilespmem:s24+$0xFFFFFFF0]  }
0x81: {  	v7 =	vld [tilespmem:s24+$0xFFFFFF90]  }
0x82: {  	v6 =	vld.idx.msk [tilespmem:v6+s25+$0x0], $0xffff  }
0x83: {  	v8 =	vld.idx.msk [tilespmem:v5+s25+$0x0], $0xffff  }
0x84: {  	v5 =	vld.idx.msk [tilespmem:v3+s25+$0x0], $0xffff  }
.Ltmp1:
0x85: {  	v3 =	vld.idx.msk [tilespmem:v0+s25+$0x0], $0xffff;
	(pc) =	sbr.rel @p0 .LBB2_4-.Ltmp1, $4  }
0x86: {  	v0 =	vld.idx.msk [tilespmem:v1+s25+$0x0], $0xffff  }
0x87: {  	s4 =	sadd.s32 $0x200, s4;
	v1 =	vld.idx.msk [tilespmem:v2+s25+$0x0], $0xffff  }
0x88: {  	v2 =	vld.idx.msk [tilespmem:v4+s25+$0x0], $0xffff;
	[tilespmem:s4+$0x0] =	vst v6  }
0x89: {  	s24 =	sadd.s32 $0x80, s24;
	v4 =	vld.idx.msk [tilespmem:v7+s25+$0x0], $0xffff;
	[tilespmem:s4+$0xFFFFFFA0] =	vst v8  }
0x8a: {  	[tilespmem:s4+$0xFFFFFFB0] =	vst v5  }
0x8b: {  	[tilespmem:s4+$0xFFFFFFC0] =	vst v3  }
0x8c: {  	[tilespmem:s4+$0xFFFFFFD0] =	vst v0  }
0x8d: {  	[tilespmem:s4+$0xFFFFFFE0] =	vst v1  }
0x8e: {  	[tilespmem:s4+$0xFFFFFFF0] =	vst v2  }
0x8f: {  	[tilespmem:s4+$0xFFFFFF90] =	vst v4  }
0x90: {  	s23 =	simm.s32 $0x1C780;
	_ =	strace $0x90000049  }
0x91: {  	[hbm4b:s6+s3] =	stream.linear.scatter [tilespmem:s23], [sflag:$0x1], $0x80, $0x38;
	[tilespmem:$0x1E700] =	vst v63  }
0x92: {  	s24 =	sadd.s32 $0x80, s6;
	s23 =	simm.s32 $0x1C980  }
0x93: {  	[hbm4b:s24+s3] =	stream.linear.scatter [tilespmem:s23], [sflag:$0x1], $0x80, $0x38;
	[tilespmem:$0x1E700] =	vst v63  }
0x94: {  	s23 =	sadd.s32 $0x100, s6;
	s24 =	simm.s32 $0x1CB80  }
0x95: {  	[hbm4b:s23+s3] =	stream.linear.scatter [tilespmem:s24], [sflag:$0x1], $0x80, $0x38;
	[tilespmem:$0x1E700] =	vst v63  }
0x96: {  	s23 =	sadd.s32 $0x180, s6;
	s24 =	simm.s32 $0x1CD80  }
0x97: {  	[hbm4b:s23+s3] =	stream.linear.scatter [tilespmem:s24], [sflag:$0x1], $0x80, $0x38;
	[tilespmem:$0x1E700] =	vst v63  }
0x98: {  	s23 =	sadd.s32 $0x200, s6;
	s24 =	simm.s32 $0x1CF80  }
0x99: {  	[hbm4b:s23+s3] =	stream.linear.scatter [tilespmem:s24], [sflag:$0x1], $0x80, $0x38;
	[tilespmem:$0x1E700] =	vst v63  }
0x9a: {  	s23 =	sadd.s32 $0x280, s6;
	s24 =	simm.s32 $0x1D180  }
0x9b: {  	[hbm4b:s23+s3] =	stream.linear.scatter [tilespmem:s24], [sflag:$0x1], $0x80, $0x38;
	[tilespmem:$0x1E700] =	vst v63  }
0x9c: {  	s23 =	sadd.s32 $0x300, s6;
	s24 =	simm.s32 $0x1D380  }
0x9d: {  	[hbm4b:s23+s3] =	stream.linear.scatter [tilespmem:s24], [sflag:$0x1], $0x80, $0x38;
	[tilespmem:$0x1E700] =	vst v63  }
0x9e: {  	s23 =	sadd.s32 $0x380, s6;
	s24 =	simm.s32 $0x1D580  }
0x9f: {  	[hbm4b:s23+s3] =	stream.linear.scatter [tilespmem:s24], [sflag:$0x1], $0x80, $0x38;
	[tilespmem:$0x1E700] =	vst v63  }
0xa0: {  	s23 =	sadd.s32 $0x400, s6;
	s24 =	simm.s32 $0x1D780  }
0xa1: {  	[hbm4b:s23+s3] =	stream.linear.scatter [tilespmem:s24], [sflag:$0x1], $0x80, $0x38;
	[tilespmem:$0x1E700] =	vst v63  }
0xa2: {  	s23 =	sadd.s32 $0x480, s6;
	s24 =	simm.s32 $0x1D980  }
0xa3: {  	[hbm4b:s23+s3] =	stream.linear.scatter [tilespmem:s24], [sflag:$0x1], $0x80, $0x38;
	[tilespmem:$0x1E700] =	vst v63  }
0xa4: {  	s23 =	sadd.s32 $0x500, s6;
	s24 =	simm.s32 $0x1DB80  }
0xa5: {  	[hbm4b:s23+s3] =	stream.linear.scatter [tilespmem:s24], [sflag:$0x1], $0x80, $0x38;
	[tilespmem:$0x1E700] =	vst v63  }
0xa6: {  	s23 =	sadd.s32 $0x580, s6;
	s24 =	simm.s32 $0x1DD80  }
0xa7: {  	[hbm4b:s23+s3] =	stream.linear.scatter [tilespmem:s24], [sflag:$0x1], $0x80, $0x38;
	[tilespmem:$0x1E700] =	vst v63  }
0xa8: {  	s23 =	sadd.s32 $0x600, s6;
	s24 =	simm.s32 $0x1DF80  }
0xa9: {  	[hbm4b:s23+s3] =	stream.linear.scatter [tilespmem:s24], [sflag:$0x1], $0x80, $0x38;
	[tilespmem:$0x1E700] =	vst v63  }
0xaa: {  	s23 =	sadd.s32 $0x680, s6;
	s24 =	simm.s32 $0x1E180  }
0xab: {  	[hbm4b:s23+s3] =	stream.linear.scatter [tilespmem:s24], [sflag:$0x1], $0x80, $0x38;
	[tilespmem:$0x1E700] =	vst v63  }
0xac: {  	s23 =	sadd.s32 $0x700, s6;
	s24 =	simm.s32 $0x1E380  }
0xad: {  	[hbm4b:s23+s3] =	stream.linear.scatter [tilespmem:s24], [sflag:$0x1], $0x80, $0x38;
	[tilespmem:$0x1E700] =	vst v63  }
0xae: {  	s23 =	sadd.s32 $0x780, s6;
	s24 =	simm.s32 $0x1E580  }
0xaf: {  	[hbm4b:s23+s3] =	stream.linear.scatter [tilespmem:s24], [sflag:$0x1], $0x80, $0x38;
	[tilespmem:$0x1E700] =	vst v63  }
0xb0: {  	s24 =	simm.s32 $0x1070;
	_ =	strace $0x8000004A  }
0xb1: {  	v0 =	vld [tilespmem:s24+$0x0]  }
0xb2: {  	v1 =	vld [tilespmem:s24+$0xFFFFFFA0]  }
0xb3: {  	v2 =	vld [tilespmem:s24+$0xFFFFFFB0]  }
0xb4: {  	v3 =	vld [tilespmem:s24+$0xFFFFFFC0]  }
0xb5: {  	v4 =	vld [tilespmem:s24+$0xFFFFFFD0]  }
0xb6: {  	v6 =	vld [tilespmem:s24+$0xFFFFFFE0]  }
0xb7: {  	v7 =	vld [tilespmem:s24+$0xFFFFFFF0]  }
0xb8: {  	v8 =	vld [tilespmem:s24+$0xFFFFFF90]  }
0xb9: {  	v9 =	vld.idx.msk [tilespmem:v0+s25+$0x0], $0xffff  }
0xba: {  	v10 =	vld.idx.msk [tilespmem:v1+s25+$0x0], $0xffff  }
0xbb: {  	v5 =	vld.idx.msk [tilespmem:v2+s25+$0x0], $0xffff  }
0xbc: {  	v3 =	vld.idx.msk [tilespmem:v3+s25+$0x0], $0xffff  }
0xbd: {  	v0 =	vld.idx.msk [tilespmem:v4+s25+$0x0], $0xffff  }
0xbe: {  	s4 =	simm.s32 $0x1C870;
	v1 =	vld.idx.msk [tilespmem:v6+s25+$0x0], $0xffff  }
0xbf: {  	v2 =	vld.idx.msk [tilespmem:v7+s25+$0x0], $0xffff;
	[tilespmem:s4+$0x0] =	vst v9  }
0xc0: {  	s23 =	simm.s32 $0x0;
	s24 =	simm.s32 $0x10F0;
	v4 =	vld.idx.msk [tilespmem:v8+s25+$0x0], $0xffff;
	[tilespmem:s4+$0xFFFFFFA0] =	vst v10  }
.LBB2_6:
0xc1: {  	v6 =	vld [tilespmem:s24+$0x0];
	s23 =	sadd.s32 $0x80, s23;
	[tilespmem:s4+$0xFFFFFFB0] =	vst v5  }
0xc2: {  	v5 =	vld [tilespmem:s24+$0xFFFFFFA0];
	p0 =	slt.u32 s23, $0x780;
	[tilespmem:s4+$0xFFFFFFC0] =	vst v3  }
0xc3: {  	v3 =	vld [tilespmem:s24+$0xFFFFFFB0];
	[tilespmem:s4+$0xFFFFFFD0] =	vst v0  }
0xc4: {  	v0 =	vld [tilespmem:s24+$0xFFFFFFC0];
	[tilespmem:s4+$0xFFFFFFE0] =	vst v1  }
0xc5: {  	v1 =	vld [tilespmem:s24+$0xFFFFFFD0];
	[tilespmem:s4+$0xFFFFFFF0] =	vst v2  }
0xc6: {  	v2 =	vld [tilespmem:s24+$0xFFFFFFE0];
	[tilespmem:s4+$0xFFFFFF90] =	vst v4  }
0xc7: {  	v4 =	vld [tilespmem:s24+$0xFFFFFFF0]  }
0xc8: {  	v7 =	vld [tilespmem:s24+$0xFFFFFF90]  }
0xc9: {  	v6 =	vld.idx.msk [tilespmem:v6+s25+$0x0], $0xffff  }
0xca: {  	v8 =	vld.idx.msk [tilespmem:v5+s25+$0x0], $0xffff  }
0xcb: {  	v5 =	vld.idx.msk [tilespmem:v3+s25+$0x0], $0xffff  }
.Ltmp2:
0xcc: {  	v3 =	vld.idx.msk [tilespmem:v0+s25+$0x0], $0xffff;
	(pc) =	sbr.rel @p0 .LBB2_6-.Ltmp2, $4  }
0xcd: {  	v0 =	vld.idx.msk [tilespmem:v1+s25+$0x0], $0xffff  }
0xce: {  	s4 =	sadd.s32 $0x200, s4;
	v1 =	vld.idx.msk [tilespmem:v2+s25+$0x0], $0xffff  }
0xcf: {  	v2 =	vld.idx.msk [tilespmem:v4+s25+$0x0], $0xffff;
	[tilespmem:s4+$0x0] =	vst v6  }
0xd0: {  	s24 =	sadd.s32 $0x80, s24;
	v4 =	vld.idx.msk [tilespmem:v7+s25+$0x0], $0xffff;
	[tilespmem:s4+$0xFFFFFFA0] =	vst v8  }
0xd1: {  	[tilespmem:s4+$0xFFFFFFB0] =	vst v5  }
0xd2: {  	[tilespmem:s4+$0xFFFFFFC0] =	vst v3  }
0xd3: {  	[tilespmem:s4+$0xFFFFFFD0] =	vst v0  }
0xd4: {  	[tilespmem:s4+$0xFFFFFFE0] =	vst v1  }
0xd5: {  	[tilespmem:s4+$0xFFFFFFF0] =	vst v2  }
0xd6: {  	[tilespmem:s4+$0xFFFFFF90] =	vst v4  }
0xd7: {  	s23 =	simm.s32 $0x1C800;
	_ =	strace $0x9000004A  }
0xd8: {  	[hbm4b:s7+s3] =	stream.linear.scatter [tilespmem:s23], [sflag:$0x1], $0x80, $0x38;
	[tilespmem:$0x1E700] =	vst v63  }
0xd9: {  	s24 =	sadd.s32 $0x80, s7;
	s23 =	simm.s32 $0x1CA00  }
0xda: {  	[hbm4b:s24+s3] =	stream.linear.scatter [tilespmem:s23], [sflag:$0x1], $0x80, $0x38;
	[tilespmem:$0x1E700] =	vst v63  }
0xdb: {  	s23 =	sadd.s32 $0x100, s7;
	s24 =	simm.s32 $0x1CC00  }
0xdc: {  	[hbm4b:s23+s3] =	stream.linear.scatter [tilespmem:s24], [sflag:$0x1], $0x80, $0x38;
	[tilespmem:$0x1E700] =	vst v63  }
0xdd: {  	s23 =	sadd.s32 $0x180, s7;
	s24 =	simm.s32 $0x1CE00  }
0xde: {  	[hbm4b:s23+s3] =	stream.linear.scatter [tilespmem:s24], [sflag:$0x1], $0x80, $0x38;
	[tilespmem:$0x1E700] =	vst v63  }
0xdf: {  	s23 =	sadd.s32 $0x200, s7;
	s24 =	simm.s32 $0x1D000  }
0xe0: {  	[hbm4b:s23+s3] =	stream.linear.scatter [tilespmem:s24], [sflag:$0x1], $0x80, $0x38;
	[tilespmem:$0x1E700] =	vst v63  }
0xe1: {  	s23 =	sadd.s32 $0x280, s7;
	s24 =	simm.s32 $0x1D200  }
0xe2: {  	[hbm4b:s23+s3] =	stream.linear.scatter [tilespmem:s24], [sflag:$0x1], $0x80, $0x38;
	[tilespmem:$0x1E700] =	vst v63  }
0xe3: {  	s23 =	sadd.s32 $0x300, s7;
	s24 =	simm.s32 $0x1D400  }
0xe4: {  	[hbm4b:s23+s3] =	stream.linear.scatter [tilespmem:s24], [sflag:$0x1], $0x80, $0x38;
	[tilespmem:$0x1E700] =	vst v63  }
0xe5: {  	s23 =	sadd.s32 $0x380, s7;
	s24 =	simm.s32 $0x1D600  }
0xe6: {  	[hbm4b:s23+s3] =	stream.linear.scatter [tilespmem:s24], [sflag:$0x1], $0x80, $0x38;
	[tilespmem:$0x1E700] =	vst v63  }
0xe7: {  	s23 =	sadd.s32 $0x400, s7;
	s24 =	simm.s32 $0x1D800  }
0xe8: {  	[hbm4b:s23+s3] =	stream.linear.scatter [tilespmem:s24], [sflag:$0x1], $0x80, $0x38;
	[tilespmem:$0x1E700] =	vst v63  }
0xe9: {  	s23 =	sadd.s32 $0x480, s7;
	s24 =	simm.s32 $0x1DA00  }
0xea: {  	[hbm4b:s23+s3] =	stream.linear.scatter [tilespmem:s24], [sflag:$0x1], $0x80, $0x38;
	[tilespmem:$0x1E700] =	vst v63  }
0xeb: {  	s23 =	sadd.s32 $0x500, s7;
	s24 =	simm.s32 $0x1DC00  }
0xec: {  	[hbm4b:s23+s3] =	stream.linear.scatter [tilespmem:s24], [sflag:$0x1], $0x80, $0x38;
	[tilespmem:$0x1E700] =	vst v63  }
0xed: {  	s23 =	sadd.s32 $0x580, s7;
	s24 =	simm.s32 $0x1DE00  }
0xee: {  	[hbm4b:s23+s3] =	stream.linear.scatter [tilespmem:s24], [sflag:$0x1], $0x80, $0x38;
	[tilespmem:$0x1E700] =	vst v63  }
0xef: {  	s23 =	sadd.s32 $0x600, s7;
	s24 =	simm.s32 $0x1E000  }
0xf0: {  	[hbm4b:s23+s3] =	stream.linear.scatter [tilespmem:s24], [sflag:$0x1], $0x80, $0x38;
	[tilespmem:$0x1E700] =	vst v63  }
0xf1: {  	s23 =	sadd.s32 $0x680, s7;
	s24 =	simm.s32 $0x1E200  }
0xf2: {  	[hbm4b:s23+s3] =	stream.linear.scatter [tilespmem:s24], [sflag:$0x1], $0x80, $0x38;
	[tilespmem:$0x1E700] =	vst v63  }
0xf3: {  	s23 =	sadd.s32 $0x700, s7;
	s24 =	simm.s32 $0x1E400  }
0xf4: {  	[hbm4b:s23+s3] =	stream.linear.scatter [tilespmem:s24], [sflag:$0x1], $0x80, $0x38;
	[tilespmem:$0x1E700] =	vst v63  }
0xf5: {  	s23 =	sadd.s32 $0x780, s7;
	s24 =	simm.s32 $0x1E600  }
0xf6: {  	[hbm4b:s23+s3] =	stream.linear.scatter [tilespmem:s24], [sflag:$0x1], $0x80, $0x38;
	[tilespmem:$0x1E700] =	vst v63  }
0xf7: {  	s24 =	simm.s32 $0x1870;
	_ =	strace $0x8000004B  }
0xf8: {  	v0 =	vld [tilespmem:s24+$0x0]  }
0xf9: {  	v1 =	vld [tilespmem:s24+$0xFFFFFFA0]  }
0xfa: {  	v2 =	vld [tilespmem:s24+$0xFFFFFFB0]  }
0xfb: {  	v3 =	vld [tilespmem:s24+$0xFFFFFFC0]  }
0xfc: {  	v4 =	vld [tilespmem:s24+$0xFFFFFFD0]  }
0xfd: {  	v6 =	vld [tilespmem:s24+$0xFFFFFFE0]  }
0xfe: {  	v7 =	vld [tilespmem:s24+$0xFFFFFFF0]  }
0xff: {  	v8 =	vld [tilespmem:s24+$0xFFFFFF90]  }
0x100: {  	v9 =	vld.idx.msk [tilespmem:v0+s25+$0x0], $0xffff  }
0x101: {  	v10 =	vld.idx.msk [tilespmem:v1+s25+$0x0], $0xffff  }
0x102: {  	v5 =	vld.idx.msk [tilespmem:v2+s25+$0x0], $0xffff  }
0x103: {  	v3 =	vld.idx.msk [tilespmem:v3+s25+$0x0], $0xffff  }
0x104: {  	v0 =	vld.idx.msk [tilespmem:v4+s25+$0x0], $0xffff  }
0x105: {  	s4 =	simm.s32 $0x1C8F0;
	v1 =	vld.idx.msk [tilespmem:v6+s25+$0x0], $0xffff  }
0x106: {  	v2 =	vld.idx.msk [tilespmem:v7+s25+$0x0], $0xffff;
	[tilespmem:s4+$0x0] =	vst v9  }
0x107: {  	s23 =	simm.s32 $0x0;
	s24 =	simm.s32 $0x18F0;
	v4 =	vld.idx.msk [tilespmem:v8+s25+$0x0], $0xffff;
	[tilespmem:s4+$0xFFFFFFA0] =	vst v10  }
.LBB2_8:
0x108: {  	v6 =	vld [tilespmem:s24+$0x0];
	s23 =	sadd.s32 $0x80, s23;
	[tilespmem:s4+$0xFFFFFFB0] =	vst v5  }
0x109: {  	v5 =	vld [tilespmem:s24+$0xFFFFFFA0];
	p0 =	slt.u32 s23, $0x780;
	[tilespmem:s4+$0xFFFFFFC0] =	vst v3  }
0x10a: {  	v3 =	vld [tilespmem:s24+$0xFFFFFFB0];
	[tilespmem:s4+$0xFFFFFFD0] =	vst v0  }
0x10b: {  	v0 =	vld [tilespmem:s24+$0xFFFFFFC0];
	[tilespmem:s4+$0xFFFFFFE0] =	vst v1  }
0x10c: {  	v1 =	vld [tilespmem:s24+$0xFFFFFFD0];
	[tilespmem:s4+$0xFFFFFFF0] =	vst v2  }
0x10d: {  	v2 =	vld [tilespmem:s24+$0xFFFFFFE0];
	[tilespmem:s4+$0xFFFFFF90] =	vst v4  }
0x10e: {  	v4 =	vld [tilespmem:s24+$0xFFFFFFF0]  }
0x10f: {  	v7 =	vld [tilespmem:s24+$0xFFFFFF90]  }
0x110: {  	v6 =	vld.idx.msk [tilespmem:v6+s25+$0x0], $0xffff  }
0x111: {  	v8 =	vld.idx.msk [tilespmem:v5+s25+$0x0], $0xffff  }
0x112: {  	v5 =	vld.idx.msk [tilespmem:v3+s25+$0x0], $0xffff  }
.Ltmp3:
0x113: {  	v3 =	vld.idx.msk [tilespmem:v0+s25+$0x0], $0xffff;
	(pc) =	sbr.rel @p0 .LBB2_8-.Ltmp3, $4  }
0x114: {  	v0 =	vld.idx.msk [tilespmem:v1+s25+$0x0], $0xffff  }
0x115: {  	s4 =	sadd.s32 $0x200, s4;
	v1 =	vld.idx.msk [tilespmem:v2+s25+$0x0], $0xffff  }
0x116: {  	v2 =	vld.idx.msk [tilespmem:v4+s25+$0x0], $0xffff;
	[tilespmem:s4+$0x0] =	vst v6  }
0x117: {  	s24 =	sadd.s32 $0x80, s24;
	v4 =	vld.idx.msk [tilespmem:v7+s25+$0x0], $0xffff;
	[tilespmem:s4+$0xFFFFFFA0] =	vst v8  }
0x118: {  	[tilespmem:s4+$0xFFFFFFB0] =	vst v5  }
0x119: {  	[tilespmem:s4+$0xFFFFFFC0] =	vst v3  }
0x11a: {  	[tilespmem:s4+$0xFFFFFFD0] =	vst v0  }
0x11b: {  	[tilespmem:s4+$0xFFFFFFE0] =	vst v1  }
0x11c: {  	[tilespmem:s4+$0xFFFFFFF0] =	vst v2  }
0x11d: {  	[tilespmem:s4+$0xFFFFFF90] =	vst v4  }
0x11e: {  	s23 =	simm.s32 $0x1C880;
	_ =	strace $0x9000004B  }
0x11f: {  	[hbm4b:s8+s3] =	stream.linear.scatter [tilespmem:s23], [sflag:$0x1], $0x80, $0x38;
	[tilespmem:$0x1E700] =	vst v63  }
0x120: {  	s24 =	sadd.s32 $0x80, s8;
	s23 =	simm.s32 $0x1CA80  }
0x121: {  	[hbm4b:s24+s3] =	stream.linear.scatter [tilespmem:s23], [sflag:$0x1], $0x80, $0x38;
	[tilespmem:$0x1E700] =	vst v63  }
0x122: {  	s23 =	sadd.s32 $0x100, s8;
	s24 =	simm.s32 $0x1CC80  }
0x123: {  	[hbm4b:s23+s3] =	stream.linear.scatter [tilespmem:s24], [sflag:$0x1], $0x80, $0x38;
	[tilespmem:$0x1E700] =	vst v63  }
0x124: {  	s23 =	sadd.s32 $0x180, s8;
	s24 =	simm.s32 $0x1CE80  }
0x125: {  	[hbm4b:s23+s3] =	stream.linear.scatter [tilespmem:s24], [sflag:$0x1], $0x80, $0x38;
	[tilespmem:$0x1E700] =	vst v63  }
0x126: {  	s23 =	sadd.s32 $0x200, s8;
	s24 =	simm.s32 $0x1D080  }
0x127: {  	[hbm4b:s23+s3] =	stream.linear.scatter [tilespmem:s24], [sflag:$0x1], $0x80, $0x38;
	[tilespmem:$0x1E700] =	vst v63  }
0x128: {  	s23 =	sadd.s32 $0x280, s8;
	s24 =	simm.s32 $0x1D280  }
0x129: {  	[hbm4b:s23+s3] =	stream.linear.scatter [tilespmem:s24], [sflag:$0x1], $0x80, $0x38;
	[tilespmem:$0x1E700] =	vst v63  }
0x12a: {  	s23 =	sadd.s32 $0x300, s8;
	s24 =	simm.s32 $0x1D480  }
0x12b: {  	[hbm4b:s23+s3] =	stream.linear.scatter [tilespmem:s24], [sflag:$0x1], $0x80, $0x38;
	[tilespmem:$0x1E700] =	vst v63  }
0x12c: {  	s23 =	sadd.s32 $0x380, s8;
	s24 =	simm.s32 $0x1D680  }
0x12d: {  	[hbm4b:s23+s3] =	stream.linear.scatter [tilespmem:s24], [sflag:$0x1], $0x80, $0x38;
	[tilespmem:$0x1E700] =	vst v63  }
0x12e: {  	s23 =	sadd.s32 $0x400, s8;
	s24 =	simm.s32 $0x1D880  }
0x12f: {  	[hbm4b:s23+s3] =	stream.linear.scatter [tilespmem:s24], [sflag:$0x1], $0x80, $0x38;
	[tilespmem:$0x1E700] =	vst v63  }
0x130: {  	s23 =	sadd.s32 $0x480, s8  }
0x131: {  	[hbm4b:s23+s3] =	stream.linear.scatter [tilespmem:s13], [sflag:$0x1], $0x80, $0x38;
	[tilespmem:$0x1E700] =	vst v63  }
0x132: {  	s24 =	sadd.s32 $0x500, s8  }
0x133: {  	[hbm4b:s24+s3] =	stream.linear.scatter [tilespmem:s22], [sflag:$0x1], $0x80, $0x38;
	[tilespmem:$0x1E700] =	vst v63  }
0x134: {  	s23 =	sadd.s32 $0x580, s8  }
0x135: {  	[hbm4b:s23+s3] =	stream.linear.scatter [tilespmem:s28], [sflag:$0x1], $0x80, $0x38;
	[tilespmem:$0x1E700] =	vst v63  }
0x136: {  	s24 =	sadd.s32 $0x600, s8  }
0x137: {  	[hbm4b:s24+s3] =	stream.linear.scatter [tilespmem:s29], [sflag:$0x1], $0x80, $0x38;
	[tilespmem:$0x1E700] =	vst v63  }
0x138: {  	s23 =	sadd.s32 $0x680, s8  }
0x139: {  	[hbm4b:s23+s3] =	stream.linear.scatter [tilespmem:s30], [sflag:$0x1], $0x80, $0x38;
	[tilespmem:$0x1E700] =	vst v63  }
0x13a: {  	s24 =	sadd.s32 $0x700, s8  }
0x13b: {  	[hbm4b:s24+s3] =	stream.linear.scatter [tilespmem:s31], [sflag:$0x1], $0x80, $0x38;
	[tilespmem:$0x1E700] =	vst v63  }
0x13c: {  	s23 =	sadd.s32 $0x780, s8  }
0x13d: {  	[hbm4b:s23+s3] =	stream.linear.scatter [tilespmem:s0], [sflag:$0x1], $0x80, $0x38;
	[tilespmem:$0x1E700] =	vst v63  }
0x13e: {  	_ =	swait.ge [sflag:s2], $0x800  }
0x13f: {  	[sflag:s2] =	ssyncset.done $0x0  }
0x140: {  	[sflag:s2] =	ssyncadd.s32 $0xFFFFF800  }
0x141: {  	s24 =	simm.s32 $0x2070;
	_ =	strace $0x8000004C  }
0x142: {  	v0 =	vld [tilespmem:s24+$0x0]  }
0x143: {  	v1 =	vld [tilespmem:s24+$0xFFFFFFA0]  }
0x144: {  	v2 =	vld [tilespmem:s24+$0xFFFFFFB0]  }
0x145: {  	v3 =	vld [tilespmem:s24+$0xFFFFFFC0]  }
0x146: {  	v4 =	vld [tilespmem:s24+$0xFFFFFFD0]  }
0x147: {  	v6 =	vld [tilespmem:s24+$0xFFFFFFE0]  }
0x148: {  	v7 =	vld [tilespmem:s24+$0xFFFFFFF0]  }
0x149: {  	v8 =	vld [tilespmem:s24+$0xFFFFFF90]  }
0x14a: {  	v9 =	vld.idx.msk [tilespmem:v0+s25+$0x0], $0xffff  }
0x14b: {  	v10 =	vld.idx.msk [tilespmem:v1+s25+$0x0], $0xffff  }
0x14c: {  	v5 =	vld.idx.msk [tilespmem:v2+s25+$0x0], $0xffff  }
0x14d: {  	v3 =	vld.idx.msk [tilespmem:v3+s25+$0x0], $0xffff  }
0x14e: {  	v0 =	vld.idx.msk [tilespmem:v4+s25+$0x0], $0xffff  }
0x14f: {  	s4 =	simm.s32 $0x1C740;
	v1 =	vld.idx.msk [tilespmem:v6+s25+$0x0], $0xffff  }
0x150: {  	v2 =	vld.idx.msk [tilespmem:v7+s25+$0x0], $0xffff;
	[tilespmem:s4+$0x30] =	vst v9  }
0x151: {  	s23 =	simm.s32 $0x0;
	s24 =	simm.s32 $0x20F0;
	v4 =	vld.idx.msk [tilespmem:v8+s25+$0x0], $0xffff;
	[tilespmem:s4+$0xFFFFFFD0] =	vst v10  }
.LBB2_10:
0x152: {  	v6 =	vld [tilespmem:s24+$0x0];
	s23 =	sadd.s32 $0x80, s23;
	[tilespmem:s4+$0xFFFFFFE0] =	vst v5  }
0x153: {  	v5 =	vld [tilespmem:s24+$0xFFFFFFA0];
	p0 =	slt.u32 s23, $0x780;
	[tilespmem:s4+$0xFFFFFFF0] =	vst v3  }
0x154: {  	v3 =	vld [tilespmem:s24+$0xFFFFFFB0];
	[tilespmem:s4+$0x0] =	vst v0  }
0x155: {  	v0 =	vld [tilespmem:s24+$0xFFFFFFC0];
	[tilespmem:s4+$0x10] =	vst v1  }
0x156: {  	v1 =	vld [tilespmem:s24+$0xFFFFFFD0];
	[tilespmem:s4+$0x20] =	vst v2  }
0x157: {  	v2 =	vld [tilespmem:s24+$0xFFFFFFE0];
	[tilespmem:s4+$0xFFFFFFC0] =	vst v4  }
0x158: {  	v4 =	vld [tilespmem:s24+$0xFFFFFFF0]  }
0x159: {  	v7 =	vld [tilespmem:s24+$0xFFFFFF90]  }
0x15a: {  	v6 =	vld.idx.msk [tilespmem:v6+s25+$0x0], $0xffff  }
0x15b: {  	v8 =	vld.idx.msk [tilespmem:v5+s25+$0x0], $0xffff  }
0x15c: {  	v5 =	vld.idx.msk [tilespmem:v3+s25+$0x0], $0xffff  }
.Ltmp4:
0x15d: {  	v3 =	vld.idx.msk [tilespmem:v0+s25+$0x0], $0xffff;
	(pc) =	sbr.rel @p0 .LBB2_10-.Ltmp4, $4  }
0x15e: {  	v0 =	vld.idx.msk [tilespmem:v1+s25+$0x0], $0xffff  }
0x15f: {  	s4 =	sadd.s32 $0x200, s4;
	v1 =	vld.idx.msk [tilespmem:v2+s25+$0x0], $0xffff  }
0x160: {  	v2 =	vld.idx.msk [tilespmem:v4+s25+$0x0], $0xffff;
	[tilespmem:s4+$0x30] =	vst v6  }
0x161: {  	s24 =	sadd.s32 $0x80, s24;
	v4 =	vld.idx.msk [tilespmem:v7+s25+$0x0], $0xffff;
	[tilespmem:s4+$0xFFFFFFD0] =	vst v8  }
0x162: {  	[tilespmem:s4+$0xFFFFFFE0] =	vst v5  }
0x163: {  	[tilespmem:s4+$0xFFFFFFF0] =	vst v3  }
0x164: {  	[tilespmem:s4+$0x0] =	vst v0  }
0x165: {  	[tilespmem:s4+$0x10] =	vst v1  }
0x166: {  	[tilespmem:s4+$0x20] =	vst v2  }
0x167: {  	[tilespmem:s4+$0xFFFFFFC0] =	vst v4  }
0x168: {  	s23 =	simm.s32 $0x1C700;
	_ =	strace $0x9000004C  }
0x169: {  	[hbm4b:s9+s3] =	stream.linear.scatter [tilespmem:s23], [sflag:$0x1], $0x80, $0x38;
	[tilespmem:$0x1E700] =	vst v63  }
0x16a: {  	s24 =	sadd.s32 $0x80, s9;
	s23 =	simm.s32 $0x1C900  }
0x16b: {  	[hbm4b:s24+s3] =	stream.linear.scatter [tilespmem:s23], [sflag:$0x1], $0x80, $0x38;
	[tilespmem:$0x1E700] =	vst v63  }
0x16c: {  	s23 =	sadd.s32 $0x100, s9;
	s24 =	simm.s32 $0x1CB00  }
0x16d: {  	[hbm4b:s23+s3] =	stream.linear.scatter [tilespmem:s24], [sflag:$0x1], $0x80, $0x38;
	[tilespmem:$0x1E700] =	vst v63  }
0x16e: {  	s23 =	sadd.s32 $0x180, s9;
	s24 =	simm.s32 $0x1CD00  }
0x16f: {  	[hbm4b:s23+s3] =	stream.linear.scatter [tilespmem:s24], [sflag:$0x1], $0x80, $0x38;
	[tilespmem:$0x1E700] =	vst v63  }
0x170: {  	s23 =	sadd.s32 $0x200, s9;
	s24 =	simm.s32 $0x1CF00  }
0x171: {  	[hbm4b:s23+s3] =	stream.linear.scatter [tilespmem:s24], [sflag:$0x1], $0x80, $0x38;
	[tilespmem:$0x1E700] =	vst v63  }
0x172: {  	s23 =	sadd.s32 $0x280, s9;
	s24 =	simm.s32 $0x1D100  }
0x173: {  	[hbm4b:s23+s3] =	stream.linear.scatter [tilespmem:s24], [sflag:$0x1], $0x80, $0x38;
	[tilespmem:$0x1E700] =	vst v63  }
0x174: {  	s23 =	sadd.s32 $0x300, s9;
	s24 =	simm.s32 $0x1D300  }
0x175: {  	[hbm4b:s23+s3] =	stream.linear.scatter [tilespmem:s24], [sflag:$0x1], $0x80, $0x38;
	[tilespmem:$0x1E700] =	vst v63  }
0x176: {  	s23 =	sadd.s32 $0x380, s9;
	s24 =	simm.s32 $0x1D500  }
0x177: {  	[hbm4b:s23+s3] =	stream.linear.scatter [tilespmem:s24], [sflag:$0x1], $0x80, $0x38;
	[tilespmem:$0x1E700] =	vst v63  }
0x178: {  	s23 =	sadd.s32 $0x400, s9;
	s24 =	simm.s32 $0x1D700  }
0x179: {  	[hbm4b:s23+s3] =	stream.linear.scatter [tilespmem:s24], [sflag:$0x1], $0x80, $0x38;
	[tilespmem:$0x1E700] =	vst v63  }
0x17a: {  	s23 =	sadd.s32 $0x480, s9;
	s24 =	simm.s32 $0x1D900  }
0x17b: {  	[hbm4b:s23+s3] =	stream.linear.scatter [tilespmem:s24], [sflag:$0x1], $0x80, $0x38;
	[tilespmem:$0x1E700] =	vst v63  }
0x17c: {  	s23 =	sadd.s32 $0x500, s9;
	s24 =	simm.s32 $0x1DB00  }
0x17d: {  	[hbm4b:s23+s3] =	stream.linear.scatter [tilespmem:s24], [sflag:$0x1], $0x80, $0x38;
	[tilespmem:$0x1E700] =	vst v63  }
0x17e: {  	s23 =	sadd.s32 $0x580, s9;
	s24 =	simm.s32 $0x1DD00  }
0x17f: {  	[hbm4b:s23+s3] =	stream.linear.scatter [tilespmem:s24], [sflag:$0x1], $0x80, $0x38;
	[tilespmem:$0x1E700] =	vst v63  }
0x180: {  	s23 =	sadd.s32 $0x600, s9;
	s24 =	simm.s32 $0x1DF00  }
0x181: {  	[hbm4b:s23+s3] =	stream.linear.scatter [tilespmem:s24], [sflag:$0x1], $0x80, $0x38;
	[tilespmem:$0x1E700] =	vst v63  }
0x182: {  	s23 =	sadd.s32 $0x680, s9;
	s24 =	simm.s32 $0x1E100  }
0x183: {  	[hbm4b:s23+s3] =	stream.linear.scatter [tilespmem:s24], [sflag:$0x1], $0x80, $0x38;
	[tilespmem:$0x1E700] =	vst v63  }
0x184: {  	s23 =	sadd.s32 $0x700, s9;
	s24 =	simm.s32 $0x1E300  }
0x185: {  	[hbm4b:s23+s3] =	stream.linear.scatter [tilespmem:s24], [sflag:$0x1], $0x80, $0x38;
	[tilespmem:$0x1E700] =	vst v63  }
0x186: {  	s23 =	sadd.s32 $0x780, s9;
	s24 =	simm.s32 $0x1E500  }
0x187: {  	[hbm4b:s23+s3] =	stream.linear.scatter [tilespmem:s24], [sflag:$0x1], $0x80, $0x38;
	[tilespmem:$0x1E700] =	vst v63  }
0x188: {  	_ =	swait.ge [sflag:s2], $0x800  }
0x189: {  	[sflag:s2] =	ssyncset.done $0x0  }
0x18a: {  	[sflag:s2] =	ssyncadd.s32 $0xFFFFF800  }
0x18b: {  	s24 =	simm.s32 $0x2870;
	_ =	strace $0x8000004D  }
0x18c: {  	v0 =	vld [tilespmem:s24+$0x0]  }
0x18d: {  	v1 =	vld [tilespmem:s24+$0xFFFFFFA0]  }
0x18e: {  	v2 =	vld [tilespmem:s24+$0xFFFFFFB0]  }
0x18f: {  	v3 =	vld [tilespmem:s24+$0xFFFFFFC0]  }
0x190: {  	v4 =	vld [tilespmem:s24+$0xFFFFFFD0]  }
0x191: {  	v6 =	vld [tilespmem:s24+$0xFFFFFFE0]  }
0x192: {  	v7 =	vld [tilespmem:s24+$0xFFFFFFF0]  }
0x193: {  	v8 =	vld [tilespmem:s24+$0xFFFFFF90]  }
0x194: {  	v9 =	vld.idx.msk [tilespmem:v0+s25+$0x0], $0xffff  }
0x195: {  	v10 =	vld.idx.msk [tilespmem:v1+s25+$0x0], $0xffff  }
0x196: {  	v5 =	vld.idx.msk [tilespmem:v2+s25+$0x0], $0xffff  }
0x197: {  	v3 =	vld.idx.msk [tilespmem:v3+s25+$0x0], $0xffff  }
0x198: {  	v0 =	vld.idx.msk [tilespmem:v4+s25+$0x0], $0xffff  }
0x199: {  	s4 =	simm.s32 $0x1C7F0;
	v1 =	vld.idx.msk [tilespmem:v6+s25+$0x0], $0xffff  }
0x19a: {  	v2 =	vld.idx.msk [tilespmem:v7+s25+$0x0], $0xffff;
	[tilespmem:s4+$0x0] =	vst v9  }
0x19b: {  	s23 =	simm.s32 $0x0;
	s24 =	simm.s32 $0x28F0;
	v4 =	vld.idx.msk [tilespmem:v8+s25+$0x0], $0xffff;
	[tilespmem:s4+$0xFFFFFFA0] =	vst v10  }
.LBB2_12:
0x19c: {  	v6 =	vld [tilespmem:s24+$0x0];
	s23 =	sadd.s32 $0x80, s23;
	[tilespmem:s4+$0xFFFFFFB0] =	vst v5  }
0x19d: {  	v5 =	vld [tilespmem:s24+$0xFFFFFFA0];
	p0 =	slt.u32 s23, $0x780;
	[tilespmem:s4+$0xFFFFFFC0] =	vst v3  }
0x19e: {  	v3 =	vld [tilespmem:s24+$0xFFFFFFB0];
	[tilespmem:s4+$0xFFFFFFD0] =	vst v0  }
0x19f: {  	v0 =	vld [tilespmem:s24+$0xFFFFFFC0];
	[tilespmem:s4+$0xFFFFFFE0] =	vst v1  }
0x1a0: {  	v1 =	vld [tilespmem:s24+$0xFFFFFFD0];
	[tilespmem:s4+$0xFFFFFFF0] =	vst v2  }
0x1a1: {  	v2 =	vld [tilespmem:s24+$0xFFFFFFE0];
	[tilespmem:s4+$0xFFFFFF90] =	vst v4  }
0x1a2: {  	v4 =	vld [tilespmem:s24+$0xFFFFFFF0]  }
0x1a3: {  	v7 =	vld [tilespmem:s24+$0xFFFFFF90]  }
0x1a4: {  	v6 =	vld.idx.msk [tilespmem:v6+s25+$0x0], $0xffff  }
0x1a5: {  	v8 =	vld.idx.msk [tilespmem:v5+s25+$0x0], $0xffff  }
0x1a6: {  	v5 =	vld.idx.msk [tilespmem:v3+s25+$0x0], $0xffff  }
.Ltmp5:
0x1a7: {  	v3 =	vld.idx.msk [tilespmem:v0+s25+$0x0], $0xffff;
	(pc) =	sbr.rel @p0 .LBB2_12-.Ltmp5, $4  }
0x1a8: {  	v0 =	vld.idx.msk [tilespmem:v1+s25+$0x0], $0xffff  }
0x1a9: {  	s4 =	sadd.s32 $0x200, s4;
	v1 =	vld.idx.msk [tilespmem:v2+s25+$0x0], $0xffff  }
0x1aa: {  	v2 =	vld.idx.msk [tilespmem:v4+s25+$0x0], $0xffff;
	[tilespmem:s4+$0x0] =	vst v6  }
0x1ab: {  	s24 =	sadd.s32 $0x80, s24;
	v4 =	vld.idx.msk [tilespmem:v7+s25+$0x0], $0xffff;
	[tilespmem:s4+$0xFFFFFFA0] =	vst v8  }
0x1ac: {  	[tilespmem:s4+$0xFFFFFFB0] =	vst v5  }
0x1ad: {  	[tilespmem:s4+$0xFFFFFFC0] =	vst v3  }
0x1ae: {  	[tilespmem:s4+$0xFFFFFFD0] =	vst v0  }
0x1af: {  	[tilespmem:s4+$0xFFFFFFE0] =	vst v1  }
0x1b0: {  	[tilespmem:s4+$0xFFFFFFF0] =	vst v2  }
0x1b1: {  	[tilespmem:s4+$0xFFFFFF90] =	vst v4  }
0x1b2: {  	s23 =	simm.s32 $0x1C780;
	_ =	strace $0x9000004D  }
0x1b3: {  	[hbm4b:s10+s3] =	stream.linear.scatter [tilespmem:s23], [sflag:$0x1], $0x80, $0x38;
	[tilespmem:$0x1E700] =	vst v63  }
0x1b4: {  	s24 =	sadd.s32 $0x80, s10;
	s23 =	simm.s32 $0x1C980  }
0x1b5: {  	[hbm4b:s24+s3] =	stream.linear.scatter [tilespmem:s23], [sflag:$0x1], $0x80, $0x38;
	[tilespmem:$0x1E700] =	vst v63  }
0x1b6: {  	s23 =	sadd.s32 $0x100, s10;
	s24 =	simm.s32 $0x1CB80  }
0x1b7: {  	[hbm4b:s23+s3] =	stream.linear.scatter [tilespmem:s24], [sflag:$0x1], $0x80, $0x38;
	[tilespmem:$0x1E700] =	vst v63  }
0x1b8: {  	s23 =	sadd.s32 $0x180, s10;
	s24 =	simm.s32 $0x1CD80  }
0x1b9: {  	[hbm4b:s23+s3] =	stream.linear.scatter [tilespmem:s24], [sflag:$0x1], $0x80, $0x38;
	[tilespmem:$0x1E700] =	vst v63  }
0x1ba: {  	s23 =	sadd.s32 $0x200, s10;
	s24 =	simm.s32 $0x1CF80  }
0x1bb: {  	[hbm4b:s23+s3] =	stream.linear.scatter [tilespmem:s24], [sflag:$0x1], $0x80, $0x38;
	[tilespmem:$0x1E700] =	vst v63  }
0x1bc: {  	s23 =	sadd.s32 $0x280, s10;
	s24 =	simm.s32 $0x1D180  }
0x1bd: {  	[hbm4b:s23+s3] =	stream.linear.scatter [tilespmem:s24], [sflag:$0x1], $0x80, $0x38;
	[tilespmem:$0x1E700] =	vst v63  }
0x1be: {  	s23 =	sadd.s32 $0x300, s10;
	s24 =	simm.s32 $0x1D380  }
0x1bf: {  	[hbm4b:s23+s3] =	stream.linear.scatter [tilespmem:s24], [sflag:$0x1], $0x80, $0x38;
	[tilespmem:$0x1E700] =	vst v63  }
0x1c0: {  	s23 =	sadd.s32 $0x380, s10;
	s24 =	simm.s32 $0x1D580  }
0x1c1: {  	[hbm4b:s23+s3] =	stream.linear.scatter [tilespmem:s24], [sflag:$0x1], $0x80, $0x38;
	[tilespmem:$0x1E700] =	vst v63  }
0x1c2: {  	s23 =	sadd.s32 $0x400, s10;
	s24 =	simm.s32 $0x1D780  }
0x1c3: {  	[hbm4b:s23+s3] =	stream.linear.scatter [tilespmem:s24], [sflag:$0x1], $0x80, $0x38;
	[tilespmem:$0x1E700] =	vst v63  }
0x1c4: {  	s23 =	sadd.s32 $0x480, s10;
	s24 =	simm.s32 $0x1D980  }
0x1c5: {  	[hbm4b:s23+s3] =	stream.linear.scatter [tilespmem:s24], [sflag:$0x1], $0x80, $0x38;
	[tilespmem:$0x1E700] =	vst v63  }
0x1c6: {  	s23 =	sadd.s32 $0x500, s10;
	s24 =	simm.s32 $0x1DB80  }
0x1c7: {  	[hbm4b:s23+s3] =	stream.linear.scatter [tilespmem:s24], [sflag:$0x1], $0x80, $0x38;
	[tilespmem:$0x1E700] =	vst v63  }
0x1c8: {  	s23 =	sadd.s32 $0x580, s10;
	s24 =	simm.s32 $0x1DD80  }
0x1c9: {  	[hbm4b:s23+s3] =	stream.linear.scatter [tilespmem:s24], [sflag:$0x1], $0x80, $0x38;
	[tilespmem:$0x1E700] =	vst v63  }
0x1ca: {  	s23 =	sadd.s32 $0x600, s10;
	s24 =	simm.s32 $0x1DF80  }
0x1cb: {  	[hbm4b:s23+s3] =	stream.linear.scatter [tilespmem:s24], [sflag:$0x1], $0x80, $0x38;
	[tilespmem:$0x1E700] =	vst v63  }
0x1cc: {  	s23 =	sadd.s32 $0x680, s10;
	s24 =	simm.s32 $0x1E180  }
0x1cd: {  	[hbm4b:s23+s3] =	stream.linear.scatter [tilespmem:s24], [sflag:$0x1], $0x80, $0x38;
	[tilespmem:$0x1E700] =	vst v63  }
0x1ce: {  	s23 =	sadd.s32 $0x700, s10;
	s24 =	simm.s32 $0x1E380  }
0x1cf: {  	[hbm4b:s23+s3] =	stream.linear.scatter [tilespmem:s24], [sflag:$0x1], $0x80, $0x38;
	[tilespmem:$0x1E700] =	vst v63  }
0x1d0: {  	s23 =	sadd.s32 $0x780, s10;
	s24 =	simm.s32 $0x1E580  }
0x1d1: {  	[hbm4b:s23+s3] =	stream.linear.scatter [tilespmem:s24], [sflag:$0x1], $0x80, $0x38;
	[tilespmem:$0x1E700] =	vst v63  }
0x1d2: {  	_ =	swait.ge [sflag:s2], $0x800  }
0x1d3: {  	[sflag:s2] =	ssyncset.done $0x0  }
0x1d4: {  	[sflag:s2] =	ssyncadd.s32 $0xFFFFF800  }
0x1d5: {  	s24 =	simm.s32 $0x3070;
	_ =	strace $0x8000004E  }
0x1d6: {  	v0 =	vld [tilespmem:s24+$0x0]  }
0x1d7: {  	v1 =	vld [tilespmem:s24+$0xFFFFFFA0]  }
0x1d8: {  	v2 =	vld [tilespmem:s24+$0xFFFFFFB0]  }
0x1d9: {  	v3 =	vld [tilespmem:s24+$0xFFFFFFC0]  }
0x1da: {  	v4 =	vld [tilespmem:s24+$0xFFFFFFD0]  }
0x1db: {  	v6 =	vld [tilespmem:s24+$0xFFFFFFE0]  }
0x1dc: {  	v7 =	vld [tilespmem:s24+$0xFFFFFFF0]  }
0x1dd: {  	v8 =	vld [tilespmem:s24+$0xFFFFFF90]  }
0x1de: {  	v9 =	vld.idx.msk [tilespmem:v0+s25+$0x0], $0xffff  }
0x1df: {  	v10 =	vld.idx.msk [tilespmem:v1+s25+$0x0], $0xffff  }
0x1e0: {  	v5 =	vld.idx.msk [tilespmem:v2+s25+$0x0], $0xffff  }
0x1e1: {  	v3 =	vld.idx.msk [tilespmem:v3+s25+$0x0], $0xffff  }
0x1e2: {  	v0 =	vld.idx.msk [tilespmem:v4+s25+$0x0], $0xffff  }
0x1e3: {  	s4 =	simm.s32 $0x1C870;
	v1 =	vld.idx.msk [tilespmem:v6+s25+$0x0], $0xffff  }
0x1e4: {  	v2 =	vld.idx.msk [tilespmem:v7+s25+$0x0], $0xffff;
	[tilespmem:s4+$0x0] =	vst v9  }
0x1e5: {  	s23 =	simm.s32 $0x0;
	s24 =	simm.s32 $0x30F0;
	v4 =	vld.idx.msk [tilespmem:v8+s25+$0x0], $0xffff;
	[tilespmem:s4+$0xFFFFFFA0] =	vst v10  }
.LBB2_14:
0x1e6: {  	v6 =	vld [tilespmem:s24+$0x0];
	s23 =	sadd.s32 $0x80, s23;
	[tilespmem:s4+$0xFFFFFFB0] =	vst v5  }
0x1e7: {  	v5 =	vld [tilespmem:s24+$0xFFFFFFA0];
	p0 =	slt.u32 s23, $0x780;
	[tilespmem:s4+$0xFFFFFFC0] =	vst v3  }
0x1e8: {  	v3 =	vld [tilespmem:s24+$0xFFFFFFB0];
	[tilespmem:s4+$0xFFFFFFD0] =	vst v0  }
0x1e9: {  	v0 =	vld [tilespmem:s24+$0xFFFFFFC0];
	[tilespmem:s4+$0xFFFFFFE0] =	vst v1  }
0x1ea: {  	v1 =	vld [tilespmem:s24+$0xFFFFFFD0];
	[tilespmem:s4+$0xFFFFFFF0] =	vst v2  }
0x1eb: {  	v2 =	vld [tilespmem:s24+$0xFFFFFFE0];
	[tilespmem:s4+$0xFFFFFF90] =	vst v4  }
0x1ec: {  	v4 =	vld [tilespmem:s24+$0xFFFFFFF0]  }
0x1ed: {  	v7 =	vld [tilespmem:s24+$0xFFFFFF90]  }
0x1ee: {  	v6 =	vld.idx.msk [tilespmem:v6+s25+$0x0], $0xffff  }
0x1ef: {  	v8 =	vld.idx.msk [tilespmem:v5+s25+$0x0], $0xffff  }
0x1f0: {  	v5 =	vld.idx.msk [tilespmem:v3+s25+$0x0], $0xffff  }
.Ltmp6:
0x1f1: {  	v3 =	vld.idx.msk [tilespmem:v0+s25+$0x0], $0xffff;
	(pc) =	sbr.rel @p0 .LBB2_14-.Ltmp6, $4  }
0x1f2: {  	v0 =	vld.idx.msk [tilespmem:v1+s25+$0x0], $0xffff  }
0x1f3: {  	s4 =	sadd.s32 $0x200, s4;
	v1 =	vld.idx.msk [tilespmem:v2+s25+$0x0], $0xffff  }
0x1f4: {  	v2 =	vld.idx.msk [tilespmem:v4+s25+$0x0], $0xffff;
	[tilespmem:s4+$0x0] =	vst v6  }
0x1f5: {  	s24 =	sadd.s32 $0x80, s24;
	v4 =	vld.idx.msk [tilespmem:v7+s25+$0x0], $0xffff;
	[tilespmem:s4+$0xFFFFFFA0] =	vst v8  }
0x1f6: {  	[tilespmem:s4+$0xFFFFFFB0] =	vst v5  }
0x1f7: {  	[tilespmem:s4+$0xFFFFFFC0] =	vst v3  }
0x1f8: {  	[tilespmem:s4+$0xFFFFFFD0] =	vst v0  }
0x1f9: {  	[tilespmem:s4+$0xFFFFFFE0] =	vst v1  }
0x1fa: {  	[tilespmem:s4+$0xFFFFFFF0] =	vst v2  }
0x1fb: {  	[tilespmem:s4+$0xFFFFFF90] =	vst v4  }
0x1fc: {  	s23 =	simm.s32 $0x1C800;
	_ =	strace $0x9000004E  }
0x1fd: {  	[hbm4b:s11+s3] =	stream.linear.scatter [tilespmem:s23], [sflag:$0x1], $0x80, $0x38;
	[tilespmem:$0x1E700] =	vst v63  }
0x1fe: {  	s24 =	sadd.s32 $0x80, s11;
	s23 =	simm.s32 $0x1CA00  }
0x1ff: {  	[hbm4b:s24+s3] =	stream.linear.scatter [tilespmem:s23], [sflag:$0x1], $0x80, $0x38;
	[tilespmem:$0x1E700] =	vst v63  }
0x200: {  	s23 =	sadd.s32 $0x100, s11;
	s24 =	simm.s32 $0x1CC00  }
0x201: {  	[hbm4b:s23+s3] =	stream.linear.scatter [tilespmem:s24], [sflag:$0x1], $0x80, $0x38;
	[tilespmem:$0x1E700] =	vst v63  }
0x202: {  	s23 =	sadd.s32 $0x180, s11;
	s24 =	simm.s32 $0x1CE00  }
0x203: {  	[hbm4b:s23+s3] =	stream.linear.scatter [tilespmem:s24], [sflag:$0x1], $0x80, $0x38;
	[tilespmem:$0x1E700] =	vst v63  }
0x204: {  	s23 =	sadd.s32 $0x200, s11;
	s24 =	simm.s32 $0x1D000  }
0x205: {  	[hbm4b:s23+s3] =	stream.linear.scatter [tilespmem:s24], [sflag:$0x1], $0x80, $0x38;
	[tilespmem:$0x1E700] =	vst v63  }
0x206: {  	s23 =	sadd.s32 $0x280, s11;
	s24 =	simm.s32 $0x1D200  }
0x207: {  	[hbm4b:s23+s3] =	stream.linear.scatter [tilespmem:s24], [sflag:$0x1], $0x80, $0x38;
	[tilespmem:$0x1E700] =	vst v63  }
0x208: {  	s23 =	sadd.s32 $0x300, s11;
	s24 =	simm.s32 $0x1D400  }
0x209: {  	[hbm4b:s23+s3] =	stream.linear.scatter [tilespmem:s24], [sflag:$0x1], $0x80, $0x38;
	[tilespmem:$0x1E700] =	vst v63  }
0x20a: {  	s23 =	sadd.s32 $0x380, s11;
	s24 =	simm.s32 $0x1D600  }
0x20b: {  	[hbm4b:s23+s3] =	stream.linear.scatter [tilespmem:s24], [sflag:$0x1], $0x80, $0x38;
	[tilespmem:$0x1E700] =	vst v63  }
0x20c: {  	s23 =	sadd.s32 $0x400, s11;
	s24 =	simm.s32 $0x1D800  }
0x20d: {  	[hbm4b:s23+s3] =	stream.linear.scatter [tilespmem:s24], [sflag:$0x1], $0x80, $0x38;
	[tilespmem:$0x1E700] =	vst v63  }
0x20e: {  	s23 =	sadd.s32 $0x480, s11;
	s24 =	simm.s32 $0x1DA00  }
0x20f: {  	[hbm4b:s23+s3] =	stream.linear.scatter [tilespmem:s24], [sflag:$0x1], $0x80, $0x38;
	[tilespmem:$0x1E700] =	vst v63  }
0x210: {  	s23 =	sadd.s32 $0x500, s11;
	s24 =	simm.s32 $0x1DC00  }
0x211: {  	[hbm4b:s23+s3] =	stream.linear.scatter [tilespmem:s24], [sflag:$0x1], $0x80, $0x38;
	[tilespmem:$0x1E700] =	vst v63  }
0x212: {  	s23 =	sadd.s32 $0x580, s11;
	s24 =	simm.s32 $0x1DE00  }
0x213: {  	[hbm4b:s23+s3] =	stream.linear.scatter [tilespmem:s24], [sflag:$0x1], $0x80, $0x38;
	[tilespmem:$0x1E700] =	vst v63  }
0x214: {  	s23 =	sadd.s32 $0x600, s11;
	s24 =	simm.s32 $0x1E000  }
0x215: {  	[hbm4b:s23+s3] =	stream.linear.scatter [tilespmem:s24], [sflag:$0x1], $0x80, $0x38;
	[tilespmem:$0x1E700] =	vst v63  }
0x216: {  	s23 =	sadd.s32 $0x680, s11;
	s24 =	simm.s32 $0x1E200  }
0x217: {  	[hbm4b:s23+s3] =	stream.linear.scatter [tilespmem:s24], [sflag:$0x1], $0x80, $0x38;
	[tilespmem:$0x1E700] =	vst v63  }
0x218: {  	s23 =	sadd.s32 $0x700, s11;
	s24 =	simm.s32 $0x1E400  }
0x219: {  	[hbm4b:s23+s3] =	stream.linear.scatter [tilespmem:s24], [sflag:$0x1], $0x80, $0x38;
	[tilespmem:$0x1E700] =	vst v63  }
0x21a: {  	s23 =	sadd.s32 $0x780, s11;
	s24 =	simm.s32 $0x1E600  }
0x21b: {  	[hbm4b:s23+s3] =	stream.linear.scatter [tilespmem:s24], [sflag:$0x1], $0x80, $0x38;
	[tilespmem:$0x1E700] =	vst v63  }
0x21c: {  	_ =	swait.ge [sflag:s2], $0x800  }
0x21d: {  	[sflag:s2] =	ssyncset.done $0x0  }
0x21e: {  	[sflag:s2] =	ssyncadd.s32 $0xFFFFF800  }
0x21f: {  	s24 =	simm.s32 $0x3870;
	_ =	strace $0x8000004F  }
0x220: {  	v0 =	vld [tilespmem:s24+$0x0]  }
0x221: {  	v1 =	vld [tilespmem:s24+$0xFFFFFFA0]  }
0x222: {  	v2 =	vld [tilespmem:s24+$0xFFFFFFB0]  }
0x223: {  	v3 =	vld [tilespmem:s24+$0xFFFFFFC0]  }
0x224: {  	v4 =	vld [tilespmem:s24+$0xFFFFFFD0]  }
0x225: {  	v6 =	vld [tilespmem:s24+$0xFFFFFFE0]  }
0x226: {  	v7 =	vld [tilespmem:s24+$0xFFFFFFF0]  }
0x227: {  	v8 =	vld [tilespmem:s24+$0xFFFFFF90]  }
0x228: {  	v9 =	vld.idx.msk [tilespmem:v0+s25+$0x0], $0xffff  }
0x229: {  	v10 =	vld.idx.msk [tilespmem:v1+s25+$0x0], $0xffff  }
0x22a: {  	v5 =	vld.idx.msk [tilespmem:v2+s25+$0x0], $0xffff  }
0x22b: {  	v3 =	vld.idx.msk [tilespmem:v3+s25+$0x0], $0xffff  }
0x22c: {  	v0 =	vld.idx.msk [tilespmem:v4+s25+$0x0], $0xffff  }
0x22d: {  	s4 =	simm.s32 $0x1C8F0;
	v1 =	vld.idx.msk [tilespmem:v6+s25+$0x0], $0xffff  }
0x22e: {  	v2 =	vld.idx.msk [tilespmem:v7+s25+$0x0], $0xffff;
	[tilespmem:s4+$0x0] =	vst v9  }
0x22f: {  	s23 =	simm.s32 $0x0;
	s24 =	simm.s32 $0x38F0;
	v4 =	vld.idx.msk [tilespmem:v8+s25+$0x0], $0xffff;
	[tilespmem:s4+$0xFFFFFFA0] =	vst v10  }
.LBB2_16:
0x230: {  	v6 =	vld [tilespmem:s24+$0x0];
	s23 =	sadd.s32 $0x80, s23;
	[tilespmem:s4+$0xFFFFFFB0] =	vst v5  }
0x231: {  	v5 =	vld [tilespmem:s24+$0xFFFFFFA0];
	p0 =	slt.u32 s23, $0x780;
	[tilespmem:s4+$0xFFFFFFC0] =	vst v3  }
0x232: {  	v3 =	vld [tilespmem:s24+$0xFFFFFFB0];
	[tilespmem:s4+$0xFFFFFFD0] =	vst v0  }
0x233: {  	v0 =	vld [tilespmem:s24+$0xFFFFFFC0];
	[tilespmem:s4+$0xFFFFFFE0] =	vst v1  }
0x234: {  	v1 =	vld [tilespmem:s24+$0xFFFFFFD0];
	[tilespmem:s4+$0xFFFFFFF0] =	vst v2  }
0x235: {  	v2 =	vld [tilespmem:s24+$0xFFFFFFE0];
	[tilespmem:s4+$0xFFFFFF90] =	vst v4  }
0x236: {  	v4 =	vld [tilespmem:s24+$0xFFFFFFF0]  }
0x237: {  	v7 =	vld [tilespmem:s24+$0xFFFFFF90]  }
0x238: {  	v6 =	vld.idx.msk [tilespmem:v6+s25+$0x0], $0xffff  }
0x239: {  	v8 =	vld.idx.msk [tilespmem:v5+s25+$0x0], $0xffff  }
0x23a: {  	v5 =	vld.idx.msk [tilespmem:v3+s25+$0x0], $0xffff  }
.Ltmp7:
0x23b: {  	v3 =	vld.idx.msk [tilespmem:v0+s25+$0x0], $0xffff;
	(pc) =	sbr.rel @p0 .LBB2_16-.Ltmp7, $4  }
0x23c: {  	v0 =	vld.idx.msk [tilespmem:v1+s25+$0x0], $0xffff  }
0x23d: {  	s4 =	sadd.s32 $0x200, s4;
	v1 =	vld.idx.msk [tilespmem:v2+s25+$0x0], $0xffff  }
0x23e: {  	v2 =	vld.idx.msk [tilespmem:v4+s25+$0x0], $0xffff;
	[tilespmem:s4+$0x0] =	vst v6  }
0x23f: {  	s24 =	sadd.s32 $0x80, s24;
	v4 =	vld.idx.msk [tilespmem:v7+s25+$0x0], $0xffff;
	[tilespmem:s4+$0xFFFFFFA0] =	vst v8  }
0x240: {  	[tilespmem:s4+$0xFFFFFFB0] =	vst v5  }
0x241: {  	[tilespmem:s4+$0xFFFFFFC0] =	vst v3  }
0x242: {  	[tilespmem:s4+$0xFFFFFFD0] =	vst v0  }
0x243: {  	[tilespmem:s4+$0xFFFFFFE0] =	vst v1  }
0x244: {  	[tilespmem:s4+$0xFFFFFFF0] =	vst v2  }
0x245: {  	[tilespmem:s4+$0xFFFFFF90] =	vst v4  }
0x246: {  	s23 =	simm.s32 $0x1C880;
	_ =	strace $0x9000004F  }
0x247: {  	[hbm4b:s12+s3] =	stream.linear.scatter [tilespmem:s23], [sflag:$0x1], $0x80, $0x38;
	[tilespmem:$0x1E700] =	vst v63  }
0x248: {  	s24 =	sadd.s32 $0x80, s12;
	s23 =	simm.s32 $0x1CA80  }
0x249: {  	[hbm4b:s24+s3] =	stream.linear.scatter [tilespmem:s23], [sflag:$0x1], $0x80, $0x38;
	[tilespmem:$0x1E700] =	vst v63  }
0x24a: {  	s23 =	sadd.s32 $0x100, s12;
	s24 =	simm.s32 $0x1CC80  }
0x24b: {  	[hbm4b:s23+s3] =	stream.linear.scatter [tilespmem:s24], [sflag:$0x1], $0x80, $0x38;
	[tilespmem:$0x1E700] =	vst v63  }
0x24c: {  	s23 =	sadd.s32 $0x180, s12;
	s24 =	simm.s32 $0x1CE80  }
0x24d: {  	[hbm4b:s23+s3] =	stream.linear.scatter [tilespmem:s24], [sflag:$0x1], $0x80, $0x38;
	[tilespmem:$0x1E700] =	vst v63  }
0x24e: {  	s23 =	sadd.s32 $0x200, s12;
	s24 =	simm.s32 $0x1D080  }
0x24f: {  	[hbm4b:s23+s3] =	stream.linear.scatter [tilespmem:s24], [sflag:$0x1], $0x80, $0x38;
	[tilespmem:$0x1E700] =	vst v63  }
0x250: {  	s23 =	sadd.s32 $0x280, s12;
	s24 =	simm.s32 $0x1D280  }
0x251: {  	[hbm4b:s23+s3] =	stream.linear.scatter [tilespmem:s24], [sflag:$0x1], $0x80, $0x38;
	[tilespmem:$0x1E700] =	vst v63  }
0x252: {  	s23 =	sadd.s32 $0x300, s12;
	s24 =	simm.s32 $0x1D480  }
0x253: {  	[hbm4b:s23+s3] =	stream.linear.scatter [tilespmem:s24], [sflag:$0x1], $0x80, $0x38;
	[tilespmem:$0x1E700] =	vst v63  }
0x254: {  	s23 =	sadd.s32 $0x380, s12;
	s24 =	simm.s32 $0x1D680  }
0x255: {  	[hbm4b:s23+s3] =	stream.linear.scatter [tilespmem:s24], [sflag:$0x1], $0x80, $0x38;
	[tilespmem:$0x1E700] =	vst v63  }
0x256: {  	s23 =	sadd.s32 $0x400, s12;
	s24 =	simm.s32 $0x1D880  }
0x257: {  	[hbm4b:s23+s3] =	stream.linear.scatter [tilespmem:s24], [sflag:$0x1], $0x80, $0x38;
	[tilespmem:$0x1E700] =	vst v63  }
0x258: {  	s23 =	sadd.s32 $0x480, s12  }
0x259: {  	[hbm4b:s23+s3] =	stream.linear.scatter [tilespmem:s13], [sflag:$0x1], $0x80, $0x38;
	[tilespmem:$0x1E700] =	vst v63  }
0x25a: {  	s24 =	sadd.s32 $0x500, s12  }
0x25b: {  	[hbm4b:s24+s3] =	stream.linear.scatter [tilespmem:s22], [sflag:$0x1], $0x80, $0x38;
	[tilespmem:$0x1E700] =	vst v63  }
0x25c: {  	s23 =	sadd.s32 $0x580, s12  }
0x25d: {  	[hbm4b:s23+s3] =	stream.linear.scatter [tilespmem:s28], [sflag:$0x1], $0x80, $0x38;
	[tilespmem:$0x1E700] =	vst v63  }
0x25e: {  	s24 =	sadd.s32 $0x600, s12  }
0x25f: {  	[hbm4b:s24+s3] =	stream.linear.scatter [tilespmem:s29], [sflag:$0x1], $0x80, $0x38;
	[tilespmem:$0x1E700] =	vst v63  }
0x260: {  	s23 =	sadd.s32 $0x680, s12  }
0x261: {  	[hbm4b:s23+s3] =	stream.linear.scatter [tilespmem:s30], [sflag:$0x1], $0x80, $0x38;
	[tilespmem:$0x1E700] =	vst v63  }
0x262: {  	s24 =	sadd.s32 $0x700, s12  }
0x263: {  	[hbm4b:s24+s3] =	stream.linear.scatter [tilespmem:s31], [sflag:$0x1], $0x80, $0x38;
	[tilespmem:$0x1E700] =	vst v63  }
0x264: {  	s23 =	sadd.s32 $0x780, s12  }
0x265: {  	[hbm4b:s23+s3] =	stream.linear.scatter [tilespmem:s0], [sflag:$0x1], $0x80, $0x38;
	[tilespmem:$0x1E700] =	vst v63  }
0x266: {  	_ =	strace $0x80000050  }
0x267: {  	s24 =	simm.s32 $0x400;
	s23 =	simm.s32 $0x80;
	s4 =	rddreg [dreg:$0x5]  }
0x268: {  	[tilespmem:s25], [sflag:$0x3] =	stream.strided.gather [hbm4b:s4+s23], $0x18700, s24, s23, $0x200038;
	[tilespmem:$0x1E700] =	vst v63  }
0x269: {  	_ =	swait.ge [sflag:s26], $0x18700  }
0x26a: {  	[sflag:s26] =	ssyncset.done $0x0  }
0x26b: {  	[sflag:s26] =	ssyncadd.s32 $0xFFFE7900  }
0x26c: {  	_ =	strace $0x90000050  }
0x26d: {  	_ =	swait.ge [sflag:s2], $0x800  }
0x26e: {  	[sflag:s2] =	ssyncset.done $0x0  }
0x26f: {  	[sflag:s2] =	ssyncadd.s32 $0xFFFFF800  }
0x270: {  	s24 =	simm.s32 $0x40;
	_ =	strace $0x80000051  }
0x271: {  	v0 =	vld [tilespmem:s24+$0x30]  }
0x272: {  	v1 =	vld [tilespmem:s24+$0xFFFFFFD0]  }
0x273: {  	v2 =	vld [tilespmem:s24+$0xFFFFFFE0]  }
0x274: {  	v3 =	vld [tilespmem:s24+$0xFFFFFFF0]  }
0x275: {  	v4 =	vld [tilespmem:s24+$0x0]  }
0x276: {  	v6 =	vld [tilespmem:s24+$0x10]  }
0x277: {  	v7 =	vld [tilespmem:s24+$0x20]  }
0x278: {  	v8 =	vld [tilespmem:s24+$0xFFFFFFC0]  }
0x279: {  	v9 =	vld.idx.msk [tilespmem:v0+s25+$0x0], $0xffff  }
0x27a: {  	v10 =	vld.idx.msk [tilespmem:v1+s25+$0x0], $0xffff  }
0x27b: {  	v5 =	vld.idx.msk [tilespmem:v2+s25+$0x0], $0xffff  }
0x27c: {  	v3 =	vld.idx.msk [tilespmem:v3+s25+$0x0], $0xffff  }
0x27d: {  	v0 =	vld.idx.msk [tilespmem:v4+s25+$0x0], $0xffff  }
0x27e: {  	s4 =	simm.s32 $0x1C740;
	v1 =	vld.idx.msk [tilespmem:v6+s25+$0x0], $0xffff  }
0x27f: {  	v2 =	vld.idx.msk [tilespmem:v7+s25+$0x0], $0xffff;
	[tilespmem:s4+$0x30] =	vst v9  }
0x280: {  	s23 =	simm.s32 $0x0;
	s24 =	simm.s32 $0xC0;
	v4 =	vld.idx.msk [tilespmem:v8+s25+$0x0], $0xffff;
	[tilespmem:s4+$0xFFFFFFD0] =	vst v10  }
.LBB2_18:
0x281: {  	v6 =	vld [tilespmem:s24+$0x30];
	s23 =	sadd.s32 $0x80, s23;
	[tilespmem:s4+$0xFFFFFFE0] =	vst v5  }
0x282: {  	v5 =	vld [tilespmem:s24+$0xFFFFFFD0];
	p0 =	slt.u32 s23, $0x780;
	[tilespmem:s4+$0xFFFFFFF0] =	vst v3  }
0x283: {  	v3 =	vld [tilespmem:s24+$0xFFFFFFE0];
	[tilespmem:s4+$0x0] =	vst v0  }
0x284: {  	v0 =	vld [tilespmem:s24+$0xFFFFFFF0];
	[tilespmem:s4+$0x10] =	vst v1  }
0x285: {  	v1 =	vld [tilespmem:s24+$0x0];
	[tilespmem:s4+$0x20] =	vst v2  }
0x286: {  	v2 =	vld [tilespmem:s24+$0x10];
	[tilespmem:s4+$0xFFFFFFC0] =	vst v4  }
0x287: {  	v4 =	vld [tilespmem:s24+$0x20]  }
0x288: {  	v7 =	vld [tilespmem:s24+$0xFFFFFFC0]  }
0x289: {  	v6 =	vld.idx.msk [tilespmem:v6+s25+$0x0], $0xffff  }
0x28a: {  	v8 =	vld.idx.msk [tilespmem:v5+s25+$0x0], $0xffff  }
0x28b: {  	v5 =	vld.idx.msk [tilespmem:v3+s25+$0x0], $0xffff  }
.Ltmp8:
0x28c: {  	v3 =	vld.idx.msk [tilespmem:v0+s25+$0x0], $0xffff;
	(pc) =	sbr.rel @p0 .LBB2_18-.Ltmp8, $4  }
0x28d: {  	v0 =	vld.idx.msk [tilespmem:v1+s25+$0x0], $0xffff  }
0x28e: {  	s4 =	sadd.s32 $0x200, s4;
	v1 =	vld.idx.msk [tilespmem:v2+s25+$0x0], $0xffff  }
0x28f: {  	v2 =	vld.idx.msk [tilespmem:v4+s25+$0x0], $0xffff;
	[tilespmem:s4+$0x30] =	vst v6  }
0x290: {  	s24 =	sadd.s32 $0x80, s24;
	v4 =	vld.idx.msk [tilespmem:v7+s25+$0x0], $0xffff;
	[tilespmem:s4+$0xFFFFFFD0] =	vst v8  }
0x291: {  	[tilespmem:s4+$0xFFFFFFE0] =	vst v5  }
0x292: {  	[tilespmem:s4+$0xFFFFFFF0] =	vst v3  }
0x293: {  	[tilespmem:s4+$0x0] =	vst v0  }
0x294: {  	[tilespmem:s4+$0x10] =	vst v1  }
0x295: {  	[tilespmem:s4+$0x20] =	vst v2  }
0x296: {  	[tilespmem:s4+$0xFFFFFFC0] =	vst v4  }
0x297: {  	s23 =	simm.s32 $0x1C700;
	_ =	strace $0x90000051  }
0x298: {  	[hbm4b:s14+s3] =	stream.linear.scatter [tilespmem:s23], [sflag:$0x1], $0x80, $0x38;
	[tilespmem:$0x1E700] =	vst v63  }
0x299: {  	s24 =	sadd.s32 $0x80, s14;
	s23 =	simm.s32 $0x1C900  }
0x29a: {  	[hbm4b:s24+s3] =	stream.linear.scatter [tilespmem:s23], [sflag:$0x1], $0x80, $0x38;
	[tilespmem:$0x1E700] =	vst v63  }
0x29b: {  	s23 =	sadd.s32 $0x100, s14;
	s24 =	simm.s32 $0x1CB00  }
0x29c: {  	[hbm4b:s23+s3] =	stream.linear.scatter [tilespmem:s24], [sflag:$0x1], $0x80, $0x38;
	[tilespmem:$0x1E700] =	vst v63  }
0x29d: {  	s23 =	sadd.s32 $0x180, s14;
	s24 =	simm.s32 $0x1CD00  }
0x29e: {  	[hbm4b:s23+s3] =	stream.linear.scatter [tilespmem:s24], [sflag:$0x1], $0x80, $0x38;
	[tilespmem:$0x1E700] =	vst v63  }
0x29f: {  	s23 =	sadd.s32 $0x200, s14;
	s24 =	simm.s32 $0x1CF00  }
0x2a0: {  	[hbm4b:s23+s3] =	stream.linear.scatter [tilespmem:s24], [sflag:$0x1], $0x80, $0x38;
	[tilespmem:$0x1E700] =	vst v63  }
0x2a1: {  	s23 =	sadd.s32 $0x280, s14;
	s24 =	simm.s32 $0x1D100  }
0x2a2: {  	[hbm4b:s23+s3] =	stream.linear.scatter [tilespmem:s24], [sflag:$0x1], $0x80, $0x38;
	[tilespmem:$0x1E700] =	vst v63  }
0x2a3: {  	s23 =	sadd.s32 $0x300, s14;
	s24 =	simm.s32 $0x1D300  }
0x2a4: {  	[hbm4b:s23+s3] =	stream.linear.scatter [tilespmem:s24], [sflag:$0x1], $0x80, $0x38;
	[tilespmem:$0x1E700] =	vst v63  }
0x2a5: {  	s23 =	sadd.s32 $0x380, s14;
	s24 =	simm.s32 $0x1D500  }
0x2a6: {  	[hbm4b:s23+s3] =	stream.linear.scatter [tilespmem:s24], [sflag:$0x1], $0x80, $0x38;
	[tilespmem:$0x1E700] =	vst v63  }
0x2a7: {  	s23 =	sadd.s32 $0x400, s14;
	s24 =	simm.s32 $0x1D700  }
0x2a8: {  	[hbm4b:s23+s3] =	stream.linear.scatter [tilespmem:s24], [sflag:$0x1], $0x80, $0x38;
	[tilespmem:$0x1E700] =	vst v63  }
0x2a9: {  	s23 =	sadd.s32 $0x480, s14;
	s24 =	simm.s32 $0x1D900  }
0x2aa: {  	[hbm4b:s23+s3] =	stream.linear.scatter [tilespmem:s24], [sflag:$0x1], $0x80, $0x38;
	[tilespmem:$0x1E700] =	vst v63  }
0x2ab: {  	s23 =	sadd.s32 $0x500, s14;
	s24 =	simm.s32 $0x1DB00  }
0x2ac: {  	[hbm4b:s23+s3] =	stream.linear.scatter [tilespmem:s24], [sflag:$0x1], $0x80, $0x38;
	[tilespmem:$0x1E700] =	vst v63  }
0x2ad: {  	s23 =	sadd.s32 $0x580, s14;
	s24 =	simm.s32 $0x1DD00  }
0x2ae: {  	[hbm4b:s23+s3] =	stream.linear.scatter [tilespmem:s24], [sflag:$0x1], $0x80, $0x38;
	[tilespmem:$0x1E700] =	vst v63  }
0x2af: {  	s23 =	sadd.s32 $0x600, s14;
	s24 =	simm.s32 $0x1DF00  }
0x2b0: {  	[hbm4b:s23+s3] =	stream.linear.scatter [tilespmem:s24], [sflag:$0x1], $0x80, $0x38;
	[tilespmem:$0x1E700] =	vst v63  }
0x2b1: {  	s23 =	sadd.s32 $0x680, s14;
	s24 =	simm.s32 $0x1E100  }
0x2b2: {  	[hbm4b:s23+s3] =	stream.linear.scatter [tilespmem:s24], [sflag:$0x1], $0x80, $0x38;
	[tilespmem:$0x1E700] =	vst v63  }
0x2b3: {  	s23 =	sadd.s32 $0x700, s14;
	s24 =	simm.s32 $0x1E300  }
0x2b4: {  	[hbm4b:s23+s3] =	stream.linear.scatter [tilespmem:s24], [sflag:$0x1], $0x80, $0x38;
	[tilespmem:$0x1E700] =	vst v63  }
0x2b5: {  	s23 =	sadd.s32 $0x780, s14;
	s24 =	simm.s32 $0x1E500  }
0x2b6: {  	[hbm4b:s23+s3] =	stream.linear.scatter [tilespmem:s24], [sflag:$0x1], $0x80, $0x38;
	[tilespmem:$0x1E700] =	vst v63  }
0x2b7: {  	_ =	swait.ge [sflag:s2], $0x800  }
0x2b8: {  	[sflag:s2] =	ssyncset.done $0x0  }
0x2b9: {  	[sflag:s2] =	ssyncadd.s32 $0xFFFFF800  }
0x2ba: {  	s24 =	simm.s32 $0x870;
	_ =	strace $0x80000052  }
0x2bb: {  	v0 =	vld [tilespmem:s24+$0x0]  }
0x2bc: {  	v1 =	vld [tilespmem:s24+$0xFFFFFFA0]  }
0x2bd: {  	v2 =	vld [tilespmem:s24+$0xFFFFFFB0]  }
0x2be: {  	v3 =	vld [tilespmem:s24+$0xFFFFFFC0]  }
0x2bf: {  	v4 =	vld [tilespmem:s24+$0xFFFFFFD0]  }
0x2c0: {  	v6 =	vld [tilespmem:s24+$0xFFFFFFE0]  }
0x2c1: {  	v7 =	vld [tilespmem:s24+$0xFFFFFFF0]  }
0x2c2: {  	v8 =	vld [tilespmem:s24+$0xFFFFFF90]  }
0x2c3: {  	v9 =	vld.idx.msk [tilespmem:v0+s25+$0x0], $0xffff  }
0x2c4: {  	v10 =	vld.idx.msk [tilespmem:v1+s25+$0x0], $0xffff  }
0x2c5: {  	v5 =	vld.idx.msk [tilespmem:v2+s25+$0x0], $0xffff  }
0x2c6: {  	v3 =	vld.idx.msk [tilespmem:v3+s25+$0x0], $0xffff  }
0x2c7: {  	v0 =	vld.idx.msk [tilespmem:v4+s25+$0x0], $0xffff  }
0x2c8: {  	s4 =	simm.s32 $0x1C7F0;
	v1 =	vld.idx.msk [tilespmem:v6+s25+$0x0], $0xffff  }
0x2c9: {  	v2 =	vld.idx.msk [tilespmem:v7+s25+$0x0], $0xffff;
	[tilespmem:s4+$0x0] =	vst v9  }
0x2ca: {  	s23 =	simm.s32 $0x0;
	s24 =	simm.s32 $0x8F0;
	v4 =	vld.idx.msk [tilespmem:v8+s25+$0x0], $0xffff;
	[tilespmem:s4+$0xFFFFFFA0] =	vst v10  }
.LBB2_20:
0x2cb: {  	v6 =	vld [tilespmem:s24+$0x0];
	s23 =	sadd.s32 $0x80, s23;
	[tilespmem:s4+$0xFFFFFFB0] =	vst v5  }
0x2cc: {  	v5 =	vld [tilespmem:s24+$0xFFFFFFA0];
	p0 =	slt.u32 s23, $0x780;
	[tilespmem:s4+$0xFFFFFFC0] =	vst v3  }
0x2cd: {  	v3 =	vld [tilespmem:s24+$0xFFFFFFB0];
	[tilespmem:s4+$0xFFFFFFD0] =	vst v0  }
0x2ce: {  	v0 =	vld [tilespmem:s24+$0xFFFFFFC0];
	[tilespmem:s4+$0xFFFFFFE0] =	vst v1  }
0x2cf: {  	v1 =	vld [tilespmem:s24+$0xFFFFFFD0];
	[tilespmem:s4+$0xFFFFFFF0] =	vst v2  }
0x2d0: {  	v2 =	vld [tilespmem:s24+$0xFFFFFFE0];
	[tilespmem:s4+$0xFFFFFF90] =	vst v4  }
0x2d1: {  	v4 =	vld [tilespmem:s24+$0xFFFFFFF0]  }
0x2d2: {  	v7 =	vld [tilespmem:s24+$0xFFFFFF90]  }
0x2d3: {  	v6 =	vld.idx.msk [tilespmem:v6+s25+$0x0], $0xffff  }
0x2d4: {  	v8 =	vld.idx.msk [tilespmem:v5+s25+$0x0], $0xffff  }
0x2d5: {  	v5 =	vld.idx.msk [tilespmem:v3+s25+$0x0], $0xffff  }
.Ltmp9:
0x2d6: {  	v3 =	vld.idx.msk [tilespmem:v0+s25+$0x0], $0xffff;
	(pc) =	sbr.rel @p0 .LBB2_20-.Ltmp9, $4  }
0x2d7: {  	v0 =	vld.idx.msk [tilespmem:v1+s25+$0x0], $0xffff  }
0x2d8: {  	s4 =	sadd.s32 $0x200, s4;
	v1 =	vld.idx.msk [tilespmem:v2+s25+$0x0], $0xffff  }
0x2d9: {  	v2 =	vld.idx.msk [tilespmem:v4+s25+$0x0], $0xffff;
	[tilespmem:s4+$0x0] =	vst v6  }
0x2da: {  	s24 =	sadd.s32 $0x80, s24;
	v4 =	vld.idx.msk [tilespmem:v7+s25+$0x0], $0xffff;
	[tilespmem:s4+$0xFFFFFFA0] =	vst v8  }
0x2db: {  	[tilespmem:s4+$0xFFFFFFB0] =	vst v5  }
0x2dc: {  	[tilespmem:s4+$0xFFFFFFC0] =	vst v3  }
0x2dd: {  	[tilespmem:s4+$0xFFFFFFD0] =	vst v0  }
0x2de: {  	[tilespmem:s4+$0xFFFFFFE0] =	vst v1  }
0x2df: {  	[tilespmem:s4+$0xFFFFFFF0] =	vst v2  }
0x2e0: {  	[tilespmem:s4+$0xFFFFFF90] =	vst v4  }
0x2e1: {  	s23 =	simm.s32 $0x1C780;
	_ =	strace $0x90000052  }
0x2e2: {  	[hbm4b:s15+s3] =	stream.linear.scatter [tilespmem:s23], [sflag:$0x1], $0x80, $0x38;
	[tilespmem:$0x1E700] =	vst v63  }
0x2e3: {  	s24 =	sadd.s32 $0x80, s15;
	s23 =	simm.s32 $0x1C980  }
0x2e4: {  	[hbm4b:s24+s3] =	stream.linear.scatter [tilespmem:s23], [sflag:$0x1], $0x80, $0x38;
	[tilespmem:$0x1E700] =	vst v63  }
0x2e5: {  	s23 =	sadd.s32 $0x100, s15;
	s24 =	simm.s32 $0x1CB80  }
0x2e6: {  	[hbm4b:s23+s3] =	stream.linear.scatter [tilespmem:s24], [sflag:$0x1], $0x80, $0x38;
	[tilespmem:$0x1E700] =	vst v63  }
0x2e7: {  	s23 =	sadd.s32 $0x180, s15;
	s24 =	simm.s32 $0x1CD80  }
0x2e8: {  	[hbm4b:s23+s3] =	stream.linear.scatter [tilespmem:s24], [sflag:$0x1], $0x80, $0x38;
	[tilespmem:$0x1E700] =	vst v63  }
0x2e9: {  	s23 =	sadd.s32 $0x200, s15;
	s24 =	simm.s32 $0x1CF80  }
0x2ea: {  	[hbm4b:s23+s3] =	stream.linear.scatter [tilespmem:s24], [sflag:$0x1], $0x80, $0x38;
	[tilespmem:$0x1E700] =	vst v63  }
0x2eb: {  	s23 =	sadd.s32 $0x280, s15;
	s24 =	simm.s32 $0x1D180  }
0x2ec: {  	[hbm4b:s23+s3] =	stream.linear.scatter [tilespmem:s24], [sflag:$0x1], $0x80, $0x38;
	[tilespmem:$0x1E700] =	vst v63  }
0x2ed: {  	s23 =	sadd.s32 $0x300, s15;
	s24 =	simm.s32 $0x1D380  }
0x2ee: {  	[hbm4b:s23+s3] =	stream.linear.scatter [tilespmem:s24], [sflag:$0x1], $0x80, $0x38;
	[tilespmem:$0x1E700] =	vst v63  }
0x2ef: {  	s23 =	sadd.s32 $0x380, s15;
	s24 =	simm.s32 $0x1D580  }
0x2f0: {  	[hbm4b:s23+s3] =	stream.linear.scatter [tilespmem:s24], [sflag:$0x1], $0x80, $0x38;
	[tilespmem:$0x1E700] =	vst v63  }
0x2f1: {  	s23 =	sadd.s32 $0x400, s15;
	s24 =	simm.s32 $0x1D780  }
0x2f2: {  	[hbm4b:s23+s3] =	stream.linear.scatter [tilespmem:s24], [sflag:$0x1], $0x80, $0x38;
	[tilespmem:$0x1E700] =	vst v63  }
0x2f3: {  	s23 =	sadd.s32 $0x480, s15;
	s24 =	simm.s32 $0x1D980  }
0x2f4: {  	[hbm4b:s23+s3] =	stream.linear.scatter [tilespmem:s24], [sflag:$0x1], $0x80, $0x38;
	[tilespmem:$0x1E700] =	vst v63  }
0x2f5: {  	s23 =	sadd.s32 $0x500, s15;
	s24 =	simm.s32 $0x1DB80  }
0x2f6: {  	[hbm4b:s23+s3] =	stream.linear.scatter [tilespmem:s24], [sflag:$0x1], $0x80, $0x38;
	[tilespmem:$0x1E700] =	vst v63  }
0x2f7: {  	s23 =	sadd.s32 $0x580, s15;
	s24 =	simm.s32 $0x1DD80  }
0x2f8: {  	[hbm4b:s23+s3] =	stream.linear.scatter [tilespmem:s24], [sflag:$0x1], $0x80, $0x38;
	[tilespmem:$0x1E700] =	vst v63  }
0x2f9: {  	s23 =	sadd.s32 $0x600, s15;
	s24 =	simm.s32 $0x1DF80  }
0x2fa: {  	[hbm4b:s23+s3] =	stream.linear.scatter [tilespmem:s24], [sflag:$0x1], $0x80, $0x38;
	[tilespmem:$0x1E700] =	vst v63  }
0x2fb: {  	s23 =	sadd.s32 $0x680, s15;
	s24 =	simm.s32 $0x1E180  }
0x2fc: {  	[hbm4b:s23+s3] =	stream.linear.scatter [tilespmem:s24], [sflag:$0x1], $0x80, $0x38;
	[tilespmem:$0x1E700] =	vst v63  }
0x2fd: {  	s23 =	sadd.s32 $0x700, s15;
	s24 =	simm.s32 $0x1E380  }
0x2fe: {  	[hbm4b:s23+s3] =	stream.linear.scatter [tilespmem:s24], [sflag:$0x1], $0x80, $0x38;
	[tilespmem:$0x1E700] =	vst v63  }
0x2ff: {  	s23 =	sadd.s32 $0x780, s15;
	s24 =	simm.s32 $0x1E580  }
0x300: {  	[hbm4b:s23+s3] =	stream.linear.scatter [tilespmem:s24], [sflag:$0x1], $0x80, $0x38;
	[tilespmem:$0x1E700] =	vst v63  }
0x301: {  	_ =	swait.ge [sflag:s2], $0x800  }
0x302: {  	[sflag:s2] =	ssyncset.done $0x0  }
0x303: {  	[sflag:s2] =	ssyncadd.s32 $0xFFFFF800  }
0x304: {  	s24 =	simm.s32 $0x1070;
	_ =	strace $0x80000053  }
0x305: {  	v0 =	vld [tilespmem:s24+$0x0]  }
0x306: {  	v1 =	vld [tilespmem:s24+$0xFFFFFFA0]  }
0x307: {  	v2 =	vld [tilespmem:s24+$0xFFFFFFB0]  }
0x308: {  	v3 =	vld [tilespmem:s24+$0xFFFFFFC0]  }
0x309: {  	v4 =	vld [tilespmem:s24+$0xFFFFFFD0]  }
0x30a: {  	v6 =	vld [tilespmem:s24+$0xFFFFFFE0]  }
0x30b: {  	v7 =	vld [tilespmem:s24+$0xFFFFFFF0]  }
0x30c: {  	v8 =	vld [tilespmem:s24+$0xFFFFFF90]  }
0x30d: {  	v9 =	vld.idx.msk [tilespmem:v0+s25+$0x0], $0xffff  }
0x30e: {  	v10 =	vld.idx.msk [tilespmem:v1+s25+$0x0], $0xffff  }
0x30f: {  	v5 =	vld.idx.msk [tilespmem:v2+s25+$0x0], $0xffff  }
0x310: {  	v3 =	vld.idx.msk [tilespmem:v3+s25+$0x0], $0xffff  }
0x311: {  	v0 =	vld.idx.msk [tilespmem:v4+s25+$0x0], $0xffff  }
0x312: {  	s4 =	simm.s32 $0x1C870;
	v1 =	vld.idx.msk [tilespmem:v6+s25+$0x0], $0xffff  }
0x313: {  	v2 =	vld.idx.msk [tilespmem:v7+s25+$0x0], $0xffff;
	[tilespmem:s4+$0x0] =	vst v9  }
0x314: {  	s23 =	simm.s32 $0x0;
	s24 =	simm.s32 $0x10F0;
	v4 =	vld.idx.msk [tilespmem:v8+s25+$0x0], $0xffff;
	[tilespmem:s4+$0xFFFFFFA0] =	vst v10  }
.LBB2_22:
0x315: {  	v6 =	vld [tilespmem:s24+$0x0];
	s23 =	sadd.s32 $0x80, s23;
	[tilespmem:s4+$0xFFFFFFB0] =	vst v5  }
0x316: {  	v5 =	vld [tilespmem:s24+$0xFFFFFFA0];
	p0 =	slt.u32 s23, $0x780;
	[tilespmem:s4+$0xFFFFFFC0] =	vst v3  }
0x317: {  	v3 =	vld [tilespmem:s24+$0xFFFFFFB0];
	[tilespmem:s4+$0xFFFFFFD0] =	vst v0  }
0x318: {  	v0 =	vld [tilespmem:s24+$0xFFFFFFC0];
	[tilespmem:s4+$0xFFFFFFE0] =	vst v1  }
0x319: {  	v1 =	vld [tilespmem:s24+$0xFFFFFFD0];
	[tilespmem:s4+$0xFFFFFFF0] =	vst v2  }
0x31a: {  	v2 =	vld [tilespmem:s24+$0xFFFFFFE0];
	[tilespmem:s4+$0xFFFFFF90] =	vst v4  }
0x31b: {  	v4 =	vld [tilespmem:s24+$0xFFFFFFF0]  }
0x31c: {  	v7 =	vld [tilespmem:s24+$0xFFFFFF90]  }
0x31d: {  	v6 =	vld.idx.msk [tilespmem:v6+s25+$0x0], $0xffff  }
0x31e: {  	v8 =	vld.idx.msk [tilespmem:v5+s25+$0x0], $0xffff  }
0x31f: {  	v5 =	vld.idx.msk [tilespmem:v3+s25+$0x0], $0xffff  }
.Ltmp10:
0x320: {  	v3 =	vld.idx.msk [tilespmem:v0+s25+$0x0], $0xffff;
	(pc) =	sbr.rel @p0 .LBB2_22-.Ltmp10, $4  }
0x321: {  	v0 =	vld.idx.msk [tilespmem:v1+s25+$0x0], $0xffff  }
0x322: {  	s4 =	sadd.s32 $0x200, s4;
	v1 =	vld.idx.msk [tilespmem:v2+s25+$0x0], $0xffff  }
0x323: {  	v2 =	vld.idx.msk [tilespmem:v4+s25+$0x0], $0xffff;
	[tilespmem:s4+$0x0] =	vst v6  }
0x324: {  	s24 =	sadd.s32 $0x80, s24;
	v4 =	vld.idx.msk [tilespmem:v7+s25+$0x0], $0xffff;
	[tilespmem:s4+$0xFFFFFFA0] =	vst v8  }
0x325: {  	[tilespmem:s4+$0xFFFFFFB0] =	vst v5  }
0x326: {  	[tilespmem:s4+$0xFFFFFFC0] =	vst v3  }
0x327: {  	[tilespmem:s4+$0xFFFFFFD0] =	vst v0  }
0x328: {  	[tilespmem:s4+$0xFFFFFFE0] =	vst v1  }
0x329: {  	[tilespmem:s4+$0xFFFFFFF0] =	vst v2  }
0x32a: {  	[tilespmem:s4+$0xFFFFFF90] =	vst v4  }
0x32b: {  	s23 =	simm.s32 $0x1C800;
	_ =	strace $0x90000053  }
0x32c: {  	[hbm4b:s16+s3] =	stream.linear.scatter [tilespmem:s23], [sflag:$0x1], $0x80, $0x38;
	[tilespmem:$0x1E700] =	vst v63  }
0x32d: {  	s24 =	sadd.s32 $0x80, s16;
	s23 =	simm.s32 $0x1CA00  }
0x32e: {  	[hbm4b:s24+s3] =	stream.linear.scatter [tilespmem:s23], [sflag:$0x1], $0x80, $0x38;
	[tilespmem:$0x1E700] =	vst v63  }
0x32f: {  	s23 =	sadd.s32 $0x100, s16;
	s24 =	simm.s32 $0x1CC00  }
0x330: {  	[hbm4b:s23+s3] =	stream.linear.scatter [tilespmem:s24], [sflag:$0x1], $0x80, $0x38;
	[tilespmem:$0x1E700] =	vst v63  }
0x331: {  	s23 =	sadd.s32 $0x180, s16;
	s24 =	simm.s32 $0x1CE00  }
0x332: {  	[hbm4b:s23+s3] =	stream.linear.scatter [tilespmem:s24], [sflag:$0x1], $0x80, $0x38;
	[tilespmem:$0x1E700] =	vst v63  }
0x333: {  	s23 =	sadd.s32 $0x200, s16;
	s24 =	simm.s32 $0x1D000  }
0x334: {  	[hbm4b:s23+s3] =	stream.linear.scatter [tilespmem:s24], [sflag:$0x1], $0x80, $0x38;
	[tilespmem:$0x1E700] =	vst v63  }
0x335: {  	s23 =	sadd.s32 $0x280, s16;
	s24 =	simm.s32 $0x1D200  }
0x336: {  	[hbm4b:s23+s3] =	stream.linear.scatter [tilespmem:s24], [sflag:$0x1], $0x80, $0x38;
	[tilespmem:$0x1E700] =	vst v63  }
0x337: {  	s23 =	sadd.s32 $0x300, s16;
	s24 =	simm.s32 $0x1D400  }
0x338: {  	[hbm4b:s23+s3] =	stream.linear.scatter [tilespmem:s24], [sflag:$0x1], $0x80, $0x38;
	[tilespmem:$0x1E700] =	vst v63  }
0x339: {  	s23 =	sadd.s32 $0x380, s16;
	s24 =	simm.s32 $0x1D600  }
0x33a: {  	[hbm4b:s23+s3] =	stream.linear.scatter [tilespmem:s24], [sflag:$0x1], $0x80, $0x38;
	[tilespmem:$0x1E700] =	vst v63  }
0x33b: {  	s23 =	sadd.s32 $0x400, s16;
	s24 =	simm.s32 $0x1D800  }
0x33c: {  	[hbm4b:s23+s3] =	stream.linear.scatter [tilespmem:s24], [sflag:$0x1], $0x80, $0x38;
	[tilespmem:$0x1E700] =	vst v63  }
0x33d: {  	s23 =	sadd.s32 $0x480, s16;
	s24 =	simm.s32 $0x1DA00  }
0x33e: {  	[hbm4b:s23+s3] =	stream.linear.scatter [tilespmem:s24], [sflag:$0x1], $0x80, $0x38;
	[tilespmem:$0x1E700] =	vst v63  }
0x33f: {  	s23 =	sadd.s32 $0x500, s16;
	s24 =	simm.s32 $0x1DC00  }
0x340: {  	[hbm4b:s23+s3] =	stream.linear.scatter [tilespmem:s24], [sflag:$0x1], $0x80, $0x38;
	[tilespmem:$0x1E700] =	vst v63  }
0x341: {  	s23 =	sadd.s32 $0x580, s16;
	s24 =	simm.s32 $0x1DE00  }
0x342: {  	[hbm4b:s23+s3] =	stream.linear.scatter [tilespmem:s24], [sflag:$0x1], $0x80, $0x38;
	[tilespmem:$0x1E700] =	vst v63  }
0x343: {  	s23 =	sadd.s32 $0x600, s16;
	s24 =	simm.s32 $0x1E000  }
0x344: {  	[hbm4b:s23+s3] =	stream.linear.scatter [tilespmem:s24], [sflag:$0x1], $0x80, $0x38;
	[tilespmem:$0x1E700] =	vst v63  }
0x345: {  	s23 =	sadd.s32 $0x680, s16;
	s24 =	simm.s32 $0x1E200  }
0x346: {  	[hbm4b:s23+s3] =	stream.linear.scatter [tilespmem:s24], [sflag:$0x1], $0x80, $0x38;
	[tilespmem:$0x1E700] =	vst v63  }
0x347: {  	s23 =	sadd.s32 $0x700, s16;
	s24 =	simm.s32 $0x1E400  }
0x348: {  	[hbm4b:s23+s3] =	stream.linear.scatter [tilespmem:s24], [sflag:$0x1], $0x80, $0x38;
	[tilespmem:$0x1E700] =	vst v63  }
0x349: {  	s23 =	sadd.s32 $0x780, s16;
	s24 =	simm.s32 $0x1E600  }
0x34a: {  	[hbm4b:s23+s3] =	stream.linear.scatter [tilespmem:s24], [sflag:$0x1], $0x80, $0x38;
	[tilespmem:$0x1E700] =	vst v63  }
0x34b: {  	_ =	swait.ge [sflag:s2], $0x800  }
0x34c: {  	[sflag:s2] =	ssyncset.done $0x0  }
0x34d: {  	[sflag:s2] =	ssyncadd.s32 $0xFFFFF800  }
0x34e: {  	s24 =	simm.s32 $0x1870;
	_ =	strace $0x80000054  }
0x34f: {  	v0 =	vld [tilespmem:s24+$0x0]  }
0x350: {  	v1 =	vld [tilespmem:s24+$0xFFFFFFA0]  }
0x351: {  	v2 =	vld [tilespmem:s24+$0xFFFFFFB0]  }
0x352: {  	v3 =	vld [tilespmem:s24+$0xFFFFFFC0]  }
0x353: {  	v4 =	vld [tilespmem:s24+$0xFFFFFFD0]  }
0x354: {  	v6 =	vld [tilespmem:s24+$0xFFFFFFE0]  }
0x355: {  	v7 =	vld [tilespmem:s24+$0xFFFFFFF0]  }
0x356: {  	v8 =	vld [tilespmem:s24+$0xFFFFFF90]  }
0x357: {  	v9 =	vld.idx.msk [tilespmem:v0+s25+$0x0], $0xffff  }
0x358: {  	v10 =	vld.idx.msk [tilespmem:v1+s25+$0x0], $0xffff  }
0x359: {  	v5 =	vld.idx.msk [tilespmem:v2+s25+$0x0], $0xffff  }
0x35a: {  	v3 =	vld.idx.msk [tilespmem:v3+s25+$0x0], $0xffff  }
0x35b: {  	v0 =	vld.idx.msk [tilespmem:v4+s25+$0x0], $0xffff  }
0x35c: {  	s4 =	simm.s32 $0x1C8F0;
	v1 =	vld.idx.msk [tilespmem:v6+s25+$0x0], $0xffff  }
0x35d: {  	v2 =	vld.idx.msk [tilespmem:v7+s25+$0x0], $0xffff;
	[tilespmem:s4+$0x0] =	vst v9  }
0x35e: {  	s23 =	simm.s32 $0x0;
	s24 =	simm.s32 $0x18F0;
	v4 =	vld.idx.msk [tilespmem:v8+s25+$0x0], $0xffff;
	[tilespmem:s4+$0xFFFFFFA0] =	vst v10  }
.LBB2_24:
0x35f: {  	v6 =	vld [tilespmem:s24+$0x0];
	s23 =	sadd.s32 $0x80, s23;
	[tilespmem:s4+$0xFFFFFFB0] =	vst v5  }
0x360: {  	v5 =	vld [tilespmem:s24+$0xFFFFFFA0];
	p0 =	slt.u32 s23, $0x780;
	[tilespmem:s4+$0xFFFFFFC0] =	vst v3  }
0x361: {  	v3 =	vld [tilespmem:s24+$0xFFFFFFB0];
	[tilespmem:s4+$0xFFFFFFD0] =	vst v0  }
0x362: {  	v0 =	vld [tilespmem:s24+$0xFFFFFFC0];
	[tilespmem:s4+$0xFFFFFFE0] =	vst v1  }
0x363: {  	v1 =	vld [tilespmem:s24+$0xFFFFFFD0];
	[tilespmem:s4+$0xFFFFFFF0] =	vst v2  }
0x364: {  	v2 =	vld [tilespmem:s24+$0xFFFFFFE0];
	[tilespmem:s4+$0xFFFFFF90] =	vst v4  }
0x365: {  	v4 =	vld [tilespmem:s24+$0xFFFFFFF0]  }
0x366: {  	v7 =	vld [tilespmem:s24+$0xFFFFFF90]  }
0x367: {  	v6 =	vld.idx.msk [tilespmem:v6+s25+$0x0], $0xffff  }
0x368: {  	v8 =	vld.idx.msk [tilespmem:v5+s25+$0x0], $0xffff  }
0x369: {  	v5 =	vld.idx.msk [tilespmem:v3+s25+$0x0], $0xffff  }
.Ltmp11:
0x36a: {  	v3 =	vld.idx.msk [tilespmem:v0+s25+$0x0], $0xffff;
	(pc) =	sbr.rel @p0 .LBB2_24-.Ltmp11, $4  }
0x36b: {  	v0 =	vld.idx.msk [tilespmem:v1+s25+$0x0], $0xffff  }
0x36c: {  	s4 =	sadd.s32 $0x200, s4;
	v1 =	vld.idx.msk [tilespmem:v2+s25+$0x0], $0xffff  }
0x36d: {  	v2 =	vld.idx.msk [tilespmem:v4+s25+$0x0], $0xffff;
	[tilespmem:s4+$0x0] =	vst v6  }
0x36e: {  	s24 =	sadd.s32 $0x80, s24;
	v4 =	vld.idx.msk [tilespmem:v7+s25+$0x0], $0xffff;
	[tilespmem:s4+$0xFFFFFFA0] =	vst v8  }
0x36f: {  	[tilespmem:s4+$0xFFFFFFB0] =	vst v5  }
0x370: {  	[tilespmem:s4+$0xFFFFFFC0] =	vst v3  }
0x371: {  	[tilespmem:s4+$0xFFFFFFD0] =	vst v0  }
0x372: {  	[tilespmem:s4+$0xFFFFFFE0] =	vst v1  }
0x373: {  	[tilespmem:s4+$0xFFFFFFF0] =	vst v2  }
0x374: {  	[tilespmem:s4+$0xFFFFFF90] =	vst v4  }
0x375: {  	s23 =	simm.s32 $0x1C880;
	_ =	strace $0x90000054  }
0x376: {  	[hbm4b:s17+s3] =	stream.linear.scatter [tilespmem:s23], [sflag:$0x1], $0x80, $0x38;
	[tilespmem:$0x1E700] =	vst v63  }
0x377: {  	s24 =	sadd.s32 $0x80, s17;
	s23 =	simm.s32 $0x1CA80  }
0x378: {  	[hbm4b:s24+s3] =	stream.linear.scatter [tilespmem:s23], [sflag:$0x1], $0x80, $0x38;
	[tilespmem:$0x1E700] =	vst v63  }
0x379: {  	s23 =	sadd.s32 $0x100, s17;
	s24 =	simm.s32 $0x1CC80  }
0x37a: {  	[hbm4b:s23+s3] =	stream.linear.scatter [tilespmem:s24], [sflag:$0x1], $0x80, $0x38;
	[tilespmem:$0x1E700] =	vst v63  }
0x37b: {  	s23 =	sadd.s32 $0x180, s17;
	s24 =	simm.s32 $0x1CE80  }
0x37c: {  	[hbm4b:s23+s3] =	stream.linear.scatter [tilespmem:s24], [sflag:$0x1], $0x80, $0x38;
	[tilespmem:$0x1E700] =	vst v63  }
0x37d: {  	s23 =	sadd.s32 $0x200, s17;
	s24 =	simm.s32 $0x1D080  }
0x37e: {  	[hbm4b:s23+s3] =	stream.linear.scatter [tilespmem:s24], [sflag:$0x1], $0x80, $0x38;
	[tilespmem:$0x1E700] =	vst v63  }
0x37f: {  	s23 =	sadd.s32 $0x280, s17;
	s24 =	simm.s32 $0x1D280  }
0x380: {  	[hbm4b:s23+s3] =	stream.linear.scatter [tilespmem:s24], [sflag:$0x1], $0x80, $0x38;
	[tilespmem:$0x1E700] =	vst v63  }
0x381: {  	s23 =	sadd.s32 $0x300, s17;
	s24 =	simm.s32 $0x1D480  }
0x382: {  	[hbm4b:s23+s3] =	stream.linear.scatter [tilespmem:s24], [sflag:$0x1], $0x80, $0x38;
	[tilespmem:$0x1E700] =	vst v63  }
0x383: {  	s23 =	sadd.s32 $0x380, s17;
	s24 =	simm.s32 $0x1D680  }
0x384: {  	[hbm4b:s23+s3] =	stream.linear.scatter [tilespmem:s24], [sflag:$0x1], $0x80, $0x38;
	[tilespmem:$0x1E700] =	vst v63  }
0x385: {  	s23 =	sadd.s32 $0x400, s17;
	s24 =	simm.s32 $0x1D880  }
0x386: {  	[hbm4b:s23+s3] =	stream.linear.scatter [tilespmem:s24], [sflag:$0x1], $0x80, $0x38;
	[tilespmem:$0x1E700] =	vst v63  }
0x387: {  	s23 =	sadd.s32 $0x480, s17  }
0x388: {  	[hbm4b:s23+s3] =	stream.linear.scatter [tilespmem:s13], [sflag:$0x1], $0x80, $0x38;
	[tilespmem:$0x1E700] =	vst v63  }
0x389: {  	s24 =	sadd.s32 $0x500, s17  }
0x38a: {  	[hbm4b:s24+s3] =	stream.linear.scatter [tilespmem:s22], [sflag:$0x1], $0x80, $0x38;
	[tilespmem:$0x1E700] =	vst v63  }
0x38b: {  	s23 =	sadd.s32 $0x580, s17  }
0x38c: {  	[hbm4b:s23+s3] =	stream.linear.scatter [tilespmem:s28], [sflag:$0x1], $0x80, $0x38;
	[tilespmem:$0x1E700] =	vst v63  }
0x38d: {  	s24 =	sadd.s32 $0x600, s17  }
0x38e: {  	[hbm4b:s24+s3] =	stream.linear.scatter [tilespmem:s29], [sflag:$0x1], $0x80, $0x38;
	[tilespmem:$0x1E700] =	vst v63  }
0x38f: {  	s23 =	sadd.s32 $0x680, s17  }
0x390: {  	[hbm4b:s23+s3] =	stream.linear.scatter [tilespmem:s30], [sflag:$0x1], $0x80, $0x38;
	[tilespmem:$0x1E700] =	vst v63  }
0x391: {  	s24 =	sadd.s32 $0x700, s17  }
0x392: {  	[hbm4b:s24+s3] =	stream.linear.scatter [tilespmem:s31], [sflag:$0x1], $0x80, $0x38;
	[tilespmem:$0x1E700] =	vst v63  }
0x393: {  	s23 =	sadd.s32 $0x780, s17  }
0x394: {  	[hbm4b:s23+s3] =	stream.linear.scatter [tilespmem:s0], [sflag:$0x1], $0x80, $0x38;
	[tilespmem:$0x1E700] =	vst v63  }
0x395: {  	_ =	swait.ge [sflag:s2], $0x800  }
0x396: {  	[sflag:s2] =	ssyncset.done $0x0  }
0x397: {  	[sflag:s2] =	ssyncadd.s32 $0xFFFFF800  }
0x398: {  	s24 =	simm.s32 $0x2070;
	_ =	strace $0x80000055  }
0x399: {  	v0 =	vld [tilespmem:s24+$0x0]  }
0x39a: {  	v1 =	vld [tilespmem:s24+$0xFFFFFFA0]  }
0x39b: {  	v2 =	vld [tilespmem:s24+$0xFFFFFFB0]  }
0x39c: {  	v3 =	vld [tilespmem:s24+$0xFFFFFFC0]  }
0x39d: {  	v4 =	vld [tilespmem:s24+$0xFFFFFFD0]  }
0x39e: {  	v6 =	vld [tilespmem:s24+$0xFFFFFFE0]  }
0x39f: {  	v7 =	vld [tilespmem:s24+$0xFFFFFFF0]  }
0x3a0: {  	v8 =	vld [tilespmem:s24+$0xFFFFFF90]  }
0x3a1: {  	v9 =	vld.idx.msk [tilespmem:v0+s25+$0x0], $0xffff  }
0x3a2: {  	v10 =	vld.idx.msk [tilespmem:v1+s25+$0x0], $0xffff  }
0x3a3: {  	v5 =	vld.idx.msk [tilespmem:v2+s25+$0x0], $0xffff  }
0x3a4: {  	v3 =	vld.idx.msk [tilespmem:v3+s25+$0x0], $0xffff  }
0x3a5: {  	v0 =	vld.idx.msk [tilespmem:v4+s25+$0x0], $0xffff  }
0x3a6: {  	s4 =	simm.s32 $0x1C740;
	v1 =	vld.idx.msk [tilespmem:v6+s25+$0x0], $0xffff  }
0x3a7: {  	v2 =	vld.idx.msk [tilespmem:v7+s25+$0x0], $0xffff;
	[tilespmem:s4+$0x30] =	vst v9  }
0x3a8: {  	s23 =	simm.s32 $0x0;
	s24 =	simm.s32 $0x20F0;
	v4 =	vld.idx.msk [tilespmem:v8+s25+$0x0], $0xffff;
	[tilespmem:s4+$0xFFFFFFD0] =	vst v10  }
.LBB2_26:
0x3a9: {  	v6 =	vld [tilespmem:s24+$0x0];
	s23 =	sadd.s32 $0x80, s23;
	[tilespmem:s4+$0xFFFFFFE0] =	vst v5  }
0x3aa: {  	v5 =	vld [tilespmem:s24+$0xFFFFFFA0];
	p0 =	slt.u32 s23, $0x780;
	[tilespmem:s4+$0xFFFFFFF0] =	vst v3  }
0x3ab: {  	v3 =	vld [tilespmem:s24+$0xFFFFFFB0];
	[tilespmem:s4+$0x0] =	vst v0  }
0x3ac: {  	v0 =	vld [tilespmem:s24+$0xFFFFFFC0];
	[tilespmem:s4+$0x10] =	vst v1  }
0x3ad: {  	v1 =	vld [tilespmem:s24+$0xFFFFFFD0];
	[tilespmem:s4+$0x20] =	vst v2  }
0x3ae: {  	v2 =	vld [tilespmem:s24+$0xFFFFFFE0];
	[tilespmem:s4+$0xFFFFFFC0] =	vst v4  }
0x3af: {  	v4 =	vld [tilespmem:s24+$0xFFFFFFF0]  }
0x3b0: {  	v7 =	vld [tilespmem:s24+$0xFFFFFF90]  }
0x3b1: {  	v6 =	vld.idx.msk [tilespmem:v6+s25+$0x0], $0xffff  }
0x3b2: {  	v8 =	vld.idx.msk [tilespmem:v5+s25+$0x0], $0xffff  }
0x3b3: {  	v5 =	vld.idx.msk [tilespmem:v3+s25+$0x0], $0xffff  }
.Ltmp12:
0x3b4: {  	v3 =	vld.idx.msk [tilespmem:v0+s25+$0x0], $0xffff;
	(pc) =	sbr.rel @p0 .LBB2_26-.Ltmp12, $4  }
0x3b5: {  	v0 =	vld.idx.msk [tilespmem:v1+s25+$0x0], $0xffff  }
0x3b6: {  	s4 =	sadd.s32 $0x200, s4;
	v1 =	vld.idx.msk [tilespmem:v2+s25+$0x0], $0xffff  }
0x3b7: {  	v2 =	vld.idx.msk [tilespmem:v4+s25+$0x0], $0xffff;
	[tilespmem:s4+$0x30] =	vst v6  }
0x3b8: {  	s24 =	sadd.s32 $0x80, s24;
	v4 =	vld.idx.msk [tilespmem:v7+s25+$0x0], $0xffff;
	[tilespmem:s4+$0xFFFFFFD0] =	vst v8  }
0x3b9: {  	[tilespmem:s4+$0xFFFFFFE0] =	vst v5  }
0x3ba: {  	[tilespmem:s4+$0xFFFFFFF0] =	vst v3  }
0x3bb: {  	[tilespmem:s4+$0x0] =	vst v0  }
0x3bc: {  	[tilespmem:s4+$0x10] =	vst v1  }
0x3bd: {  	[tilespmem:s4+$0x20] =	vst v2  }
0x3be: {  	[tilespmem:s4+$0xFFFFFFC0] =	vst v4  }
0x3bf: {  	s23 =	simm.s32 $0x1C700;
	_ =	strace $0x90000055  }
0x3c0: {  	[hbm4b:s18+s3] =	stream.linear.scatter [tilespmem:s23], [sflag:$0x1], $0x80, $0x38;
	[tilespmem:$0x1E700] =	vst v63  }
0x3c1: {  	s24 =	sadd.s32 $0x80, s18;
	s23 =	simm.s32 $0x1C900  }
0x3c2: {  	[hbm4b:s24+s3] =	stream.linear.scatter [tilespmem:s23], [sflag:$0x1], $0x80, $0x38;
	[tilespmem:$0x1E700] =	vst v63  }
0x3c3: {  	s23 =	sadd.s32 $0x100, s18;
	s24 =	simm.s32 $0x1CB00  }
0x3c4: {  	[hbm4b:s23+s3] =	stream.linear.scatter [tilespmem:s24], [sflag:$0x1], $0x80, $0x38;
	[tilespmem:$0x1E700] =	vst v63  }
0x3c5: {  	s23 =	sadd.s32 $0x180, s18;
	s24 =	simm.s32 $0x1CD00  }
0x3c6: {  	[hbm4b:s23+s3] =	stream.linear.scatter [tilespmem:s24], [sflag:$0x1], $0x80, $0x38;
	[tilespmem:$0x1E700] =	vst v63  }
0x3c7: {  	s23 =	sadd.s32 $0x200, s18;
	s24 =	simm.s32 $0x1CF00  }
0x3c8: {  	[hbm4b:s23+s3] =	stream.linear.scatter [tilespmem:s24], [sflag:$0x1], $0x80, $0x38;
	[tilespmem:$0x1E700] =	vst v63  }
0x3c9: {  	s23 =	sadd.s32 $0x280, s18;
	s24 =	simm.s32 $0x1D100  }
0x3ca: {  	[hbm4b:s23+s3] =	stream.linear.scatter [tilespmem:s24], [sflag:$0x1], $0x80, $0x38;
	[tilespmem:$0x1E700] =	vst v63  }
0x3cb: {  	s23 =	sadd.s32 $0x300, s18;
	s24 =	simm.s32 $0x1D300  }
0x3cc: {  	[hbm4b:s23+s3] =	stream.linear.scatter [tilespmem:s24], [sflag:$0x1], $0x80, $0x38;
	[tilespmem:$0x1E700] =	vst v63  }
0x3cd: {  	s23 =	sadd.s32 $0x380, s18;
	s24 =	simm.s32 $0x1D500  }
0x3ce: {  	[hbm4b:s23+s3] =	stream.linear.scatter [tilespmem:s24], [sflag:$0x1], $0x80, $0x38;
	[tilespmem:$0x1E700] =	vst v63  }
0x3cf: {  	s23 =	sadd.s32 $0x400, s18;
	s24 =	simm.s32 $0x1D700  }
0x3d0: {  	[hbm4b:s23+s3] =	stream.linear.scatter [tilespmem:s24], [sflag:$0x1], $0x80, $0x38;
	[tilespmem:$0x1E700] =	vst v63  }
0x3d1: {  	s23 =	sadd.s32 $0x480, s18;
	s24 =	simm.s32 $0x1D900  }
0x3d2: {  	[hbm4b:s23+s3] =	stream.linear.scatter [tilespmem:s24], [sflag:$0x1], $0x80, $0x38;
	[tilespmem:$0x1E700] =	vst v63  }
0x3d3: {  	s23 =	sadd.s32 $0x500, s18;
	s24 =	simm.s32 $0x1DB00  }
0x3d4: {  	[hbm4b:s23+s3] =	stream.linear.scatter [tilespmem:s24], [sflag:$0x1], $0x80, $0x38;
	[tilespmem:$0x1E700] =	vst v63  }
0x3d5: {  	s23 =	sadd.s32 $0x580, s18;
	s24 =	simm.s32 $0x1DD00  }
0x3d6: {  	[hbm4b:s23+s3] =	stream.linear.scatter [tilespmem:s24], [sflag:$0x1], $0x80, $0x38;
	[tilespmem:$0x1E700] =	vst v63  }
0x3d7: {  	s23 =	sadd.s32 $0x600, s18;
	s24 =	simm.s32 $0x1DF00  }
0x3d8: {  	[hbm4b:s23+s3] =	stream.linear.scatter [tilespmem:s24], [sflag:$0x1], $0x80, $0x38;
	[tilespmem:$0x1E700] =	vst v63  }
0x3d9: {  	s23 =	sadd.s32 $0x680, s18;
	s24 =	simm.s32 $0x1E100  }
0x3da: {  	[hbm4b:s23+s3] =	stream.linear.scatter [tilespmem:s24], [sflag:$0x1], $0x80, $0x38;
	[tilespmem:$0x1E700] =	vst v63  }
0x3db: {  	s23 =	sadd.s32 $0x700, s18;
	s24 =	simm.s32 $0x1E300  }
0x3dc: {  	[hbm4b:s23+s3] =	stream.linear.scatter [tilespmem:s24], [sflag:$0x1], $0x80, $0x38;
	[tilespmem:$0x1E700] =	vst v63  }
0x3dd: {  	s23 =	sadd.s32 $0x780, s18;
	s24 =	simm.s32 $0x1E500  }
0x3de: {  	[hbm4b:s23+s3] =	stream.linear.scatter [tilespmem:s24], [sflag:$0x1], $0x80, $0x38;
	[tilespmem:$0x1E700] =	vst v63  }
0x3df: {  	_ =	swait.ge [sflag:s2], $0x800  }
0x3e0: {  	[sflag:s2] =	ssyncset.done $0x0  }
0x3e1: {  	[sflag:s2] =	ssyncadd.s32 $0xFFFFF800  }
0x3e2: {  	s24 =	simm.s32 $0x2870;
	_ =	strace $0x80000056  }
0x3e3: {  	v0 =	vld [tilespmem:s24+$0x0]  }
0x3e4: {  	v1 =	vld [tilespmem:s24+$0xFFFFFFA0]  }
0x3e5: {  	v2 =	vld [tilespmem:s24+$0xFFFFFFB0]  }
0x3e6: {  	v3 =	vld [tilespmem:s24+$0xFFFFFFC0]  }
0x3e7: {  	v4 =	vld [tilespmem:s24+$0xFFFFFFD0]  }
0x3e8: {  	v6 =	vld [tilespmem:s24+$0xFFFFFFE0]  }
0x3e9: {  	v7 =	vld [tilespmem:s24+$0xFFFFFFF0]  }
0x3ea: {  	v8 =	vld [tilespmem:s24+$0xFFFFFF90]  }
0x3eb: {  	v9 =	vld.idx.msk [tilespmem:v0+s25+$0x0], $0xffff  }
0x3ec: {  	v10 =	vld.idx.msk [tilespmem:v1+s25+$0x0], $0xffff  }
0x3ed: {  	v5 =	vld.idx.msk [tilespmem:v2+s25+$0x0], $0xffff  }
0x3ee: {  	v3 =	vld.idx.msk [tilespmem:v3+s25+$0x0], $0xffff  }
0x3ef: {  	v0 =	vld.idx.msk [tilespmem:v4+s25+$0x0], $0xffff  }
0x3f0: {  	s4 =	simm.s32 $0x1C7F0;
	v1 =	vld.idx.msk [tilespmem:v6+s25+$0x0], $0xffff  }
0x3f1: {  	v2 =	vld.idx.msk [tilespmem:v7+s25+$0x0], $0xffff;
	[tilespmem:s4+$0x0] =	vst v9  }
0x3f2: {  	s23 =	simm.s32 $0x0;
	s24 =	simm.s32 $0x28F0;
	v4 =	vld.idx.msk [tilespmem:v8+s25+$0x0], $0xffff;
	[tilespmem:s4+$0xFFFFFFA0] =	vst v10  }
.LBB2_28:
0x3f3: {  	v6 =	vld [tilespmem:s24+$0x0];
	s23 =	sadd.s32 $0x80, s23;
	[tilespmem:s4+$0xFFFFFFB0] =	vst v5  }
0x3f4: {  	v5 =	vld [tilespmem:s24+$0xFFFFFFA0];
	p0 =	slt.u32 s23, $0x780;
	[tilespmem:s4+$0xFFFFFFC0] =	vst v3  }
0x3f5: {  	v3 =	vld [tilespmem:s24+$0xFFFFFFB0];
	[tilespmem:s4+$0xFFFFFFD0] =	vst v0  }
0x3f6: {  	v0 =	vld [tilespmem:s24+$0xFFFFFFC0];
	[tilespmem:s4+$0xFFFFFFE0] =	vst v1  }
0x3f7: {  	v1 =	vld [tilespmem:s24+$0xFFFFFFD0];
	[tilespmem:s4+$0xFFFFFFF0] =	vst v2  }
0x3f8: {  	v2 =	vld [tilespmem:s24+$0xFFFFFFE0];
	[tilespmem:s4+$0xFFFFFF90] =	vst v4  }
0x3f9: {  	v4 =	vld [tilespmem:s24+$0xFFFFFFF0]  }
0x3fa: {  	v7 =	vld [tilespmem:s24+$0xFFFFFF90]  }
0x3fb: {  	v6 =	vld.idx.msk [tilespmem:v6+s25+$0x0], $0xffff  }
0x3fc: {  	v8 =	vld.idx.msk [tilespmem:v5+s25+$0x0], $0xffff  }
0x3fd: {  	v5 =	vld.idx.msk [tilespmem:v3+s25+$0x0], $0xffff  }
.Ltmp13:
0x3fe: {  	v3 =	vld.idx.msk [tilespmem:v0+s25+$0x0], $0xffff;
	(pc) =	sbr.rel @p0 .LBB2_28-.Ltmp13, $4  }
0x3ff: {  	v0 =	vld.idx.msk [tilespmem:v1+s25+$0x0], $0xffff  }
0x400: {  	s4 =	sadd.s32 $0x200, s4;
	v1 =	vld.idx.msk [tilespmem:v2+s25+$0x0], $0xffff  }
0x401: {  	v2 =	vld.idx.msk [tilespmem:v4+s25+$0x0], $0xffff;
	[tilespmem:s4+$0x0] =	vst v6  }
0x402: {  	s24 =	sadd.s32 $0x80, s24;
	v4 =	vld.idx.msk [tilespmem:v7+s25+$0x0], $0xffff;
	[tilespmem:s4+$0xFFFFFFA0] =	vst v8  }
0x403: {  	[tilespmem:s4+$0xFFFFFFB0] =	vst v5  }
0x404: {  	[tilespmem:s4+$0xFFFFFFC0] =	vst v3  }
0x405: {  	[tilespmem:s4+$0xFFFFFFD0] =	vst v0  }
0x406: {  	[tilespmem:s4+$0xFFFFFFE0] =	vst v1  }
0x407: {  	[tilespmem:s4+$0xFFFFFFF0] =	vst v2  }
0x408: {  	[tilespmem:s4+$0xFFFFFF90] =	vst v4  }
0x409: {  	s23 =	simm.s32 $0x1C780;
	_ =	strace $0x90000056  }
0x40a: {  	[hbm4b:s19+s3] =	stream.linear.scatter [tilespmem:s23], [sflag:$0x1], $0x80, $0x38;
	[tilespmem:$0x1E700] =	vst v63  }
0x40b: {  	s24 =	sadd.s32 $0x80, s19;
	s23 =	simm.s32 $0x1C980  }
0x40c: {  	[hbm4b:s24+s3] =	stream.linear.scatter [tilespmem:s23], [sflag:$0x1], $0x80, $0x38;
	[tilespmem:$0x1E700] =	vst v63  }
0x40d: {  	s23 =	sadd.s32 $0x100, s19;
	s24 =	simm.s32 $0x1CB80  }
0x40e: {  	[hbm4b:s23+s3] =	stream.linear.scatter [tilespmem:s24], [sflag:$0x1], $0x80, $0x38;
	[tilespmem:$0x1E700] =	vst v63  }
0x40f: {  	s23 =	sadd.s32 $0x180, s19;
	s24 =	simm.s32 $0x1CD80  }
0x410: {  	[hbm4b:s23+s3] =	stream.linear.scatter [tilespmem:s24], [sflag:$0x1], $0x80, $0x38;
	[tilespmem:$0x1E700] =	vst v63  }
0x411: {  	s23 =	sadd.s32 $0x200, s19;
	s24 =	simm.s32 $0x1CF80  }
0x412: {  	[hbm4b:s23+s3] =	stream.linear.scatter [tilespmem:s24], [sflag:$0x1], $0x80, $0x38;
	[tilespmem:$0x1E700] =	vst v63  }
0x413: {  	s23 =	sadd.s32 $0x280, s19;
	s24 =	simm.s32 $0x1D180  }
0x414: {  	[hbm4b:s23+s3] =	stream.linear.scatter [tilespmem:s24], [sflag:$0x1], $0x80, $0x38;
	[tilespmem:$0x1E700] =	vst v63  }
0x415: {  	s23 =	sadd.s32 $0x300, s19;
	s24 =	simm.s32 $0x1D380  }
0x416: {  	[hbm4b:s23+s3] =	stream.linear.scatter [tilespmem:s24], [sflag:$0x1], $0x80, $0x38;
	[tilespmem:$0x1E700] =	vst v63  }
0x417: {  	s23 =	sadd.s32 $0x380, s19;
	s24 =	simm.s32 $0x1D580  }
0x418: {  	[hbm4b:s23+s3] =	stream.linear.scatter [tilespmem:s24], [sflag:$0x1], $0x80, $0x38;
	[tilespmem:$0x1E700] =	vst v63  }
0x419: {  	s23 =	sadd.s32 $0x400, s19;
	s24 =	simm.s32 $0x1D780  }
0x41a: {  	[hbm4b:s23+s3] =	stream.linear.scatter [tilespmem:s24], [sflag:$0x1], $0x80, $0x38;
	[tilespmem:$0x1E700] =	vst v63  }
0x41b: {  	s23 =	sadd.s32 $0x480, s19;
	s24 =	simm.s32 $0x1D980  }
0x41c: {  	[hbm4b:s23+s3] =	stream.linear.scatter [tilespmem:s24], [sflag:$0x1], $0x80, $0x38;
	[tilespmem:$0x1E700] =	vst v63  }
0x41d: {  	s23 =	sadd.s32 $0x500, s19;
	s24 =	simm.s32 $0x1DB80  }
0x41e: {  	[hbm4b:s23+s3] =	stream.linear.scatter [tilespmem:s24], [sflag:$0x1], $0x80, $0x38;
	[tilespmem:$0x1E700] =	vst v63  }
0x41f: {  	s23 =	sadd.s32 $0x580, s19;
	s24 =	simm.s32 $0x1DD80  }
0x420: {  	[hbm4b:s23+s3] =	stream.linear.scatter [tilespmem:s24], [sflag:$0x1], $0x80, $0x38;
	[tilespmem:$0x1E700] =	vst v63  }
0x421: {  	s23 =	sadd.s32 $0x600, s19;
	s24 =	simm.s32 $0x1DF80  }
0x422: {  	[hbm4b:s23+s3] =	stream.linear.scatter [tilespmem:s24], [sflag:$0x1], $0x80, $0x38;
	[tilespmem:$0x1E700] =	vst v63  }
0x423: {  	s23 =	sadd.s32 $0x680, s19;
	s24 =	simm.s32 $0x1E180  }
0x424: {  	[hbm4b:s23+s3] =	stream.linear.scatter [tilespmem:s24], [sflag:$0x1], $0x80, $0x38;
	[tilespmem:$0x1E700] =	vst v63  }
0x425: {  	s23 =	sadd.s32 $0x700, s19;
	s24 =	simm.s32 $0x1E380  }
0x426: {  	[hbm4b:s23+s3] =	stream.linear.scatter [tilespmem:s24], [sflag:$0x1], $0x80, $0x38;
	[tilespmem:$0x1E700] =	vst v63  }
0x427: {  	s23 =	sadd.s32 $0x780, s19;
	s24 =	simm.s32 $0x1E580  }
0x428: {  	[hbm4b:s23+s3] =	stream.linear.scatter [tilespmem:s24], [sflag:$0x1], $0x80, $0x38;
	[tilespmem:$0x1E700] =	vst v63  }
0x429: {  	_ =	swait.ge [sflag:s2], $0x800  }
0x42a: {  	[sflag:s2] =	ssyncset.done $0x0  }
0x42b: {  	[sflag:s2] =	ssyncadd.s32 $0xFFFFF800  }
0x42c: {  	s24 =	simm.s32 $0x3070;
	_ =	strace $0x80000057  }
0x42d: {  	v0 =	vld [tilespmem:s24+$0x0]  }
0x42e: {  	v1 =	vld [tilespmem:s24+$0xFFFFFFA0]  }
0x42f: {  	v2 =	vld [tilespmem:s24+$0xFFFFFFB0]  }
0x430: {  	v3 =	vld [tilespmem:s24+$0xFFFFFFC0]  }
0x431: {  	v4 =	vld [tilespmem:s24+$0xFFFFFFD0]  }
0x432: {  	v6 =	vld [tilespmem:s24+$0xFFFFFFE0]  }
0x433: {  	v7 =	vld [tilespmem:s24+$0xFFFFFFF0]  }
0x434: {  	v8 =	vld [tilespmem:s24+$0xFFFFFF90]  }
0x435: {  	v9 =	vld.idx.msk [tilespmem:v0+s25+$0x0], $0xffff  }
0x436: {  	v10 =	vld.idx.msk [tilespmem:v1+s25+$0x0], $0xffff  }
0x437: {  	v5 =	vld.idx.msk [tilespmem:v2+s25+$0x0], $0xffff  }
0x438: {  	v3 =	vld.idx.msk [tilespmem:v3+s25+$0x0], $0xffff  }
0x439: {  	v0 =	vld.idx.msk [tilespmem:v4+s25+$0x0], $0xffff  }
0x43a: {  	s4 =	simm.s32 $0x1C870;
	v1 =	vld.idx.msk [tilespmem:v6+s25+$0x0], $0xffff  }
0x43b: {  	v2 =	vld.idx.msk [tilespmem:v7+s25+$0x0], $0xffff;
	[tilespmem:s4+$0x0] =	vst v9  }
0x43c: {  	s23 =	simm.s32 $0x0;
	s24 =	simm.s32 $0x30F0;
	v4 =	vld.idx.msk [tilespmem:v8+s25+$0x0], $0xffff;
	[tilespmem:s4+$0xFFFFFFA0] =	vst v10  }
.LBB2_30:
0x43d: {  	v6 =	vld [tilespmem:s24+$0x0];
	s23 =	sadd.s32 $0x80, s23;
	[tilespmem:s4+$0xFFFFFFB0] =	vst v5  }
0x43e: {  	v5 =	vld [tilespmem:s24+$0xFFFFFFA0];
	p0 =	slt.u32 s23, $0x780;
	[tilespmem:s4+$0xFFFFFFC0] =	vst v3  }
0x43f: {  	v3 =	vld [tilespmem:s24+$0xFFFFFFB0];
	[tilespmem:s4+$0xFFFFFFD0] =	vst v0  }
0x440: {  	v0 =	vld [tilespmem:s24+$0xFFFFFFC0];
	[tilespmem:s4+$0xFFFFFFE0] =	vst v1  }
0x441: {  	v1 =	vld [tilespmem:s24+$0xFFFFFFD0];
	[tilespmem:s4+$0xFFFFFFF0] =	vst v2  }
0x442: {  	v2 =	vld [tilespmem:s24+$0xFFFFFFE0];
	[tilespmem:s4+$0xFFFFFF90] =	vst v4  }
0x443: {  	v4 =	vld [tilespmem:s24+$0xFFFFFFF0]  }
0x444: {  	v7 =	vld [tilespmem:s24+$0xFFFFFF90]  }
0x445: {  	v6 =	vld.idx.msk [tilespmem:v6+s25+$0x0], $0xffff  }
0x446: {  	v8 =	vld.idx.msk [tilespmem:v5+s25+$0x0], $0xffff  }
0x447: {  	v5 =	vld.idx.msk [tilespmem:v3+s25+$0x0], $0xffff  }
.Ltmp14:
0x448: {  	v3 =	vld.idx.msk [tilespmem:v0+s25+$0x0], $0xffff;
	(pc) =	sbr.rel @p0 .LBB2_30-.Ltmp14, $4  }
0x449: {  	v0 =	vld.idx.msk [tilespmem:v1+s25+$0x0], $0xffff  }
0x44a: {  	s4 =	sadd.s32 $0x200, s4;
	v1 =	vld.idx.msk [tilespmem:v2+s25+$0x0], $0xffff  }
0x44b: {  	v2 =	vld.idx.msk [tilespmem:v4+s25+$0x0], $0xffff;
	[tilespmem:s4+$0x0] =	vst v6  }
0x44c: {  	s24 =	sadd.s32 $0x80, s24;
	v4 =	vld.idx.msk [tilespmem:v7+s25+$0x0], $0xffff;
	[tilespmem:s4+$0xFFFFFFA0] =	vst v8  }
0x44d: {  	[tilespmem:s4+$0xFFFFFFB0] =	vst v5  }
0x44e: {  	[tilespmem:s4+$0xFFFFFFC0] =	vst v3  }
0x44f: {  	[tilespmem:s4+$0xFFFFFFD0] =	vst v0  }
0x450: {  	[tilespmem:s4+$0xFFFFFFE0] =	vst v1  }
0x451: {  	[tilespmem:s4+$0xFFFFFFF0] =	vst v2  }
0x452: {  	[tilespmem:s4+$0xFFFFFF90] =	vst v4  }
0x453: {  	s23 =	simm.s32 $0x1C800;
	_ =	strace $0x90000057  }
0x454: {  	[hbm4b:s20+s3] =	stream.linear.scatter [tilespmem:s23], [sflag:$0x1], $0x80, $0x38;
	[tilespmem:$0x1E700] =	vst v63  }
0x455: {  	s24 =	sadd.s32 $0x80, s20;
	s23 =	simm.s32 $0x1CA00  }
0x456: {  	[hbm4b:s24+s3] =	stream.linear.scatter [tilespmem:s23], [sflag:$0x1], $0x80, $0x38;
	[tilespmem:$0x1E700] =	vst v63  }
0x457: {  	s23 =	sadd.s32 $0x100, s20;
	s24 =	simm.s32 $0x1CC00  }
0x458: {  	[hbm4b:s23+s3] =	stream.linear.scatter [tilespmem:s24], [sflag:$0x1], $0x80, $0x38;
	[tilespmem:$0x1E700] =	vst v63  }
0x459: {  	s23 =	sadd.s32 $0x180, s20;
	s24 =	simm.s32 $0x1CE00  }
0x45a: {  	[hbm4b:s23+s3] =	stream.linear.scatter [tilespmem:s24], [sflag:$0x1], $0x80, $0x38;
	[tilespmem:$0x1E700] =	vst v63  }
0x45b: {  	s23 =	sadd.s32 $0x200, s20;
	s24 =	simm.s32 $0x1D000  }
0x45c: {  	[hbm4b:s23+s3] =	stream.linear.scatter [tilespmem:s24], [sflag:$0x1], $0x80, $0x38;
	[tilespmem:$0x1E700] =	vst v63  }
0x45d: {  	s23 =	sadd.s32 $0x280, s20;
	s24 =	simm.s32 $0x1D200  }
0x45e: {  	[hbm4b:s23+s3] =	stream.linear.scatter [tilespmem:s24], [sflag:$0x1], $0x80, $0x38;
	[tilespmem:$0x1E700] =	vst v63  }
0x45f: {  	s23 =	sadd.s32 $0x300, s20;
	s24 =	simm.s32 $0x1D400  }
0x460: {  	[hbm4b:s23+s3] =	stream.linear.scatter [tilespmem:s24], [sflag:$0x1], $0x80, $0x38;
	[tilespmem:$0x1E700] =	vst v63  }
0x461: {  	s23 =	sadd.s32 $0x380, s20;
	s24 =	simm.s32 $0x1D600  }
0x462: {  	[hbm4b:s23+s3] =	stream.linear.scatter [tilespmem:s24], [sflag:$0x1], $0x80, $0x38;
	[tilespmem:$0x1E700] =	vst v63  }
0x463: {  	s23 =	sadd.s32 $0x400, s20;
	s24 =	simm.s32 $0x1D800  }
0x464: {  	[hbm4b:s23+s3] =	stream.linear.scatter [tilespmem:s24], [sflag:$0x1], $0x80, $0x38;
	[tilespmem:$0x1E700] =	vst v63  }
0x465: {  	s23 =	sadd.s32 $0x480, s20;
	s24 =	simm.s32 $0x1DA00  }
0x466: {  	[hbm4b:s23+s3] =	stream.linear.scatter [tilespmem:s24], [sflag:$0x1], $0x80, $0x38;
	[tilespmem:$0x1E700] =	vst v63  }
0x467: {  	s23 =	sadd.s32 $0x500, s20;
	s24 =	simm.s32 $0x1DC00  }
0x468: {  	[hbm4b:s23+s3] =	stream.linear.scatter [tilespmem:s24], [sflag:$0x1], $0x80, $0x38;
	[tilespmem:$0x1E700] =	vst v63  }
0x469: {  	s23 =	sadd.s32 $0x580, s20;
	s24 =	simm.s32 $0x1DE00  }
0x46a: {  	[hbm4b:s23+s3] =	stream.linear.scatter [tilespmem:s24], [sflag:$0x1], $0x80, $0x38;
	[tilespmem:$0x1E700] =	vst v63  }
0x46b: {  	s23 =	sadd.s32 $0x600, s20;
	s24 =	simm.s32 $0x1E000  }
0x46c: {  	[hbm4b:s23+s3] =	stream.linear.scatter [tilespmem:s24], [sflag:$0x1], $0x80, $0x38;
	[tilespmem:$0x1E700] =	vst v63  }
0x46d: {  	s23 =	sadd.s32 $0x680, s20;
	s24 =	simm.s32 $0x1E200  }
0x46e: {  	[hbm4b:s23+s3] =	stream.linear.scatter [tilespmem:s24], [sflag:$0x1], $0x80, $0x38;
	[tilespmem:$0x1E700] =	vst v63  }
0x46f: {  	s23 =	sadd.s32 $0x700, s20;
	s24 =	simm.s32 $0x1E400  }
0x470: {  	[hbm4b:s23+s3] =	stream.linear.scatter [tilespmem:s24], [sflag:$0x1], $0x80, $0x38;
	[tilespmem:$0x1E700] =	vst v63  }
0x471: {  	s23 =	sadd.s32 $0x780, s20;
	s24 =	simm.s32 $0x1E600  }
0x472: {  	[hbm4b:s23+s3] =	stream.linear.scatter [tilespmem:s24], [sflag:$0x1], $0x80, $0x38;
	[tilespmem:$0x1E700] =	vst v63  }
0x473: {  	_ =	swait.ge [sflag:s2], $0x800  }
0x474: {  	[sflag:s2] =	ssyncset.done $0x0  }
0x475: {  	[sflag:s2] =	ssyncadd.s32 $0xFFFFF800  }
0x476: {  	s24 =	simm.s32 $0x3870;
	_ =	strace $0x80000058  }
0x477: {  	v0 =	vld [tilespmem:s24+$0x0]  }
0x478: {  	v1 =	vld [tilespmem:s24+$0xFFFFFFA0]  }
0x479: {  	v2 =	vld [tilespmem:s24+$0xFFFFFFB0]  }
0x47a: {  	v3 =	vld [tilespmem:s24+$0xFFFFFFC0]  }
0x47b: {  	v4 =	vld [tilespmem:s24+$0xFFFFFFD0]  }
0x47c: {  	v6 =	vld [tilespmem:s24+$0xFFFFFFE0]  }
0x47d: {  	v7 =	vld [tilespmem:s24+$0xFFFFFFF0]  }
0x47e: {  	v8 =	vld [tilespmem:s24+$0xFFFFFF90]  }
0x47f: {  	v9 =	vld.idx.msk [tilespmem:v0+s25+$0x0], $0xffff  }
0x480: {  	v10 =	vld.idx.msk [tilespmem:v1+s25+$0x0], $0xffff  }
0x481: {  	v5 =	vld.idx.msk [tilespmem:v2+s25+$0x0], $0xffff  }
0x482: {  	v3 =	vld.idx.msk [tilespmem:v3+s25+$0x0], $0xffff  }
0x483: {  	v0 =	vld.idx.msk [tilespmem:v4+s25+$0x0], $0xffff  }
0x484: {  	s4 =	simm.s32 $0x1C8F0;
	v1 =	vld.idx.msk [tilespmem:v6+s25+$0x0], $0xffff  }
0x485: {  	v2 =	vld.idx.msk [tilespmem:v7+s25+$0x0], $0xffff;
	[tilespmem:s4+$0x0] =	vst v9  }
0x486: {  	s23 =	simm.s32 $0x0;
	s24 =	simm.s32 $0x38F0;
	v4 =	vld.idx.msk [tilespmem:v8+s25+$0x0], $0xffff;
	[tilespmem:s4+$0xFFFFFFA0] =	vst v10  }
.LBB2_32:
0x487: {  	v6 =	vld [tilespmem:s24+$0x0];
	s23 =	sadd.s32 $0x80, s23;
	[tilespmem:s4+$0xFFFFFFB0] =	vst v5  }
0x488: {  	v5 =	vld [tilespmem:s24+$0xFFFFFFA0];
	p0 =	slt.u32 s23, $0x780;
	[tilespmem:s4+$0xFFFFFFC0] =	vst v3  }
0x489: {  	v3 =	vld [tilespmem:s24+$0xFFFFFFB0];
	[tilespmem:s4+$0xFFFFFFD0] =	vst v0  }
0x48a: {  	v0 =	vld [tilespmem:s24+$0xFFFFFFC0];
	[tilespmem:s4+$0xFFFFFFE0] =	vst v1  }
0x48b: {  	v1 =	vld [tilespmem:s24+$0xFFFFFFD0];
	[tilespmem:s4+$0xFFFFFFF0] =	vst v2  }
0x48c: {  	v2 =	vld [tilespmem:s24+$0xFFFFFFE0];
	[tilespmem:s4+$0xFFFFFF90] =	vst v4  }
0x48d: {  	v4 =	vld [tilespmem:s24+$0xFFFFFFF0]  }
0x48e: {  	v7 =	vld [tilespmem:s24+$0xFFFFFF90]  }
0x48f: {  	v6 =	vld.idx.msk [tilespmem:v6+s25+$0x0], $0xffff  }
0x490: {  	v8 =	vld.idx.msk [tilespmem:v5+s25+$0x0], $0xffff  }
0x491: {  	v5 =	vld.idx.msk [tilespmem:v3+s25+$0x0], $0xffff  }
.Ltmp15:
0x492: {  	v3 =	vld.idx.msk [tilespmem:v0+s25+$0x0], $0xffff;
	(pc) =	sbr.rel @p0 .LBB2_32-.Ltmp15, $4  }
0x493: {  	v0 =	vld.idx.msk [tilespmem:v1+s25+$0x0], $0xffff  }
0x494: {  	s4 =	sadd.s32 $0x200, s4;
	v1 =	vld.idx.msk [tilespmem:v2+s25+$0x0], $0xffff  }
0x495: {  	v2 =	vld.idx.msk [tilespmem:v4+s25+$0x0], $0xffff;
	[tilespmem:s4+$0x0] =	vst v6  }
0x496: {  	s24 =	sadd.s32 $0x80, s24;
	v4 =	vld.idx.msk [tilespmem:v7+s25+$0x0], $0xffff;
	[tilespmem:s4+$0xFFFFFFA0] =	vst v8  }
0x497: {  	[tilespmem:s4+$0xFFFFFFB0] =	vst v5  }
0x498: {  	[tilespmem:s4+$0xFFFFFFC0] =	vst v3  }
0x499: {  	[tilespmem:s4+$0xFFFFFFD0] =	vst v0  }
0x49a: {  	[tilespmem:s4+$0xFFFFFFE0] =	vst v1  }
0x49b: {  	[tilespmem:s4+$0xFFFFFFF0] =	vst v2  }
0x49c: {  	[tilespmem:s4+$0xFFFFFF90] =	vst v4  }
0x49d: {  	s23 =	simm.s32 $0x1C880;
	_ =	strace $0x90000058  }
0x49e: {  	[hbm4b:s21+s3] =	stream.linear.scatter [tilespmem:s23], [sflag:$0x1], $0x80, $0x38;
	[tilespmem:$0x1E700] =	vst v63  }
0x49f: {  	s24 =	sadd.s32 $0x80, s21;
	s23 =	simm.s32 $0x1CA80  }
0x4a0: {  	[hbm4b:s24+s3] =	stream.linear.scatter [tilespmem:s23], [sflag:$0x1], $0x80, $0x38;
	[tilespmem:$0x1E700] =	vst v63  }
0x4a1: {  	s23 =	sadd.s32 $0x100, s21;
	s24 =	simm.s32 $0x1CC80  }
0x4a2: {  	[hbm4b:s23+s3] =	stream.linear.scatter [tilespmem:s24], [sflag:$0x1], $0x80, $0x38;
	[tilespmem:$0x1E700] =	vst v63  }
0x4a3: {  	s23 =	sadd.s32 $0x180, s21;
	s24 =	simm.s32 $0x1CE80  }
0x4a4: {  	[hbm4b:s23+s3] =	stream.linear.scatter [tilespmem:s24], [sflag:$0x1], $0x80, $0x38;
	[tilespmem:$0x1E700] =	vst v63  }
0x4a5: {  	s23 =	sadd.s32 $0x200, s21;
	s24 =	simm.s32 $0x1D080  }
0x4a6: {  	[hbm4b:s23+s3] =	stream.linear.scatter [tilespmem:s24], [sflag:$0x1], $0x80, $0x38;
	[tilespmem:$0x1E700] =	vst v63  }
0x4a7: {  	s23 =	sadd.s32 $0x280, s21;
	s24 =	simm.s32 $0x1D280  }
0x4a8: {  	[hbm4b:s23+s3] =	stream.linear.scatter [tilespmem:s24], [sflag:$0x1], $0x80, $0x38;
	[tilespmem:$0x1E700] =	vst v63  }
0x4a9: {  	s23 =	sadd.s32 $0x300, s21;
	s24 =	simm.s32 $0x1D480  }
0x4aa: {  	[hbm4b:s23+s3] =	stream.linear.scatter [tilespmem:s24], [sflag:$0x1], $0x80, $0x38;
	[tilespmem:$0x1E700] =	vst v63  }
0x4ab: {  	s23 =	sadd.s32 $0x380, s21;
	s24 =	simm.s32 $0x1D680  }
0x4ac: {  	[hbm4b:s23+s3] =	stream.linear.scatter [tilespmem:s24], [sflag:$0x1], $0x80, $0x38;
	[tilespmem:$0x1E700] =	vst v63  }
0x4ad: {  	s23 =	sadd.s32 $0x400, s21;
	s24 =	simm.s32 $0x1D880  }
0x4ae: {  	[hbm4b:s23+s3] =	stream.linear.scatter [tilespmem:s24], [sflag:$0x1], $0x80, $0x38;
	[tilespmem:$0x1E700] =	vst v63  }
0x4af: {  	s23 =	sadd.s32 $0x480, s21  }
0x4b0: {  	[hbm4b:s23+s3] =	stream.linear.scatter [tilespmem:s13], [sflag:$0x1], $0x80, $0x38;
	[tilespmem:$0x1E700] =	vst v63  }
0x4b1: {  	s24 =	sadd.s32 $0x500, s21  }
0x4b2: {  	[hbm4b:s24+s3] =	stream.linear.scatter [tilespmem:s22], [sflag:$0x1], $0x80, $0x38;
	[tilespmem:$0x1E700] =	vst v63  }
0x4b3: {  	s23 =	sadd.s32 $0x580, s21  }
0x4b4: {  	[hbm4b:s23+s3] =	stream.linear.scatter [tilespmem:s28], [sflag:$0x1], $0x80, $0x38;
	[tilespmem:$0x1E700] =	vst v63  }
0x4b5: {  	s24 =	sadd.s32 $0x600, s21  }
0x4b6: {  	[hbm4b:s24+s3] =	stream.linear.scatter [tilespmem:s29], [sflag:$0x1], $0x80, $0x38;
	[tilespmem:$0x1E700] =	vst v63  }
0x4b7: {  	s23 =	sadd.s32 $0x680, s21  }
0x4b8: {  	[hbm4b:s23+s3] =	stream.linear.scatter [tilespmem:s30], [sflag:$0x1], $0x80, $0x38;
	[tilespmem:$0x1E700] =	vst v63  }
0x4b9: {  	s24 =	sadd.s32 $0x700, s21  }
0x4ba: {  	[hbm4b:s24+s3] =	stream.linear.scatter [tilespmem:s31], [sflag:$0x1], $0x80, $0x38;
	[tilespmem:$0x1E700] =	vst v63  }
0x4bb: {  	s23 =	sadd.s32 $0x780, s21  }
0x4bc: {  	[hbm4b:s23+s3] =	stream.linear.scatter [tilespmem:s0], [sflag:$0x1], $0x80, $0x38;
	[tilespmem:$0x1E700] =	vst v63  }
0x4bd: {  	_ =	swait.ge [sflag:s2], $0x800  }
0x4be: {  	[sflag:s2] =	ssyncset.done $0x0  }
0x4bf: {  	[sflag:s2] =	ssyncadd.s32 $0xFFFFF800  }
0x4c0: {  	_ =	swait.ge [sflag:s2], $0x800  }
0x4c1: {  	[sflag:s2] =	ssyncset.done $0x0  }
0x4c2: {  	[sflag:s2] =	ssyncadd.s32 $0xFFFFF800  }
0x4c3: {  	_ =	swait.ge [sflag:s2], $0x800  }
0x4c4: {  	[sflag:s2] =	ssyncset.done $0x0  }
0x4c5: {  	[sflag:s2] =	ssyncadd.s32 $0xFFFFF800  }
0x4c6: {  	_ =	swait.ge [sflag:s2], $0x800  }
0x4c7: {  	s1 =	sadd.s32 $0x1, s1;
	s24 =	rddreg [dreg:$0x6]  }
0x4c8: {  	p0 =	sne.s32 s1, s24  }
.Ltmp16:
0x4c9: {  	_ = 	snop;
	(pc) =	sbr.rel @p0 .LBB2_1-.Ltmp16, $3  }
0x4ca: {  	_ =	sdelay $0x1  }
0x4cb: {  	[sflag:s2] =	ssyncset.done $0x0  }
0x4cc: {  	[sflag:s2] =	ssyncadd.s32 $0xFFFFF800  }
0x4cd: {  	_ =	sfence.sel $0x180000  }
0x4ce: {  	[bflag:$0x0] =	sbarrier.arrive $0xFFFF  }
0x4cf: {  	_ =	strace $0x90000047  }
0x4d0: {  	s0 =	stileid.u32;
	[bflag:$0x2] =	sbarrier.arrive $0xFFFF  }
0x4d1: {  	p0 =	sne.s32 s0, $0x0;
	s0 =	rddreg [dreg:$0x3]  }
0x4d2: {  	s0 =	sadd.s32 @!p0 $0x100000, s0  }
0x4d3: {  	[sflag:s0] =	ssyncadd.tile.s32 @!p0 $0x1;
	_ =	shalt  }
.Lfunc_end2:
_tile_overlayer_lowered:
.L_overlay_start_2:
0x4d4: {  	(tag) =	ssettag $0x2  }
0x4d5: {  	s0 =	rddreg [dreg:$0x0];
	s2 =	stileid.u32  }
0x4d6: {  	s1 =	rddreg [dreg:$0x1];
	p0 =	sne.s32 s2, $0x0  }
0x4d7: {  	s3 =	rddreg [dreg:$0x2];
	[bflag:$0x3] =	sbarrier.arrive $0xFFFF;
	s2 =	simm.s32 @!p0 $0x1C03  }
0x4d8: {  	[timem:s3], [sflag:s2] =	dma.local @!p0 [hbm:s0], s1  }
0x4d9: {  	s0 =	simm.s32 @!p0 $0x3  }
0x4da: {  	_ =	swait.ge @!p0 [sflag:s0], s1  }
0x4db: {  	s1 =	ssub.s32 @!p0 $0x0, s1;
	[sflag:s0] =	ssyncset.done @!p0 $0x0  }
0x4dc: {  	[sflag:s0] =	ssyncadd.s32 @!p0 s1  }
0x4dd: {  	[bflag:$0x3] =	sbarrier.arrive $0xFFFF  }
0x4de: {  	_ =	shalt  }

</sc_bundles>
